<compile_context>
chip_gen: v7x
topology: tpu7x:2x2x1
jax: 0.10.2.dev20260603
libtpu: 0.0.44.dev20260713+nightly
codegen_flags: <defaults>
</compile_context>

<pallas_src>
import functools

import jax
import jax.numpy as jnp
from jax import lax
from jax.experimental import pallas as pl
from jax.experimental.pallas import tpu as pltpu
from jax.experimental.pallas import tpu_sc as plsc

N = 10000
E = 320000
D = 128
G = 64
EPS = 1e-5
BNS = 1.0 / (1.0 + EPS) ** 0.5

NC = 2
NS = 16
NW = NC * NS
EPW = E // NW
CH = 80
NCH = EPW // CH
N2 = 10240
NPT = N2 // NS



@functools.lru_cache(maxsize=1)
def _sc_kernels():
    mesh = plsc.VectorSubcoreMesh(core_axis_name="c", subcore_axis_name="s",
                                  num_cores=NC, num_subcores=NS)

    @functools.partial(
        pl.kernel,
        out_type=jax.ShapeDtypeStruct((NC, N2), jnp.float32),
        mesh=mesh,
        compiler_params=pltpu.CompilerParams(has_side_effects=True),
        scratch_types=[
            pltpu.VMEM_SHARED((N2,), jnp.float32),
            pltpu.VMEM((NCH, CH), jnp.int32),
            pltpu.VMEM((CH,), jnp.float32),
            pltpu.VMEM((NPT,), jnp.float32),
        ],
    )
    def deg_sc(dst3, ones_h, out, dsh, dstc, onesv, zv):
        c = lax.axis_index("c")
        s = lax.axis_index("s")
        w = s * NC + c

        def zb(i, _):
            zv[pl.ds(i * 16, 16)] = jnp.zeros((16,), jnp.float32)
            return 0
        lax.fori_loop(0, NPT // 16, zb, 0)
        pltpu.sync_copy(zv, dsh.at[pl.ds(s * NPT, NPT)])
        pltpu.sync_copy(ones_h, onesv)
        pltpu.sync_copy(dst3.at[w], dstc)
        plsc.subcore_barrier()

        def body(i, _):
            pltpu.sync_copy(onesv, dsh.at[dstc.at[i]], add=True)
            return 0
        lax.fori_loop(0, NCH, body, 0)
        plsc.subcore_barrier()
        pltpu.sync_copy(dsh.at[pl.ds(s * NPT, NPT)],
                        out.at[c, pl.ds(s * NPT, NPT)])

    @functools.partial(
        pl.kernel,
        out_type=jax.ShapeDtypeStruct((NC, N2, D), jnp.float32),
        mesh=mesh,
        compiler_params=pltpu.CompilerParams(has_side_effects=True),
        scratch_types=[
            pltpu.VMEM_SHARED((N2, D), jnp.float32),
            pltpu.VMEM((EPW,), jnp.int32),
            pltpu.VMEM((NCH, CH), jnp.int32),
            pltpu.VMEM((CH, D), jnp.float32),
            pltpu.VMEM((CH, D), jnp.float32),
            pltpu.SemaphoreType.DMA,
            pltpu.SemaphoreType.DMA,
        ],
    )
    def spmm_sc(u, src2, dst3, out, acc, srcc, dstc, rows0, rows1,
                sem0, sem1):
        c = lax.axis_index("c")
        s = lax.axis_index("s")
        w = s * NC + c

        pltpu.sync_copy(u.at[pl.ds(s * NPT, NPT)], acc.at[pl.ds(s * NPT, NPT)])
        pltpu.sync_copy(src2.at[w], srcc)
        pltpu.sync_copy(dst3.at[w], dstc)
        plsc.subcore_barrier()

        def sidx(i):
            return srcc.at[pl.ds(i * CH, CH)]

        pltpu.async_copy(u.at[sidx(0)], rows0, sem0)

        def body(j, _):
            i0 = 2 * j
            g1 = pltpu.async_copy(u.at[sidx(i0 + 1)], rows1, sem1)
            pltpu.make_async_copy(u.at[sidx(i0)], rows0, sem0).wait()
            pltpu.sync_copy(rows0, acc.at[dstc.at[i0]], add=True)
            pltpu.async_copy(u.at[sidx(i0 + 2)], rows0, sem0)
            g1.wait()
            pltpu.sync_copy(rows1, acc.at[dstc.at[i0 + 1]], add=True)
            return 0
        lax.fori_loop(0, (NCH - 1) // 2, body, 0)
        pltpu.make_async_copy(u.at[sidx(NCH - 1)], rows0, sem0).wait()
        pltpu.sync_copy(rows0, acc.at[dstc.at[NCH - 1]], add=True)

        plsc.subcore_barrier()
        pltpu.sync_copy(acc.at[pl.ds(s * NPT, NPT)],
                        out.at[c, pl.ds(s * NPT, NPT)])

    return deg_sc, spmm_sc


def _deg_sc(dst3, ones_h):
    return _sc_kernels()[0](dst3, ones_h)


def _spmm_sc(u, src3, dst3):
    return _sc_kernels()[1](u, src3, dst3)



BT = 1024
NB = N2 // BT

_full = pl.BlockSpec((1, D), lambda i: (0, 0))
_rows = pl.BlockSpec((BT, D), lambda i: (i, 0))
_wmat = pl.BlockSpec((D, D), lambda i: (0, 0))
_col = pl.BlockSpec((BT, 1), lambda i: (i, 0))
_pblk = pl.BlockSpec((NC, BT, D), lambda i: (0, i, 0))


def _mm_scale_body(x_ref, w_ref, dp_ref, dinv_ref, u_ref):
    dv = lax.rsqrt(1.0 + dp_ref[0] + dp_ref[1])
    dinv_ref[...] = dv
    u_ref[...] = jnp.dot(x_ref[...], w_ref[...],
                         preferred_element_type=jnp.float32) * dv


def _mm_scale(x, w, degpart):
    return pl.pallas_call(
        _mm_scale_body,
        grid=(NB,),
        in_specs=[_rows, _wmat, pl.BlockSpec((NC, BT, 1), lambda i: (0, i, 0))],
        out_specs=(_col, _rows),
        out_shape=(jax.ShapeDtypeStruct((N2, 1), jnp.float32),
                   jax.ShapeDtypeStruct((N2, D), jnp.float32)),
    )(x, w, degpart)


def _post_body(p_ref, u_ref, dinv_ref, b_ref, g_ref, be_ref, w_ref, id_ref,
               h_ref, un_ref, *, relu, residual):
    dv = dinv_ref[...]
    z = dv * (p_ref[0] + p_ref[1] - u_ref[...]) + b_ref[...]
    z = z * BNS * g_ref[...] + be_ref[...]
    if relu:
        z = jnp.maximum(z, 0.0)
    if residual:
        z = z + id_ref[...]
    h_ref[...] = z
    un_ref[...] = jnp.dot(z, w_ref[...],
                          preferred_element_type=jnp.float32) * dv


def _layer_post(p, u, dinv, b, g, be, w_next, identity, relu, residual):
    body = functools.partial(_post_body, relu=relu, residual=residual)
    return pl.pallas_call(
        body,
        grid=(NB,),
        in_specs=[_pblk, _rows, _col, _full, _full, _full, _wmat, _rows],
        out_specs=(_rows, _rows),
        out_shape=(jax.ShapeDtypeStruct((N2, D), jnp.float32),
                   jax.ShapeDtypeStruct((N2, D), jnp.float32)),
    )(p, u, dinv, b, g, be, w_next, identity)


def _final_body(p_ref, u_ref, dinv_ref, b_ref, g_ref, be_ref, batch_ref,
                h_ref, gemb_ref, sums, counts):
    i = pl.program_id(0)
    dv = dinv_ref[...]
    z = dv * (p_ref[0] + p_ref[1] - u_ref[...]) + b_ref[...]
    h = z * BNS * g_ref[...] + be_ref[...]
    h_ref[...] = h
    bid = batch_ref[...]
    gids = lax.broadcasted_iota(jnp.int32, (BT, G), 1)
    m = (bid == gids).astype(jnp.float32)
    dn = (((0,), (0,)), ((), ()))
    ps = lax.dot_general(m, h, dn, preferred_element_type=jnp.float32)
    pc = lax.dot_general(m, jnp.ones((BT, D), jnp.float32), dn,
                         preferred_element_type=jnp.float32)

    @pl.when(i == 0)
    def _():
        sums[...] = ps
        counts[...] = pc

    @pl.when(i > 0)
    def _():
        sums[...] += ps
        counts[...] += pc

    @pl.when(i == NB - 1)
    def _():
        gemb_ref[...] = sums[...] / jnp.maximum(counts[...], 1.0)


def _final_layer(p, u, dinv, b, g, be, batch2d):
    return pl.pallas_call(
        _final_body,
        grid=(NB,),
        in_specs=[_pblk, _rows, _col, _full, _full, _full,
                  pl.BlockSpec((BT, 1), lambda i: (i, 0))],
        out_specs=(_rows, pl.BlockSpec((G, D), lambda i: (0, 0))),
        out_shape=(jax.ShapeDtypeStruct((N2, D), jnp.float32),
                   jax.ShapeDtypeStruct((G, D), jnp.float32)),
        scratch_shapes=[pltpu.VMEM((G, D), jnp.float32),
                        pltpu.VMEM((G, D), jnp.float32)],
    )(p, u, dinv, b, g, be, batch2d)



def kernel(x, edge_index, batch, W_in, b_in, g_in, be_in, W1, b1, g1, be1,
           W2, b2, g2, be2, W_out, b_out, g_out, be_out):
    src = edge_index[0].astype(jnp.int32).reshape(NW, EPW)
    dst = edge_index[1].astype(jnp.int32).reshape(NW, NCH, CH)
    batch2d = jnp.pad(batch.astype(jnp.int32), (0, N2 - N),
                      constant_values=G).reshape(N2, 1)
    xp = jnp.pad(x, ((0, N2 - N), (0, 0)))
    ones_ch = jnp.ones((CH,), jnp.float32)

    degpart = _deg_sc(dst, ones_ch).reshape(NC, N2, 1)
    dinv, u = _mm_scale(xp, W_in, degpart)

    b_in2, g_in2, be_in2 = (a.reshape(1, D) for a in (b_in, g_in, be_in))
    b12, g12, be12 = (a.reshape(1, D) for a in (b1, g1, be1))
    b22, g22, be22 = (a.reshape(1, D) for a in (b2, g2, be2))
    b_o2, g_o2, be_o2 = (a.reshape(1, D) for a in (b_out, g_out, be_out))

    zero_id = u

    p = _spmm_sc(u, src, dst)
    h1, u = _layer_post(p, u, dinv, b_in2, g_in2, be_in2, W1, zero_id,
                        relu=True, residual=False)
    p = _spmm_sc(u, src, dst)
    h2, u = _layer_post(p, u, dinv, b12, g12, be12, W2, h1,
                        relu=True, residual=True)
    p = _spmm_sc(u, src, dst)
    h3, u = _layer_post(p, u, dinv, b22, g22, be22, W_out, h2,
                        relu=True, residual=True)
    p = _spmm_sc(u, src, dst)
    h4, graph_embedding = _final_layer(
        p, u, dinv, b_o2, g_o2, be_o2, batch2d)
    return (h4[:N], graph_embedding)

# --- scband reference (transcript-rebuilt; emitter-appended) ---
"""Pipeline reference for scband-cfggnn-v2-78477642432716 (READ-ONLY COPY).

The authoritative reference and input builder live on the scoring server;
editing this copy changes nothing except your own understanding.
"""

import jax, jax.numpy as jnp
import numpy as np

N = 10000
E = 320000
D = 128
G = 64
EPS = 1e-5


def gcn_conv(x, src, dst, W, b, num_nodes):
    # GCNConv with add_self_loops=True, symmetric normalization
    loop = jnp.arange(num_nodes, dtype=src.dtype)
    src2 = jnp.concatenate([src, loop])
    dst2 = jnp.concatenate([dst, loop])
    deg = jnp.zeros((num_nodes,), x.dtype).at[dst2].add(1.0)
    dinv = 1.0 / jnp.sqrt(jnp.clip(deg, 1.0))
    h = x @ W
    norm = dinv[src2] * dinv[dst2]
    msgs = h[src2] * norm[:, None]
    out = jnp.zeros((num_nodes, W.shape[1]), x.dtype).at[dst2].add(msgs)
    return out + b


def bn_eval(x, gamma, beta):
    # eval-mode BatchNorm1d with default running stats (mean=0, var=1)
    return x / jnp.sqrt(1.0 + EPS) * gamma + beta


def setup_inputs(seed: int = 0) -> dict:
    key = jax.random.key(seed)
    ks = jax.random.split(key, 12)
    x = jax.random.normal(ks[0], (N, D), dtype=jnp.float32)
    edge_index = jax.random.randint(ks[1], (2, E), 0, N, dtype=jnp.int64)
    batch = jnp.sort(jax.random.randint(ks[2], (N,), 0, G, dtype=jnp.int64))
    def w(k, i, o):
        return jax.random.normal(k, (i, o), dtype=jnp.float32) * 0.05
    params = {
        'W_in': w(ks[3], D, D), 'b_in': jnp.zeros((D,), jnp.float32),
        'g_in': jnp.ones((D,), jnp.float32), 'be_in': jnp.zeros((D,), jnp.float32),
        'W1': w(ks[4], D, D), 'b1': jnp.zeros((D,), jnp.float32),
        'g1': jnp.ones((D,), jnp.float32), 'be1': jnp.zeros((D,), jnp.float32),
        'W2': w(ks[5], D, D), 'b2': jnp.zeros((D,), jnp.float32),
        'g2': jnp.ones((D,), jnp.float32), 'be2': jnp.zeros((D,), jnp.float32),
        'W_out': w(ks[6], D, D), 'b_out': jnp.zeros((D,), jnp.float32),
        'g_out': jnp.ones((D,), jnp.float32), 'be_out': jnp.zeros((D,), jnp.float32),
    }
    return {'x': x, 'edge_index': edge_index, 'batch': batch, **params}


def reference(x, edge_index, batch, W_in, b_in, g_in, be_in, W1, b1, g1, be1, W2, b2, g2, be2, W_out, b_out, g_out, be_out):
    src, dst = edge_index[0], edge_index[1]
    h = gcn_conv(x, src, dst, W_in, b_in, N)
    h = jax.nn.relu(bn_eval(h, g_in, be_in))
    # middle residual layers (num_layers - 2 = 2)
    for (W, b, g, be) in ((W1, b1, g1, be1), (W2, b2, g2, be2)):
        identity = h
        h = gcn_conv(h, src, dst, W, b, N)
        h = jax.nn.relu(bn_eval(h, g, be))
        h = h + identity
    h = gcn_conv(h, src, dst, W_out, b_out, N)
    h = bn_eval(h, g_out, be_out)
    node_embeddings = h
    # global_mean_pool
    sums = jax.ops.segment_sum(h, batch, num_segments=G)
    counts = jax.ops.segment_sum(jnp.ones((N,), h.dtype), batch, num_segments=G)
    graph_embedding = sums / jnp.clip(counts, 1.0)[:, None]
    return (node_embeddings, graph_embedding)

if __name__ == "__main__":
    import jax
    _d = setup_inputs()
    print(jax.jit(kernel)(*tuple(_d.values())))

</pallas_src>

<mosaic_0001>
#map = affine_map<(d0, d1) -> (0, 0)>
#map1 = affine_map<(d0, d1) -> (0, 0, 0)>
module attributes {stable_mosaic.version = 14 : i64} {
  func.func @spmm_sc(%arg0: i32, %arg1: i32, %arg2: memref<10240x128xf32, #tpu.memory_space<hbm>>, %arg3: memref<32x10000xi32, #tpu.memory_space<hbm>>, %arg4: memref<32x125x80xi32, #tpu.memory_space<hbm>>, %arg5: memref<2x10240x128xf32, #tpu.memory_space<hbm>>, %arg6: memref<10240x128xf32, #tpu.memory_space<vmem_shared>>, %arg7: memref<10000xi32, #tpu.memory_space<vmem>>, %arg8: memref<125x80xi32, #tpu.memory_space<vmem>>, %arg9: memref<80x128xf32, #tpu.memory_space<vmem>>, %arg10: memref<80x128xf32, #tpu.memory_space<vmem>>, %arg11: memref<!tpu.dma_semaphore, #tpu.memory_space<semaphore_mem>>, %arg12: memref<!tpu.dma_semaphore, #tpu.memory_space<semaphore_mem>>) attributes {dimension_semantics = [#tpu.dimension_semantics<core_parallel>, #tpu.dimension_semantics<subcore_parallel>], iteration_bounds = array<i64: 2, 16>, scalar_prefetch = 0 : i64, scratch_operands = 7 : i64, tpu.core_type = #tpu.core_type<sc_vector_subcore>, window_params = [{transform_indices = #map}, {transform_indices = #map}, {transform_indices = #map1}, {transform_indices = #map1}]} {
    %mul3A = arith.constant 2 : i32
    %mul3A_0 = arith.muli %arg1, %mul3A : i32
    %add3A = arith.addi %mul3A_0, %arg0 : i32
    %mul3A_1 = arith.constant 640 : i32
    %mul3A_2 = arith.muli %arg1, %mul3A_1 : i32
    %mul3A_3 = arith.constant 640 : i32
    %mul3A_4 = arith.muli %arg1, %mul3A_3 : i32
    "tpu.region"() ({
      %run_scoped3A_24 = tpu.sem_alloc : memref<!tpu.dma_semaphore, #tpu.memory_space<semaphore_mem>>
      %dma_start3A_25 = arith.constant 0 : i32
      %dma_start3A_26 = tpu.memref_slice %arg6[%mul3A_4, %dma_start3A_25] : memref<10240x128xf32, #tpu.memory_space<vmem_shared>> -> memref<640x128xf32, #tpu.memory_space<vmem_shared>>
      %dma_start3A_27 = arith.constant 0 : i32
      %dma_start3A_28 = tpu.memref_slice %arg2[%mul3A_2, %dma_start3A_27] : memref<10240x128xf32, #tpu.memory_space<hbm>> -> memref<640x128xf32, #tpu.memory_space<hbm>>
      tpu.enqueue_dma source(%dma_start3A_28 : memref<640x128xf32, #tpu.memory_space<hbm>>) target(%dma_start3A_26 : memref<640x128xf32, #tpu.memory_space<vmem_shared>>) target_semaphore(%run_scoped3A_24 : memref<!tpu.dma_semaphore, #tpu.memory_space<semaphore_mem>>)
      %dma_wait3A_29 = arith.constant 0 : i32
      %dma_wait3A_30 = tpu.memref_slice %arg6[%mul3A_4, %dma_wait3A_29] : memref<10240x128xf32, #tpu.memory_space<vmem_shared>> -> memref<640x128xf32, #tpu.memory_space<vmem_shared>>
      %dma_wait3A_31 = arith.constant 0 : i32
      %dma_wait3A_32 = tpu.memref_slice %arg2[%mul3A_2, %dma_wait3A_31] : memref<10240x128xf32, #tpu.memory_space<hbm>> -> memref<640x128xf32, #tpu.memory_space<hbm>>
      tpu.wait_dma2 semaphore(%run_scoped3A_24 : memref<!tpu.dma_semaphore, #tpu.memory_space<semaphore_mem>>) src(%dma_wait3A_32 : memref<640x128xf32, #tpu.memory_space<hbm>>) dst(%dma_wait3A_30 : memref<640x128xf32, #tpu.memory_space<vmem_shared>>)
      tpu.yield
    }) : () -> ()
    "tpu.region"() ({
      %run_scoped3A_24 = tpu.sem_alloc : memref<!tpu.dma_semaphore, #tpu.memory_space<semaphore_mem>>
      %dma_start3A_25 = arith.constant 0 : i32
      %dma_start3A_26 = tpu.memref_slice %arg3[%add3A, %dma_start3A_25] : memref<32x10000xi32, #tpu.memory_space<hbm>> -> memref<1x10000xi32, #tpu.memory_space<hbm>>
      %dma_start3A_27 = tpu.memref_squeeze %dma_start3A_26 : memref<1x10000xi32, #tpu.memory_space<hbm>> -> memref<10000xi32, #tpu.memory_space<hbm>>
      %dma_start3A_28 = arith.constant 0 : i32
      %dma_start3A_29 = tpu.memref_slice %arg3[%add3A, %dma_start3A_28] : memref<32x10000xi32, #tpu.memory_space<hbm>> -> memref<1x10000xi32, #tpu.memory_space<hbm>>
      %dma_start3A_30 = tpu.memref_squeeze %dma_start3A_29 : memref<1x10000xi32, #tpu.memory_space<hbm>> -> memref<10000xi32, #tpu.memory_space<hbm>>
      tpu.enqueue_dma source(%dma_start3A_30 : memref<10000xi32, #tpu.memory_space<hbm>>) target(%arg7 : memref<10000xi32, #tpu.memory_space<vmem>>) target_semaphore(%run_scoped3A_24 : memref<!tpu.dma_semaphore, #tpu.memory_space<semaphore_mem>>)
      %dma_wait3A_31 = arith.constant 0 : i32
      %dma_wait3A_32 = tpu.memref_slice %arg3[%add3A, %dma_wait3A_31] : memref<32x10000xi32, #tpu.memory_space<hbm>> -> memref<1x10000xi32, #tpu.memory_space<hbm>>
      %dma_wait3A_33 = tpu.memref_squeeze %dma_wait3A_32 : memref<1x10000xi32, #tpu.memory_space<hbm>> -> memref<10000xi32, #tpu.memory_space<hbm>>
      %dma_wait3A_34 = arith.constant 0 : i32
      %dma_wait3A_35 = tpu.memref_slice %arg3[%add3A, %dma_wait3A_34] : memref<32x10000xi32, #tpu.memory_space<hbm>> -> memref<1x10000xi32, #tpu.memory_space<hbm>>
      %dma_wait3A_36 = tpu.memref_squeeze %dma_wait3A_35 : memref<1x10000xi32, #tpu.memory_space<hbm>> -> memref<10000xi32, #tpu.memory_space<hbm>>
      tpu.wait_dma2 semaphore(%run_scoped3A_24 : memref<!tpu.dma_semaphore, #tpu.memory_space<semaphore_mem>>) src(%dma_wait3A_36 : memref<10000xi32, #tpu.memory_space<hbm>>) dst(%arg7 : memref<10000xi32, #tpu.memory_space<vmem>>)
      tpu.yield
    }) : () -> ()
    "tpu.region"() ({
      %run_scoped3A_24 = tpu.sem_alloc : memref<!tpu.dma_semaphore, #tpu.memory_space<semaphore_mem>>
      %dma_start3A_25 = arith.constant 0 : i32
      %dma_start3A_26 = arith.constant 0 : i32
      %dma_start3A_27 = tpu.memref_slice %arg4[%add3A, %dma_start3A_25, %dma_start3A_26] : memref<32x125x80xi32, #tpu.memory_space<hbm>> -> memref<1x125x80xi32, #tpu.memory_space<hbm>>
      %dma_start3A_28 = tpu.memref_squeeze %dma_start3A_27 : memref<1x125x80xi32, #tpu.memory_space<hbm>> -> memref<125x80xi32, #tpu.memory_space<hbm>>
      %dma_start3A_29 = arith.constant 0 : i32
      %dma_start3A_30 = arith.constant 0 : i32
      %dma_start3A_31 = tpu.memref_slice %arg4[%add3A, %dma_start3A_29, %dma_start3A_30] : memref<32x125x80xi32, #tpu.memory_space<hbm>> -> memref<1x125x80xi32, #tpu.memory_space<hbm>>
      %dma_start3A_32 = tpu.memref_squeeze %dma_start3A_31 : memref<1x125x80xi32, #tpu.memory_space<hbm>> -> memref<125x80xi32, #tpu.memory_space<hbm>>
      tpu.enqueue_dma source(%dma_start3A_32 : memref<125x80xi32, #tpu.memory_space<hbm>>) target(%arg8 : memref<125x80xi32, #tpu.memory_space<vmem>>) target_semaphore(%run_scoped3A_24 : memref<!tpu.dma_semaphore, #tpu.memory_space<semaphore_mem>>)
      %dma_wait3A_33 = arith.constant 0 : i32
      %dma_wait3A_34 = arith.constant 0 : i32
      %dma_wait3A_35 = tpu.memref_slice %arg4[%add3A, %dma_wait3A_33, %dma_wait3A_34] : memref<32x125x80xi32, #tpu.memory_space<hbm>> -> memref<1x125x80xi32, #tpu.memory_space<hbm>>
      %dma_wait3A_36 = tpu.memref_squeeze %dma_wait3A_35 : memref<1x125x80xi32, #tpu.memory_space<hbm>> -> memref<125x80xi32, #tpu.memory_space<hbm>>
      %dma_wait3A_37 = arith.constant 0 : i32
      %dma_wait3A_38 = arith.constant 0 : i32
      %dma_wait3A_39 = tpu.memref_slice %arg4[%add3A, %dma_wait3A_37, %dma_wait3A_38] : memref<32x125x80xi32, #tpu.memory_space<hbm>> -> memref<1x125x80xi32, #tpu.memory_space<hbm>>
      %dma_wait3A_40 = tpu.memref_squeeze %dma_wait3A_39 : memref<1x125x80xi32, #tpu.memory_space<hbm>> -> memref<125x80xi32, #tpu.memory_space<hbm>>
      tpu.wait_dma2 semaphore(%run_scoped3A_24 : memref<!tpu.dma_semaphore, #tpu.memory_space<semaphore_mem>>) src(%dma_wait3A_40 : memref<125x80xi32, #tpu.memory_space<hbm>>) dst(%arg8 : memref<125x80xi32, #tpu.memory_space<vmem>>)
      tpu.yield
    }) : () -> ()
    %barrier3A = arith.constant 0 : index
    tpu.barrier barrier_id(%barrier3A)
    %dma_start3A = arith.constant 0 : i32
    %dma_start3A_5 = tpu.memref_slice %arg7[%dma_start3A] : memref<10000xi32, #tpu.memory_space<vmem>> -> memref<80xi32, #tpu.memory_space<vmem>>
    %dma_start3A_6 = arith.constant 0 : i32
    %dma_start3A_7 = arith.constant 0 : i32
    %dma_start3A_8 = tpu.memref_slice %arg2[%dma_start3A_6, %dma_start3A_7] : memref<10240x128xf32, #tpu.memory_space<hbm>> -> memref<10240x128xf32, #tpu.memory_space<hbm>>
    tpu.enqueue_indirect_dma source(%dma_start3A_8 : memref<10240x128xf32, #tpu.memory_space<hbm>>) target(%arg9 : memref<80x128xf32, #tpu.memory_space<vmem>>) offsets(%dma_start3A_5 : memref<80xi32, #tpu.memory_space<vmem>>) semaphore(%arg11 : memref<!tpu.dma_semaphore, #tpu.memory_space<semaphore_mem>>)
    %scan3A = arith.constant 0 : i32
    %scan3A_9 = arith.constant 0 : i32
    %scan3A_10 = arith.constant 62 : i32
    %scan3A_11 = arith.addi %scan3A_9, %scan3A_10 : i32
    %scan3A_12 = arith.constant 1 : i32
    %scan3A_13 = scf.for %scan3A_24 = %scan3A_9 to %scan3A_11 step %scan3A_12 iter_args(%scan3A_25 = %scan3A) -> (i32)  : i32 {
      %mul3A_26 = arith.constant 2 : i32
      %mul3A_27 = arith.muli %mul3A_26, %scan3A_24 : i32
      %add3A_28 = arith.constant 1 : i32
      %add3A_29 = arith.addi %mul3A_27, %add3A_28 : i32
      %mul3A_30 = arith.constant 80 : i32
      %mul3A_31 = arith.muli %add3A_29, %mul3A_30 : i32
      %dma_start3A_32 = tpu.memref_slice %arg7[%mul3A_31] : memref<10000xi32, #tpu.memory_space<vmem>> -> memref<80xi32, #tpu.memory_space<vmem>>
      %dma_start3A_33 = arith.constant 0 : i32
      %dma_start3A_34 = arith.constant 0 : i32
      %dma_start3A_35 = tpu.memref_slice %arg2[%dma_start3A_33, %dma_start3A_34] : memref<10240x128xf32, #tpu.memory_space<hbm>> -> memref<10240x128xf32, #tpu.memory_space<hbm>>
      tpu.enqueue_indirect_dma source(%dma_start3A_35 : memref<10240x128xf32, #tpu.memory_space<hbm>>) target(%arg10 : memref<80x128xf32, #tpu.memory_space<vmem>>) offsets(%dma_start3A_32 : memref<80xi32, #tpu.memory_space<vmem>>) semaphore(%arg12 : memref<!tpu.dma_semaphore, #tpu.memory_space<semaphore_mem>>)
      %mul3A_36 = arith.constant 80 : i32
      %mul3A_37 = arith.muli %mul3A_27, %mul3A_36 : i32
      %dma_wait3A_38 = tpu.memref_slice %arg7[%mul3A_37] : memref<10000xi32, #tpu.memory_space<vmem>> -> memref<80xi32, #tpu.memory_space<vmem>>
      %dma_wait3A_39 = arith.constant 0 : i32
      %dma_wait3A_40 = arith.constant 0 : i32
      %dma_wait3A_41 = tpu.memref_slice %arg2[%dma_wait3A_39, %dma_wait3A_40] : memref<10240x128xf32, #tpu.memory_space<hbm>> -> memref<10240x128xf32, #tpu.memory_space<hbm>>
      tpu.wait_indirect_dma semaphore(%arg11 : memref<!tpu.dma_semaphore, #tpu.memory_space<semaphore_mem>>) src(%dma_wait3A_41 : memref<10240x128xf32, #tpu.memory_space<hbm>>) dst(%arg9 : memref<80x128xf32, #tpu.memory_space<vmem>>)
      "tpu.region"() ({
        %run_scoped3A_57 = tpu.sem_alloc : memref<!tpu.dma_semaphore, #tpu.memory_space<semaphore_mem>>
        %dma_start3A_58 = arith.constant 0 : i32
        %dma_start3A_59 = tpu.memref_slice %arg8[%mul3A_27, %dma_start3A_58] : memref<125x80xi32, #tpu.memory_space<vmem>> -> memref<1x80xi32, #tpu.memory_space<vmem>>
        %dma_start3A_60 = tpu.memref_squeeze %dma_start3A_59 : memref<1x80xi32, #tpu.memory_space<vmem>> -> memref<80xi32, #tpu.memory_space<vmem>>
        %dma_start3A_61 = arith.constant 0 : i32
        %dma_start3A_62 = arith.constant 0 : i32
        %dma_start3A_63 = tpu.memref_slice %arg6[%dma_start3A_61, %dma_start3A_62] : memref<10240x128xf32, #tpu.memory_space<vmem_shared>> -> memref<10240x128xf32, #tpu.memory_space<vmem_shared>>
        tpu.enqueue_indirect_dma source(%arg9 : memref<80x128xf32, #tpu.memory_space<vmem>>) target(%dma_start3A_63 : memref<10240x128xf32, #tpu.memory_space<vmem_shared>>) offsets(%dma_start3A_60 : memref<80xi32, #tpu.memory_space<vmem>>) semaphore(%run_scoped3A_57 : memref<!tpu.dma_semaphore, #tpu.memory_space<semaphore_mem>>) {add = true}
        %dma_wait3A_64 = arith.constant 0 : i32
        %dma_wait3A_65 = tpu.memref_slice %arg8[%mul3A_27, %dma_wait3A_64] : memref<125x80xi32, #tpu.memory_space<vmem>> -> memref<1x80xi32, #tpu.memory_space<vmem>>
        %dma_wait3A_66 = tpu.memref_squeeze %dma_wait3A_65 : memref<1x80xi32, #tpu.memory_space<vmem>> -> memref<80xi32, #tpu.memory_space<vmem>>
        %dma_wait3A_67 = arith.constant 0 : i32
        %dma_wait3A_68 = arith.constant 0 : i32
        %dma_wait3A_69 = tpu.memref_slice %arg6[%dma_wait3A_67, %dma_wait3A_68] : memref<10240x128xf32, #tpu.memory_space<vmem_shared>> -> memref<10240x128xf32, #tpu.memory_space<vmem_shared>>
        tpu.wait_indirect_dma semaphore(%run_scoped3A_57 : memref<!tpu.dma_semaphore, #tpu.memory_space<semaphore_mem>>) src(%arg9 : memref<80x128xf32, #tpu.memory_space<vmem>>) dst(%dma_wait3A_69 : memref<10240x128xf32, #tpu.memory_space<vmem_shared>>)
        tpu.yield
      }) : () -> ()
      %add3A_42 = arith.constant 2 : i32
      %add3A_43 = arith.addi %mul3A_27, %add3A_42 : i32
      %mul3A_44 = arith.constant 80 : i32
      %mul3A_45 = arith.muli %add3A_43, %mul3A_44 : i32
      %dma_start3A_46 = tpu.memref_slice %arg7[%mul3A_45] : memref<10000xi32, #tpu.memory_space<vmem>> -> memref<80xi32, #tpu.memory_space<vmem>>
      %dma_start3A_47 = arith.constant 0 : i32
      %dma_start3A_48 = arith.constant 0 : i32
      %dma_start3A_49 = tpu.memref_slice %arg2[%dma_start3A_47, %dma_start3A_48] : memref<10240x128xf32, #tpu.memory_space<hbm>> -> memref<10240x128xf32, #tpu.memory_space<hbm>>
      tpu.enqueue_indirect_dma source(%dma_start3A_49 : memref<10240x128xf32, #tpu.memory_space<hbm>>) target(%arg9 : memref<80x128xf32, #tpu.memory_space<vmem>>) offsets(%dma_start3A_46 : memref<80xi32, #tpu.memory_space<vmem>>) semaphore(%arg11 : memref<!tpu.dma_semaphore, #tpu.memory_space<semaphore_mem>>)
      %dma_wait3A_50 = tpu.memref_slice %arg7[%mul3A_31] : memref<10000xi32, #tpu.memory_space<vmem>> -> memref<80xi32, #tpu.memory_space<vmem>>
      %dma_wait3A_51 = arith.constant 0 : i32
      %dma_wait3A_52 = arith.constant 0 : i32
      %dma_wait3A_53 = tpu.memref_slice %arg2[%dma_wait3A_51, %dma_wait3A_52] : memref<10240x128xf32, #tpu.memory_space<hbm>> -> memref<10240x128xf32, #tpu.memory_space<hbm>>
      tpu.wait_indirect_dma semaphore(%arg12 : memref<!tpu.dma_semaphore, #tpu.memory_space<semaphore_mem>>) src(%dma_wait3A_53 : memref<10240x128xf32, #tpu.memory_space<hbm>>) dst(%arg10 : memref<80x128xf32, #tpu.memory_space<vmem>>)
      %add3A_54 = arith.constant 1 : i32
      %add3A_55 = arith.addi %mul3A_27, %add3A_54 : i32
      "tpu.region"() ({
        %run_scoped3A_57 = tpu.sem_alloc : memref<!tpu.dma_semaphore, #tpu.memory_space<semaphore_mem>>
        %dma_start3A_58 = arith.constant 0 : i32
        %dma_start3A_59 = tpu.memref_slice %arg8[%add3A_55, %dma_start3A_58] : memref<125x80xi32, #tpu.memory_space<vmem>> -> memref<1x80xi32, #tpu.memory_space<vmem>>
        %dma_start3A_60 = tpu.memref_squeeze %dma_start3A_59 : memref<1x80xi32, #tpu.memory_space<vmem>> -> memref<80xi32, #tpu.memory_space<vmem>>
        %dma_start3A_61 = arith.constant 0 : i32
        %dma_start3A_62 = arith.constant 0 : i32
        %dma_start3A_63 = tpu.memref_slice %arg6[%dma_start3A_61, %dma_start3A_62] : memref<10240x128xf32, #tpu.memory_space<vmem_shared>> -> memref<10240x128xf32, #tpu.memory_space<vmem_shared>>
        tpu.enqueue_indirect_dma source(%arg10 : memref<80x128xf32, #tpu.memory_space<vmem>>) target(%dma_start3A_63 : memref<10240x128xf32, #tpu.memory_space<vmem_shared>>) offsets(%dma_start3A_60 : memref<80xi32, #tpu.memory_space<vmem>>) semaphore(%run_scoped3A_57 : memref<!tpu.dma_semaphore, #tpu.memory_space<semaphore_mem>>) {add = true}
        %dma_wait3A_64 = arith.constant 0 : i32
        %dma_wait3A_65 = tpu.memref_slice %arg8[%add3A_55, %dma_wait3A_64] : memref<125x80xi32, #tpu.memory_space<vmem>> -> memref<1x80xi32, #tpu.memory_space<vmem>>
        %dma_wait3A_66 = tpu.memref_squeeze %dma_wait3A_65 : memref<1x80xi32, #tpu.memory_space<vmem>> -> memref<80xi32, #tpu.memory_space<vmem>>
        %dma_wait3A_67 = arith.constant 0 : i32
        %dma_wait3A_68 = arith.constant 0 : i32
        %dma_wait3A_69 = tpu.memref_slice %arg6[%dma_wait3A_67, %dma_wait3A_68] : memref<10240x128xf32, #tpu.memory_space<vmem_shared>> -> memref<10240x128xf32, #tpu.memory_space<vmem_shared>>
        tpu.wait_indirect_dma semaphore(%run_scoped3A_57 : memref<!tpu.dma_semaphore, #tpu.memory_space<semaphore_mem>>) src(%arg10 : memref<80x128xf32, #tpu.memory_space<vmem>>) dst(%dma_wait3A_69 : memref<10240x128xf32, #tpu.memory_space<vmem_shared>>)
        tpu.yield
      }) : () -> ()
      %scan3A_56 = arith.constant 0 : i32
      scf.yield %scan3A_56 : i32
    }
    %scan3A_14 = arith.constant 62 : i32
    %dma_wait3A = arith.constant 9920 : i32
    %dma_wait3A_15 = tpu.memref_slice %arg7[%dma_wait3A] : memref<10000xi32, #tpu.memory_space<vmem>> -> memref<80xi32, #tpu.memory_space<vmem>>
    %dma_wait3A_16 = arith.constant 0 : i32
    %dma_wait3A_17 = arith.constant 0 : i32
    %dma_wait3A_18 = tpu.memref_slice %arg2[%dma_wait3A_16, %dma_wait3A_17] : memref<10240x128xf32, #tpu.memory_space<hbm>> -> memref<10240x128xf32, #tpu.memory_space<hbm>>
    tpu.wait_indirect_dma semaphore(%arg11 : memref<!tpu.dma_semaphore, #tpu.memory_space<semaphore_mem>>) src(%dma_wait3A_18 : memref<10240x128xf32, #tpu.memory_space<hbm>>) dst(%arg9 : memref<80x128xf32, #tpu.memory_space<vmem>>)
    %run_scoped3A = arith.constant 124 : i32
    "tpu.region"() ({
      %run_scoped3A_24 = tpu.sem_alloc : memref<!tpu.dma_semaphore, #tpu.memory_space<semaphore_mem>>
      %dma_start3A_25 = arith.constant 0 : i32
      %dma_start3A_26 = tpu.memref_slice %arg8[%run_scoped3A, %dma_start3A_25] : memref<125x80xi32, #tpu.memory_space<vmem>> -> memref<1x80xi32, #tpu.memory_space<vmem>>
      %dma_start3A_27 = tpu.memref_squeeze %dma_start3A_26 : memref<1x80xi32, #tpu.memory_space<vmem>> -> memref<80xi32, #tpu.memory_space<vmem>>
      %dma_start3A_28 = arith.constant 0 : i32
      %dma_start3A_29 = arith.constant 0 : i32
      %dma_start3A_30 = tpu.memref_slice %arg6[%dma_start3A_28, %dma_start3A_29] : memref<10240x128xf32, #tpu.memory_space<vmem_shared>> -> memref<10240x128xf32, #tpu.memory_space<vmem_shared>>
      tpu.enqueue_indirect_dma source(%arg9 : memref<80x128xf32, #tpu.memory_space<vmem>>) target(%dma_start3A_30 : memref<10240x128xf32, #tpu.memory_space<vmem_shared>>) offsets(%dma_start3A_27 : memref<80xi32, #tpu.memory_space<vmem>>) semaphore(%run_scoped3A_24 : memref<!tpu.dma_semaphore, #tpu.memory_space<semaphore_mem>>) {add = true}
      %dma_wait3A_31 = arith.constant 0 : i32
      %dma_wait3A_32 = tpu.memref_slice %arg8[%run_scoped3A, %dma_wait3A_31] : memref<125x80xi32, #tpu.memory_space<vmem>> -> memref<1x80xi32, #tpu.memory_space<vmem>>
      %dma_wait3A_33 = tpu.memref_squeeze %dma_wait3A_32 : memref<1x80xi32, #tpu.memory_space<vmem>> -> memref<80xi32, #tpu.memory_space<vmem>>
      %dma_wait3A_34 = arith.constant 0 : i32
      %dma_wait3A_35 = arith.constant 0 : i32
      %dma_wait3A_36 = tpu.memref_slice %arg6[%dma_wait3A_34, %dma_wait3A_35] : memref<10240x128xf32, #tpu.memory_space<vmem_shared>> -> memref<10240x128xf32, #tpu.memory_space<vmem_shared>>
      tpu.wait_indirect_dma semaphore(%run_scoped3A_24 : memref<!tpu.dma_semaphore, #tpu.memory_space<semaphore_mem>>) src(%arg9 : memref<80x128xf32, #tpu.memory_space<vmem>>) dst(%dma_wait3A_36 : memref<10240x128xf32, #tpu.memory_space<vmem_shared>>)
      tpu.yield
    }) : () -> ()
    %barrier3A_19 = arith.constant 0 : index
    tpu.barrier barrier_id(%barrier3A_19)
    %mul3A_20 = arith.constant 640 : i32
    %mul3A_21 = arith.muli %arg1, %mul3A_20 : i32
    %mul3A_22 = arith.constant 640 : i32
    %mul3A_23 = arith.muli %arg1, %mul3A_22 : i32
    "tpu.region"() ({
      %run_scoped3A_24 = tpu.sem_alloc : memref<!tpu.dma_semaphore, #tpu.memory_space<semaphore_mem>>
      %dma_start3A_25 = arith.constant 0 : i32
      %dma_start3A_26 = tpu.memref_slice %arg5[%arg0, %mul3A_23, %dma_start3A_25] : memref<2x10240x128xf32, #tpu.memory_space<hbm>> -> memref<1x640x128xf32, #tpu.memory_space<hbm>>
      %dma_start3A_27 = tpu.memref_squeeze %dma_start3A_26 : memref<1x640x128xf32, #tpu.memory_space<hbm>> -> memref<640x128xf32, #tpu.memory_space<hbm>>
      %dma_start3A_28 = arith.constant 0 : i32
      %dma_start3A_29 = tpu.memref_slice %arg6[%mul3A_21, %dma_start3A_28] : memref<10240x128xf32, #tpu.memory_space<vmem_shared>> -> memref<640x128xf32, #tpu.memory_space<vmem_shared>>
      tpu.enqueue_dma source(%dma_start3A_29 : memref<640x128xf32, #tpu.memory_space<vmem_shared>>) target(%dma_start3A_27 : memref<640x128xf32, #tpu.memory_space<hbm>>) target_semaphore(%run_scoped3A_24 : memref<!tpu.dma_semaphore, #tpu.memory_space<semaphore_mem>>)
      %dma_wait3A_30 = arith.constant 0 : i32
      %dma_wait3A_31 = tpu.memref_slice %arg5[%arg0, %mul3A_23, %dma_wait3A_30] : memref<2x10240x128xf32, #tpu.memory_space<hbm>> -> memref<1x640x128xf32, #tpu.memory_space<hbm>>
      %dma_wait3A_32 = tpu.memref_squeeze %dma_wait3A_31 : memref<1x640x128xf32, #tpu.memory_space<hbm>> -> memref<640x128xf32, #tpu.memory_space<hbm>>
      %dma_wait3A_33 = arith.constant 0 : i32
      %dma_wait3A_34 = tpu.memref_slice %arg6[%mul3A_21, %dma_wait3A_33] : memref<10240x128xf32, #tpu.memory_space<vmem_shared>> -> memref<640x128xf32, #tpu.memory_space<vmem_shared>>
      tpu.wait_dma2 semaphore(%run_scoped3A_24 : memref<!tpu.dma_semaphore, #tpu.memory_space<semaphore_mem>>) src(%dma_wait3A_34 : memref<640x128xf32, #tpu.memory_space<vmem_shared>>) dst(%dma_wait3A_32 : memref<640x128xf32, #tpu.memory_space<hbm>>)
      tpu.yield
    }) : () -> ()
    return
  }
}

#map = affine_map<(d0, d1) -> (0, 0, 0)>
#map1 = affine_map<(d0, d1) -> (0)>
#map2 = affine_map<(d0, d1) -> (0, 0)>
module attributes {stable_mosaic.version = 14 : i64} {
  func.func @deg_sc(%arg0: i32, %arg1: i32, %arg2: memref<32x125x80xi32, #tpu.memory_space<hbm>>, %arg3: memref<80xf32, #tpu.memory_space<hbm>>, %arg4: memref<2x10240xf32, #tpu.memory_space<hbm>>, %arg5: memref<10240xf32, #tpu.memory_space<vmem_shared>>, %arg6: memref<125x80xi32, #tpu.memory_space<vmem>>, %arg7: memref<80xf32, #tpu.memory_space<vmem>>, %arg8: memref<640xf32, #tpu.memory_space<vmem>>) attributes {dimension_semantics = [#tpu.dimension_semantics<core_parallel>, #tpu.dimension_semantics<subcore_parallel>], iteration_bounds = array<i64: 2, 16>, scalar_prefetch = 0 : i64, scratch_operands = 4 : i64, tpu.core_type = #tpu.core_type<sc_vector_subcore>, window_params = [{transform_indices = #map}, {transform_indices = #map1}, {transform_indices = #map2}]} {
    %mul3A = arith.constant 2 : i32
    %mul3A_0 = arith.muli %arg1, %mul3A : i32
    %add3A = arith.addi %mul3A_0, %arg0 : i32
    %scan3A = arith.constant 0 : i32
    %scan3A_1 = arith.constant 0 : i32
    %scan3A_2 = arith.constant 40 : i32
    %scan3A_3 = arith.addi %scan3A_1, %scan3A_2 : i32
    %scan3A_4 = arith.constant 1 : i32
    %scan3A_5 = scf.for %scan3A_21 = %scan3A_1 to %scan3A_3 step %scan3A_4 iter_args(%scan3A_22 = %scan3A) -> (i32)  : i32 {
      %broadcast_in_dim3A = arith.constant 0.000000e+00 : f32
      %broadcast_in_dim3A_23 = vector.broadcast %broadcast_in_dim3A : f32 to vector<16xf32>
      %mul3A_24 = arith.constant 16 : i32
      %mul3A_25 = arith.muli %scan3A_21, %mul3A_24 : i32
      %swap3A = arith.index_cast %mul3A_25 : i32 to index
      %swap3A_26 = tpu.vector_load %arg8[%swap3A] {strides = array<i32>} : memref<640xf32, #tpu.memory_space<vmem>>, vector<16xf32>,
      %swap3A_27 = vector.shape_cast %swap3A_26 : vector<16xf32> to vector<16xf32>
      %swap3A_28 = vector.shape_cast %broadcast_in_dim3A_23 : vector<16xf32> to vector<16xf32>
      tpu.vector_store %arg8[%swap3A], %swap3A_28 {strides = array<i32>} : memref<640xf32, #tpu.memory_space<vmem>>, vector<16xf32>,
      %scan3A_29 = arith.constant 0 : i32
      scf.yield %scan3A_29 : i32
    }
    %scan3A_6 = arith.constant 40 : i32
    %mul3A_7 = arith.constant 640 : i32
    %mul3A_8 = arith.muli %arg1, %mul3A_7 : i32
    "tpu.region"() ({
      %run_scoped3A = tpu.sem_alloc : memref<!tpu.dma_semaphore, #tpu.memory_space<semaphore_mem>>
      %dma_start3A = tpu.memref_slice %arg5[%mul3A_8] : memref<10240xf32, #tpu.memory_space<vmem_shared>> -> memref<640xf32, #tpu.memory_space<vmem_shared>>
      %dma_start3A_21 = tpu.memref_slice %arg5[%mul3A_8] : memref<10240xf32, #tpu.memory_space<vmem_shared>> -> memref<640xf32, #tpu.memory_space<vmem_shared>>
      tpu.enqueue_dma source(%arg8 : memref<640xf32, #tpu.memory_space<vmem>>) target(%dma_start3A_21 : memref<640xf32, #tpu.memory_space<vmem_shared>>) target_semaphore(%run_scoped3A : memref<!tpu.dma_semaphore, #tpu.memory_space<semaphore_mem>>)
      %dma_wait3A = tpu.memref_slice %arg5[%mul3A_8] : memref<10240xf32, #tpu.memory_space<vmem_shared>> -> memref<640xf32, #tpu.memory_space<vmem_shared>>
      %dma_wait3A_22 = tpu.memref_slice %arg5[%mul3A_8] : memref<10240xf32, #tpu.memory_space<vmem_shared>> -> memref<640xf32, #tpu.memory_space<vmem_shared>>
      tpu.wait_dma2 semaphore(%run_scoped3A : memref<!tpu.dma_semaphore, #tpu.memory_space<semaphore_mem>>) src(%arg8 : memref<640xf32, #tpu.memory_space<vmem>>) dst(%dma_wait3A_22 : memref<640xf32, #tpu.memory_space<vmem_shared>>)
      tpu.yield
    }) : () -> ()
    "tpu.region"() ({
      %run_scoped3A = tpu.sem_alloc : memref<!tpu.dma_semaphore, #tpu.memory_space<semaphore_mem>>
      tpu.enqueue_dma source(%arg3 : memref<80xf32, #tpu.memory_space<hbm>>) target(%arg7 : memref<80xf32, #tpu.memory_space<vmem>>) target_semaphore(%run_scoped3A : memref<!tpu.dma_semaphore, #tpu.memory_space<semaphore_mem>>)
      tpu.wait_dma2 semaphore(%run_scoped3A : memref<!tpu.dma_semaphore, #tpu.memory_space<semaphore_mem>>) src(%arg3 : memref<80xf32, #tpu.memory_space<hbm>>) dst(%arg7 : memref<80xf32, #tpu.memory_space<vmem>>)
      tpu.yield
    }) : () -> ()
    "tpu.region"() ({
      %run_scoped3A = tpu.sem_alloc : memref<!tpu.dma_semaphore, #tpu.memory_space<semaphore_mem>>
      %dma_start3A = arith.constant 0 : i32
      %dma_start3A_21 = arith.constant 0 : i32
      %dma_start3A_22 = tpu.memref_slice %arg2[%add3A, %dma_start3A, %dma_start3A_21] : memref<32x125x80xi32, #tpu.memory_space<hbm>> -> memref<1x125x80xi32, #tpu.memory_space<hbm>>
      %dma_start3A_23 = tpu.memref_squeeze %dma_start3A_22 : memref<1x125x80xi32, #tpu.memory_space<hbm>> -> memref<125x80xi32, #tpu.memory_space<hbm>>
      %dma_start3A_24 = arith.constant 0 : i32
      %dma_start3A_25 = arith.constant 0 : i32
      %dma_start3A_26 = tpu.memref_slice %arg2[%add3A, %dma_start3A_24, %dma_start3A_25] : memref<32x125x80xi32, #tpu.memory_space<hbm>> -> memref<1x125x80xi32, #tpu.memory_space<hbm>>
      %dma_start3A_27 = tpu.memref_squeeze %dma_start3A_26 : memref<1x125x80xi32, #tpu.memory_space<hbm>> -> memref<125x80xi32, #tpu.memory_space<hbm>>
      tpu.enqueue_dma source(%dma_start3A_27 : memref<125x80xi32, #tpu.memory_space<hbm>>) target(%arg6 : memref<125x80xi32, #tpu.memory_space<vmem>>) target_semaphore(%run_scoped3A : memref<!tpu.dma_semaphore, #tpu.memory_space<semaphore_mem>>)
      %dma_wait3A = arith.constant 0 : i32
      %dma_wait3A_28 = arith.constant 0 : i32
      %dma_wait3A_29 = tpu.memref_slice %arg2[%add3A, %dma_wait3A, %dma_wait3A_28] : memref<32x125x80xi32, #tpu.memory_space<hbm>> -> memref<1x125x80xi32, #tpu.memory_space<hbm>>
      %dma_wait3A_30 = tpu.memref_squeeze %dma_wait3A_29 : memref<1x125x80xi32, #tpu.memory_space<hbm>> -> memref<125x80xi32, #tpu.memory_space<hbm>>
      %dma_wait3A_31 = arith.constant 0 : i32
      %dma_wait3A_32 = arith.constant 0 : i32
      %dma_wait3A_33 = tpu.memref_slice %arg2[%add3A, %dma_wait3A_31, %dma_wait3A_32] : memref<32x125x80xi32, #tpu.memory_space<hbm>> -> memref<1x125x80xi32, #tpu.memory_space<hbm>>
      %dma_wait3A_34 = tpu.memref_squeeze %dma_wait3A_33 : memref<1x125x80xi32, #tpu.memory_space<hbm>> -> memref<125x80xi32, #tpu.memory_space<hbm>>
      tpu.wait_dma2 semaphore(%run_scoped3A : memref<!tpu.dma_semaphore, #tpu.memory_space<semaphore_mem>>) src(%dma_wait3A_34 : memref<125x80xi32, #tpu.memory_space<hbm>>) dst(%arg6 : memref<125x80xi32, #tpu.memory_space<vmem>>)
      tpu.yield
    }) : () -> ()
    %barrier3A = arith.constant 0 : index
    tpu.barrier barrier_id(%barrier3A)
    %scan3A_9 = arith.constant 0 : i32
    %scan3A_10 = arith.constant 0 : i32
    %scan3A_11 = arith.constant 125 : i32
    %scan3A_12 = arith.addi %scan3A_10, %scan3A_11 : i32
    %scan3A_13 = arith.constant 1 : i32
    %scan3A_14 = scf.for %scan3A_21 = %scan3A_10 to %scan3A_12 step %scan3A_13 iter_args(%scan3A_22 = %scan3A_9) -> (i32)  : i32 {
      "tpu.region"() ({
        %run_scoped3A = tpu.sem_alloc : memref<!tpu.dma_semaphore, #tpu.memory_space<semaphore_mem>>
        %dma_start3A = arith.constant 0 : i32
        %dma_start3A_24 = tpu.memref_slice %arg6[%scan3A_21, %dma_start3A] : memref<125x80xi32, #tpu.memory_space<vmem>> -> memref<1x80xi32, #tpu.memory_space<vmem>>
        %dma_start3A_25 = tpu.memref_squeeze %dma_start3A_24 : memref<1x80xi32, #tpu.memory_space<vmem>> -> memref<80xi32, #tpu.memory_space<vmem>>
        %dma_start3A_26 = arith.constant 0 : i32
        %dma_start3A_27 = tpu.memref_slice %arg5[%dma_start3A_26] : memref<10240xf32, #tpu.memory_space<vmem_shared>> -> memref<10240xf32, #tpu.memory_space<vmem_shared>>
        tpu.enqueue_indirect_dma source(%arg7 : memref<80xf32, #tpu.memory_space<vmem>>) target(%dma_start3A_27 : memref<10240xf32, #tpu.memory_space<vmem_shared>>) offsets(%dma_start3A_25 : memref<80xi32, #tpu.memory_space<vmem>>) semaphore(%run_scoped3A : memref<!tpu.dma_semaphore, #tpu.memory_space<semaphore_mem>>) {add = true}
        %dma_wait3A = arith.constant 0 : i32
        %dma_wait3A_28 = tpu.memref_slice %arg6[%scan3A_21, %dma_wait3A] : memref<125x80xi32, #tpu.memory_space<vmem>> -> memref<1x80xi32, #tpu.memory_space<vmem>>
        %dma_wait3A_29 = tpu.memref_squeeze %dma_wait3A_28 : memref<1x80xi32, #tpu.memory_space<vmem>> -> memref<80xi32, #tpu.memory_space<vmem>>
        %dma_wait3A_30 = arith.constant 0 : i32
        %dma_wait3A_31 = tpu.memref_slice %arg5[%dma_wait3A_30] : memref<10240xf32, #tpu.memory_space<vmem_shared>> -> memref<10240xf32, #tpu.memory_space<vmem_shared>>
        tpu.wait_indirect_dma semaphore(%run_scoped3A : memref<!tpu.dma_semaphore, #tpu.memory_space<semaphore_mem>>) src(%arg7 : memref<80xf32, #tpu.memory_space<vmem>>) dst(%dma_wait3A_31 : memref<10240xf32, #tpu.memory_space<vmem_shared>>)
        tpu.yield
      }) : () -> ()
      %scan3A_23 = arith.constant 0 : i32
      scf.yield %scan3A_23 : i32
    }
    %scan3A_15 = arith.constant 125 : i32
    %barrier3A_16 = arith.constant 0 : index
    tpu.barrier barrier_id(%barrier3A_16)
    %mul3A_17 = arith.constant 640 : i32
    %mul3A_18 = arith.muli %arg1, %mul3A_17 : i32
    %mul3A_19 = arith.constant 640 : i32
    %mul3A_20 = arith.muli %arg1, %mul3A_19 : i32
    "tpu.region"() ({
      %run_scoped3A = tpu.sem_alloc : memref<!tpu.dma_semaphore, #tpu.memory_space<semaphore_mem>>
      %dma_start3A = tpu.memref_slice %arg4[%arg0, %mul3A_20] : memref<2x10240xf32, #tpu.memory_space<hbm>> -> memref<1x640xf32, #tpu.memory_space<hbm>>
      %dma_start3A_21 = tpu.memref_squeeze %dma_start3A : memref<1x640xf32, #tpu.memory_space<hbm>> -> memref<640xf32, #tpu.memory_space<hbm>>
      %dma_start3A_22 = tpu.memref_slice %arg5[%mul3A_18] : memref<10240xf32, #tpu.memory_space<vmem_shared>> -> memref<640xf32, #tpu.memory_space<vmem_shared>>
      tpu.enqueue_dma source(%dma_start3A_22 : memref<640xf32, #tpu.memory_space<vmem_shared>>) target(%dma_start3A_21 : memref<640xf32, #tpu.memory_space<hbm>>) target_semaphore(%run_scoped3A : memref<!tpu.dma_semaphore, #tpu.memory_space<semaphore_mem>>)
      %dma_wait3A = tpu.memref_slice %arg4[%arg0, %mul3A_20] : memref<2x10240xf32, #tpu.memory_space<hbm>> -> memref<1x640xf32, #tpu.memory_space<hbm>>
      %dma_wait3A_23 = tpu.memref_squeeze %dma_wait3A : memref<1x640xf32, #tpu.memory_space<hbm>> -> memref<640xf32, #tpu.memory_space<hbm>>
      %dma_wait3A_24 = tpu.memref_slice %arg5[%mul3A_18] : memref<10240xf32, #tpu.memory_space<vmem_shared>> -> memref<640xf32, #tpu.memory_space<vmem_shared>>
      tpu.wait_dma2 semaphore(%run_scoped3A : memref<!tpu.dma_semaphore, #tpu.memory_space<semaphore_mem>>) src(%dma_wait3A_24 : memref<640xf32, #tpu.memory_space<vmem_shared>>) dst(%dma_wait3A_23 : memref<640xf32, #tpu.memory_space<hbm>>)
      tpu.yield
    }) : () -> ()
    return
  }
}

#map = affine_map<(d0, d1) -> (0, 0)>
#map1 = affine_map<(d0, d1) -> (0, 0, 0)>
module attributes {stable_mosaic.version = 14 : i64} {
  func.func @spmm_sc(%arg0: i32, %arg1: i32, %arg2: memref<10240x128xf32, #tpu.memory_space<hbm>>, %arg3: memref<32x10000xi32, #tpu.memory_space<hbm>>, %arg4: memref<32x125x80xi32, #tpu.memory_space<hbm>>, %arg5: memref<2x10240x128xf32, #tpu.memory_space<hbm>>, %arg6: memref<10240x128xf32, #tpu.memory_space<vmem_shared>>, %arg7: memref<10000xi32, #tpu.memory_space<vmem>>, %arg8: memref<125x80xi32, #tpu.memory_space<vmem>>, %arg9: memref<80x128xf32, #tpu.memory_space<vmem>>, %arg10: memref<80x128xf32, #tpu.memory_space<vmem>>, %arg11: memref<!tpu.dma_semaphore, #tpu.memory_space<semaphore_mem>>, %arg12: memref<!tpu.dma_semaphore, #tpu.memory_space<semaphore_mem>>) attributes {dimension_semantics = [#tpu.dimension_semantics<core_parallel>, #tpu.dimension_semantics<subcore_parallel>], iteration_bounds = array<i64: 2, 16>, scalar_prefetch = 0 : i64, scratch_operands = 7 : i64, tpu.core_type = #tpu.core_type<sc_vector_subcore>, window_params = [{transform_indices = #map}, {transform_indices = #map}, {transform_indices = #map1}, {transform_indices = #map1}]} {
    %mul3A = arith.constant 2 : i32
    %mul3A_0 = arith.muli %arg1, %mul3A : i32
    %add3A = arith.addi %mul3A_0, %arg0 : i32
    %mul3A_1 = arith.constant 640 : i32
    %mul3A_2 = arith.muli %arg1, %mul3A_1 : i32
    %mul3A_3 = arith.constant 640 : i32
    %mul3A_4 = arith.muli %arg1, %mul3A_3 : i32
    "tpu.region"() ({
      %run_scoped3A_24 = tpu.sem_alloc : memref<!tpu.dma_semaphore, #tpu.memory_space<semaphore_mem>>
      %dma_start3A_25 = arith.constant 0 : i32
      %dma_start3A_26 = tpu.memref_slice %arg6[%mul3A_4, %dma_start3A_25] : memref<10240x128xf32, #tpu.memory_space<vmem_shared>> -> memref<640x128xf32, #tpu.memory_space<vmem_shared>>
      %dma_start3A_27 = arith.constant 0 : i32
      %dma_start3A_28 = tpu.memref_slice %arg2[%mul3A_2, %dma_start3A_27] : memref<10240x128xf32, #tpu.memory_space<hbm>> -> memref<640x128xf32, #tpu.memory_space<hbm>>
      tpu.enqueue_dma source(%dma_start3A_28 : memref<640x128xf32, #tpu.memory_space<hbm>>) target(%dma_start3A_26 : memref<640x128xf32, #tpu.memory_space<vmem_shared>>) target_semaphore(%run_scoped3A_24 : memref<!tpu.dma_semaphore, #tpu.memory_space<semaphore_mem>>)
      %dma_wait3A_29 = arith.constant 0 : i32
      %dma_wait3A_30 = tpu.memref_slice %arg6[%mul3A_4, %dma_wait3A_29] : memref<10240x128xf32, #tpu.memory_space<vmem_shared>> -> memref<640x128xf32, #tpu.memory_space<vmem_shared>>
      %dma_wait3A_31 = arith.constant 0 : i32
      %dma_wait3A_32 = tpu.memref_slice %arg2[%mul3A_2, %dma_wait3A_31] : memref<10240x128xf32, #tpu.memory_space<hbm>> -> memref<640x128xf32, #tpu.memory_space<hbm>>
      tpu.wait_dma2 semaphore(%run_scoped3A_24 : memref<!tpu.dma_semaphore, #tpu.memory_space<semaphore_mem>>) src(%dma_wait3A_32 : memref<640x128xf32, #tpu.memory_space<hbm>>) dst(%dma_wait3A_30 : memref<640x128xf32, #tpu.memory_space<vmem_shared>>)
      tpu.yield
    }) : () -> ()
    "tpu.region"() ({
      %run_scoped3A_24 = tpu.sem_alloc : memref<!tpu.dma_semaphore, #tpu.memory_space<semaphore_mem>>
      %dma_start3A_25 = arith.constant 0 : i32
      %dma_start3A_26 = tpu.memref_slice %arg3[%add3A, %dma_start3A_25] : memref<32x10000xi32, #tpu.memory_space<hbm>> -> memref<1x10000xi32, #tpu.memory_space<hbm>>
      %dma_start3A_27 = tpu.memref_squeeze %dma_start3A_26 : memref<1x10000xi32, #tpu.memory_space<hbm>> -> memref<10000xi32, #tpu.memory_space<hbm>>
      %dma_start3A_28 = arith.constant 0 : i32
      %dma_start3A_29 = tpu.memref_slice %arg3[%add3A, %dma_start3A_28] : memref<32x10000xi32, #tpu.memory_space<hbm>> -> memref<1x10000xi32, #tpu.memory_space<hbm>>
      %dma_start3A_30 = tpu.memref_squeeze %dma_start3A_29 : memref<1x10000xi32, #tpu.memory_space<hbm>> -> memref<10000xi32, #tpu.memory_space<hbm>>
      tpu.enqueue_dma source(%dma_start3A_30 : memref<10000xi32, #tpu.memory_space<hbm>>) target(%arg7 : memref<10000xi32, #tpu.memory_space<vmem>>) target_semaphore(%run_scoped3A_24 : memref<!tpu.dma_semaphore, #tpu.memory_space<semaphore_mem>>)
      %dma_wait3A_31 = arith.constant 0 : i32
      %dma_wait3A_32 = tpu.memref_slice %arg3[%add3A, %dma_wait3A_31] : memref<32x10000xi32, #tpu.memory_space<hbm>> -> memref<1x10000xi32, #tpu.memory_space<hbm>>
      %dma_wait3A_33 = tpu.memref_squeeze %dma_wait3A_32 : memref<1x10000xi32, #tpu.memory_space<hbm>> -> memref<10000xi32, #tpu.memory_space<hbm>>
      %dma_wait3A_34 = arith.constant 0 : i32
      %dma_wait3A_35 = tpu.memref_slice %arg3[%add3A, %dma_wait3A_34] : memref<32x10000xi32, #tpu.memory_space<hbm>> -> memref<1x10000xi32, #tpu.memory_space<hbm>>
      %dma_wait3A_36 = tpu.memref_squeeze %dma_wait3A_35 : memref<1x10000xi32, #tpu.memory_space<hbm>> -> memref<10000xi32, #tpu.memory_space<hbm>>
      tpu.wait_dma2 semaphore(%run_scoped3A_24 : memref<!tpu.dma_semaphore, #tpu.memory_space<semaphore_mem>>) src(%dma_wait3A_36 : memref<10000xi32, #tpu.memory_space<hbm>>) dst(%arg7 : memref<10000xi32, #tpu.memory_space<vmem>>)
      tpu.yield
    }) : () -> ()
    "tpu.region"() ({
      %run_scoped3A_24 = tpu.sem_alloc : memref<!tpu.dma_semaphore, #tpu.memory_space<semaphore_mem>>
      %dma_start3A_25 = arith.constant 0 : i32
      %dma_start3A_26 = arith.constant 0 : i32
      %dma_start3A_27 = tpu.memref_slice %arg4[%add3A, %dma_start3A_25, %dma_start3A_26] : memref<32x125x80xi32, #tpu.memory_space<hbm>> -> memref<1x125x80xi32, #tpu.memory_space<hbm>>
      %dma_start3A_28 = tpu.memref_squeeze %dma_start3A_27 : memref<1x125x80xi32, #tpu.memory_space<hbm>> -> memref<125x80xi32, #tpu.memory_space<hbm>>
      %dma_start3A_29 = arith.constant 0 : i32
      %dma_start3A_30 = arith.constant 0 : i32
      %dma_start3A_31 = tpu.memref_slice %arg4[%add3A, %dma_start3A_29, %dma_start3A_30] : memref<32x125x80xi32, #tpu.memory_space<hbm>> -> memref<1x125x80xi32, #tpu.memory_space<hbm>>
      %dma_start3A_32 = tpu.memref_squeeze %dma_start3A_31 : memref<1x125x80xi32, #tpu.memory_space<hbm>> -> memref<125x80xi32, #tpu.memory_space<hbm>>
      tpu.enqueue_dma source(%dma_start3A_32 : memref<125x80xi32, #tpu.memory_space<hbm>>) target(%arg8 : memref<125x80xi32, #tpu.memory_space<vmem>>) target_semaphore(%run_scoped3A_24 : memref<!tpu.dma_semaphore, #tpu.memory_space<semaphore_mem>>)
      %dma_wait3A_33 = arith.constant 0 : i32
      %dma_wait3A_34 = arith.constant 0 : i32
      %dma_wait3A_35 = tpu.memref_slice %arg4[%add3A, %dma_wait3A_33, %dma_wait3A_34] : memref<32x125x80xi32, #tpu.memory_space<hbm>> -> memref<1x125x80xi32, #tpu.memory_space<hbm>>
      %dma_wait3A_36 = tpu.memref_squeeze %dma_wait3A_35 : memref<1x125x80xi32, #tpu.memory_space<hbm>> -> memref<125x80xi32, #tpu.memory_space<hbm>>
      %dma_wait3A_37 = arith.constant 0 : i32
      %dma_wait3A_38 = arith.constant 0 : i32
      %dma_wait3A_39 = tpu.memref_slice %arg4[%add3A, %dma_wait3A_37, %dma_wait3A_38] : memref<32x125x80xi32, #tpu.memory_space<hbm>> -> memref<1x125x80xi32, #tpu.memory_space<hbm>>
      %dma_wait3A_40 = tpu.memref_squeeze %dma_wait3A_39 : memref<1x125x80xi32, #tpu.memory_space<hbm>> -> memref<125x80xi32, #tpu.memory_space<hbm>>
      tpu.wait_dma2 semaphore(%run_scoped3A_24 : memref<!tpu.dma_semaphore, #tpu.memory_space<semaphore_mem>>) src(%dma_wait3A_40 : memref<125x80xi32, #tpu.memory_space<hbm>>) dst(%arg8 : memref<125x80xi32, #tpu.memory_space<vmem>>)
      tpu.yield
    }) : () -> ()
    %barrier3A = arith.constant 0 : index
    tpu.barrier barrier_id(%barrier3A)
    %dma_start3A = arith.constant 0 : i32
    %dma_start3A_5 = tpu.memref_slice %arg7[%dma_start3A] : memref<10000xi32, #tpu.memory_space<vmem>> -> memref<80xi32, #tpu.memory_space<vmem>>
    %dma_start3A_6 = arith.constant 0 : i32
    %dma_start3A_7 = arith.constant 0 : i32
    %dma_start3A_8 = tpu.memref_slice %arg2[%dma_start3A_6, %dma_start3A_7] : memref<10240x128xf32, #tpu.memory_space<hbm>> -> memref<10240x128xf32, #tpu.memory_space<hbm>>
    tpu.enqueue_indirect_dma source(%dma_start3A_8 : memref<10240x128xf32, #tpu.memory_space<hbm>>) target(%arg9 : memref<80x128xf32, #tpu.memory_space<vmem>>) offsets(%dma_start3A_5 : memref<80xi32, #tpu.memory_space<vmem>>) semaphore(%arg11 : memref<!tpu.dma_semaphore, #tpu.memory_space<semaphore_mem>>)
    %scan3A = arith.constant 0 : i32
    %scan3A_9 = arith.constant 0 : i32
    %scan3A_10 = arith.constant 62 : i32
    %scan3A_11 = arith.addi %scan3A_9, %scan3A_10 : i32
    %scan3A_12 = arith.constant 1 : i32
    %scan3A_13 = scf.for %scan3A_24 = %scan3A_9 to %scan3A_11 step %scan3A_12 iter_args(%scan3A_25 = %scan3A) -> (i32)  : i32 {
      %mul3A_26 = arith.constant 2 : i32
      %mul3A_27 = arith.muli %mul3A_26, %scan3A_24 : i32
      %add3A_28 = arith.constant 1 : i32
      %add3A_29 = arith.addi %mul3A_27, %add3A_28 : i32
      %mul3A_30 = arith.constant 80 : i32
      %mul3A_31 = arith.muli %add3A_29, %mul3A_30 : i32
      %dma_start3A_32 = tpu.memref_slice %arg7[%mul3A_31] : memref<10000xi32, #tpu.memory_space<vmem>> -> memref<80xi32, #tpu.memory_space<vmem>>
      %dma_start3A_33 = arith.constant 0 : i32
      %dma_start3A_34 = arith.constant 0 : i32
      %dma_start3A_35 = tpu.memref_slice %arg2[%dma_start3A_33, %dma_start3A_34] : memref<10240x128xf32, #tpu.memory_space<hbm>> -> memref<10240x128xf32, #tpu.memory_space<hbm>>
      tpu.enqueue_indirect_dma source(%dma_start3A_35 : memref<10240x128xf32, #tpu.memory_space<hbm>>) target(%arg10 : memref<80x128xf32, #tpu.memory_space<vmem>>) offsets(%dma_start3A_32 : memref<80xi32, #tpu.memory_space<vmem>>) semaphore(%arg12 : memref<!tpu.dma_semaphore, #tpu.memory_space<semaphore_mem>>)
      %mul3A_36 = arith.constant 80 : i32
      %mul3A_37 = arith.muli %mul3A_27, %mul3A_36 : i32
      %dma_wait3A_38 = tpu.memref_slice %arg7[%mul3A_37] : memref<10000xi32, #tpu.memory_space<vmem>> -> memref<80xi32, #tpu.memory_space<vmem>>
      %dma_wait3A_39 = arith.constant 0 : i32
      %dma_wait3A_40 = arith.constant 0 : i32
      %dma_wait3A_41 = tpu.memref_slice %arg2[%dma_wait3A_39, %dma_wait3A_40] : memref<10240x128xf32, #tpu.memory_space<hbm>> -> memref<10240x128xf32, #tpu.memory_space<hbm>>
      tpu.wait_indirect_dma semaphore(%arg11 : memref<!tpu.dma_semaphore, #tpu.memory_space<semaphore_mem>>) src(%dma_wait3A_41 : memref<10240x128xf32, #tpu.memory_space<hbm>>) dst(%arg9 : memref<80x128xf32, #tpu.memory_space<vmem>>)
      "tpu.region"() ({
        %run_scoped3A_57 = tpu.sem_alloc : memref<!tpu.dma_semaphore, #tpu.memory_space<semaphore_mem>>
        %dma_start3A_58 = arith.constant 0 : i32
        %dma_start3A_59 = tpu.memref_slice %arg8[%mul3A_27, %dma_start3A_58] : memref<125x80xi32, #tpu.memory_space<vmem>> -> memref<1x80xi32, #tpu.memory_space<vmem>>
        %dma_start3A_60 = tpu.memref_squeeze %dma_start3A_59 : memref<1x80xi32, #tpu.memory_space<vmem>> -> memref<80xi32, #tpu.memory_space<vmem>>
        %dma_start3A_61 = arith.constant 0 : i32
        %dma_start3A_62 = arith.constant 0 : i32
        %dma_start3A_63 = tpu.memref_slice %arg6[%dma_start3A_61, %dma_start3A_62] : memref<10240x128xf32, #tpu.memory_space<vmem_shared>> -> memref<10240x128xf32, #tpu.memory_space<vmem_shared>>
        tpu.enqueue_indirect_dma source(%arg9 : memref<80x128xf32, #tpu.memory_space<vmem>>) target(%dma_start3A_63 : memref<10240x128xf32, #tpu.memory_space<vmem_shared>>) offsets(%dma_start3A_60 : memref<80xi32, #tpu.memory_space<vmem>>) semaphore(%run_scoped3A_57 : memref<!tpu.dma_semaphore, #tpu.memory_space<semaphore_mem>>) {add = true}
        %dma_wait3A_64 = arith.constant 0 : i32
        %dma_wait3A_65 = tpu.memref_slice %arg8[%mul3A_27, %dma_wait3A_64] : memref<125x80xi32, #tpu.memory_space<vmem>> -> memref<1x80xi32, #tpu.memory_space<vmem>>
        %dma_wait3A_66 = tpu.memref_squeeze %dma_wait3A_65 : memref<1x80xi32, #tpu.memory_space<vmem>> -> memref<80xi32, #tpu.memory_space<vmem>>
        %dma_wait3A_67 = arith.constant 0 : i32
        %dma_wait3A_68 = arith.constant 0 : i32
        %dma_wait3A_69 = tpu.memref_slice %arg6[%dma_wait3A_67, %dma_wait3A_68] : memref<10240x128xf32, #tpu.memory_space<vmem_shared>> -> memref<10240x128xf32, #tpu.memory_space<vmem_shared>>
        tpu.wait_indirect_dma semaphore(%run_scoped3A_57 : memref<!tpu.dma_semaphore, #tpu.memory_space<semaphore_mem>>) src(%arg9 : memref<80x128xf32, #tpu.memory_space<vmem>>) dst(%dma_wait3A_69 : memref<10240x128xf32, #tpu.memory_space<vmem_shared>>)
        tpu.yield
      }) : () -> ()
      %add3A_42 = arith.constant 2 : i32
      %add3A_43 = arith.addi %mul3A_27, %add3A_42 : i32
      %mul3A_44 = arith.constant 80 : i32
      %mul3A_45 = arith.muli %add3A_43, %mul3A_44 : i32
      %dma_start3A_46 = tpu.memref_slice %arg7[%mul3A_45] : memref<10000xi32, #tpu.memory_space<vmem>> -> memref<80xi32, #tpu.memory_space<vmem>>
      %dma_start3A_47 = arith.constant 0 : i32
      %dma_start3A_48 = arith.constant 0 : i32
      %dma_start3A_49 = tpu.memref_slice %arg2[%dma_start3A_47, %dma_start3A_48] : memref<10240x128xf32, #tpu.memory_space<hbm>> -> memref<10240x128xf32, #tpu.memory_space<hbm>>
      tpu.enqueue_indirect_dma source(%dma_start3A_49 : memref<10240x128xf32, #tpu.memory_space<hbm>>) target(%arg9 : memref<80x128xf32, #tpu.memory_space<vmem>>) offsets(%dma_start3A_46 : memref<80xi32, #tpu.memory_space<vmem>>) semaphore(%arg11 : memref<!tpu.dma_semaphore, #tpu.memory_space<semaphore_mem>>)
      %dma_wait3A_50 = tpu.memref_slice %arg7[%mul3A_31] : memref<10000xi32, #tpu.memory_space<vmem>> -> memref<80xi32, #tpu.memory_space<vmem>>
      %dma_wait3A_51 = arith.constant 0 : i32
      %dma_wait3A_52 = arith.constant 0 : i32
      %dma_wait3A_53 = tpu.memref_slice %arg2[%dma_wait3A_51, %dma_wait3A_52] : memref<10240x128xf32, #tpu.memory_space<hbm>> -> memref<10240x128xf32, #tpu.memory_space<hbm>>
      tpu.wait_indirect_dma semaphore(%arg12 : memref<!tpu.dma_semaphore, #tpu.memory_space<semaphore_mem>>) src(%dma_wait3A_53 : memref<10240x128xf32, #tpu.memory_space<hbm>>) dst(%arg10 : memref<80x128xf32, #tpu.memory_space<vmem>>)
      %add3A_54 = arith.constant 1 : i32
      %add3A_55 = arith.addi %mul3A_27, %add3A_54 : i32
      "tpu.region"() ({
        %run_scoped3A_57 = tpu.sem_alloc : memref<!tpu.dma_semaphore, #tpu.memory_space<semaphore_mem>>
        %dma_start3A_58 = arith.constant 0 : i32
        %dma_start3A_59 = tpu.memref_slice %arg8[%add3A_55, %dma_start3A_58] : memref<125x80xi32, #tpu.memory_space<vmem>> -> memref<1x80xi32, #tpu.memory_space<vmem>>
        %dma_start3A_60 = tpu.memref_squeeze %dma_start3A_59 : memref<1x80xi32, #tpu.memory_space<vmem>> -> memref<80xi32, #tpu.memory_space<vmem>>
        %dma_start3A_61 = arith.constant 0 : i32
        %dma_start3A_62 = arith.constant 0 : i32
        %dma_start3A_63 = tpu.memref_slice %arg6[%dma_start3A_61, %dma_start3A_62] : memref<10240x128xf32, #tpu.memory_space<vmem_shared>> -> memref<10240x128xf32, #tpu.memory_space<vmem_shared>>
        tpu.enqueue_indirect_dma source(%arg10 : memref<80x128xf32, #tpu.memory_space<vmem>>) target(%dma_start3A_63 : memref<10240x128xf32, #tpu.memory_space<vmem_shared>>) offsets(%dma_start3A_60 : memref<80xi32, #tpu.memory_space<vmem>>) semaphore(%run_scoped3A_57 : memref<!tpu.dma_semaphore, #tpu.memory_space<semaphore_mem>>) {add = true}
        %dma_wait3A_64 = arith.constant 0 : i32
        %dma_wait3A_65 = tpu.memref_slice %arg8[%add3A_55, %dma_wait3A_64] : memref<125x80xi32, #tpu.memory_space<vmem>> -> memref<1x80xi32, #tpu.memory_space<vmem>>
        %dma_wait3A_66 = tpu.memref_squeeze %dma_wait3A_65 : memref<1x80xi32, #tpu.memory_space<vmem>> -> memref<80xi32, #tpu.memory_space<vmem>>
        %dma_wait3A_67 = arith.constant 0 : i32
        %dma_wait3A_68 = arith.constant 0 : i32
        %dma_wait3A_69 = tpu.memref_slice %arg6[%dma_wait3A_67, %dma_wait3A_68] : memref<10240x128xf32, #tpu.memory_space<vmem_shared>> -> memref<10240x128xf32, #tpu.memory_space<vmem_shared>>
        tpu.wait_indirect_dma semaphore(%run_scoped3A_57 : memref<!tpu.dma_semaphore, #tpu.memory_space<semaphore_mem>>) src(%arg10 : memref<80x128xf32, #tpu.memory_space<vmem>>) dst(%dma_wait3A_69 : memref<10240x128xf32, #tpu.memory_space<vmem_shared>>)
        tpu.yield
      }) : () -> ()
      %scan3A_56 = arith.constant 0 : i32
      scf.yield %scan3A_56 : i32
    }
    %scan3A_14 = arith.constant 62 : i32
    %dma_wait3A = arith.constant 9920 : i32
    %dma_wait3A_15 = tpu.memref_slice %arg7[%dma_wait3A] : memref<10000xi32, #tpu.memory_space<vmem>> -> memref<80xi32, #tpu.memory_space<vmem>>
    %dma_wait3A_16 = arith.constant 0 : i32
    %dma_wait3A_17 = arith.constant 0 : i32
    %dma_wait3A_18 = tpu.memref_slice %arg2[%dma_wait3A_16, %dma_wait3A_17] : memref<10240x128xf32, #tpu.memory_space<hbm>> -> memref<10240x128xf32, #tpu.memory_space<hbm>>
    tpu.wait_indirect_dma semaphore(%arg11 : memref<!tpu.dma_semaphore, #tpu.memory_space<semaphore_mem>>) src(%dma_wait3A_18 : memref<10240x128xf32, #tpu.memory_space<hbm>>) dst(%arg9 : memref<80x128xf32, #tpu.memory_space<vmem>>)
    %run_scoped3A = arith.constant 124 : i32
    "tpu.region"() ({
      %run_scoped3A_24 = tpu.sem_alloc : memref<!tpu.dma_semaphore, #tpu.memory_space<semaphore_mem>>
      %dma_start3A_25 = arith.constant 0 : i32
      %dma_start3A_26 = tpu.memref_slice %arg8[%run_scoped3A, %dma_start3A_25] : memref<125x80xi32, #tpu.memory_space<vmem>> -> memref<1x80xi32, #tpu.memory_space<vmem>>
      %dma_start3A_27 = tpu.memref_squeeze %dma_start3A_26 : memref<1x80xi32, #tpu.memory_space<vmem>> -> memref<80xi32, #tpu.memory_space<vmem>>
      %dma_start3A_28 = arith.constant 0 : i32
      %dma_start3A_29 = arith.constant 0 : i32
      %dma_start3A_30 = tpu.memref_slice %arg6[%dma_start3A_28, %dma_start3A_29] : memref<10240x128xf32, #tpu.memory_space<vmem_shared>> -> memref<10240x128xf32, #tpu.memory_space<vmem_shared>>
      tpu.enqueue_indirect_dma source(%arg9 : memref<80x128xf32, #tpu.memory_space<vmem>>) target(%dma_start3A_30 : memref<10240x128xf32, #tpu.memory_space<vmem_shared>>) offsets(%dma_start3A_27 : memref<80xi32, #tpu.memory_space<vmem>>) semaphore(%run_scoped3A_24 : memref<!tpu.dma_semaphore, #tpu.memory_space<semaphore_mem>>) {add = true}
      %dma_wait3A_31 = arith.constant 0 : i32
      %dma_wait3A_32 = tpu.memref_slice %arg8[%run_scoped3A, %dma_wait3A_31] : memref<125x80xi32, #tpu.memory_space<vmem>> -> memref<1x80xi32, #tpu.memory_space<vmem>>
      %dma_wait3A_33 = tpu.memref_squeeze %dma_wait3A_32 : memref<1x80xi32, #tpu.memory_space<vmem>> -> memref<80xi32, #tpu.memory_space<vmem>>
      %dma_wait3A_34 = arith.constant 0 : i32
      %dma_wait3A_35 = arith.constant 0 : i32
      %dma_wait3A_36 = tpu.memref_slice %arg6[%dma_wait3A_34, %dma_wait3A_35] : memref<10240x128xf32, #tpu.memory_space<vmem_shared>> -> memref<10240x128xf32, #tpu.memory_space<vmem_shared>>
      tpu.wait_indirect_dma semaphore(%run_scoped3A_24 : memref<!tpu.dma_semaphore, #tpu.memory_space<semaphore_mem>>) src(%arg9 : memref<80x128xf32, #tpu.memory_space<vmem>>) dst(%dma_wait3A_36 : memref<10240x128xf32, #tpu.memory_space<vmem_shared>>)
      tpu.yield
    }) : () -> ()
    %barrier3A_19 = arith.constant 0 : index
    tpu.barrier barrier_id(%barrier3A_19)
    %mul3A_20 = arith.constant 640 : i32
    %mul3A_21 = arith.muli %arg1, %mul3A_20 : i32
    %mul3A_22 = arith.constant 640 : i32
    %mul3A_23 = arith.muli %arg1, %mul3A_22 : i32
    "tpu.region"() ({
      %run_scoped3A_24 = tpu.sem_alloc : memref<!tpu.dma_semaphore, #tpu.memory_space<semaphore_mem>>
      %dma_start3A_25 = arith.constant 0 : i32
      %dma_start3A_26 = tpu.memref_slice %arg5[%arg0, %mul3A_23, %dma_start3A_25] : memref<2x10240x128xf32, #tpu.memory_space<hbm>> -> memref<1x640x128xf32, #tpu.memory_space<hbm>>
      %dma_start3A_27 = tpu.memref_squeeze %dma_start3A_26 : memref<1x640x128xf32, #tpu.memory_space<hbm>> -> memref<640x128xf32, #tpu.memory_space<hbm>>
      %dma_start3A_28 = arith.constant 0 : i32
      %dma_start3A_29 = tpu.memref_slice %arg6[%mul3A_21, %dma_start3A_28] : memref<10240x128xf32, #tpu.memory_space<vmem_shared>> -> memref<640x128xf32, #tpu.memory_space<vmem_shared>>
      tpu.enqueue_dma source(%dma_start3A_29 : memref<640x128xf32, #tpu.memory_space<vmem_shared>>) target(%dma_start3A_27 : memref<640x128xf32, #tpu.memory_space<hbm>>) target_semaphore(%run_scoped3A_24 : memref<!tpu.dma_semaphore, #tpu.memory_space<semaphore_mem>>)
      %dma_wait3A_30 = arith.constant 0 : i32
      %dma_wait3A_31 = tpu.memref_slice %arg5[%arg0, %mul3A_23, %dma_wait3A_30] : memref<2x10240x128xf32, #tpu.memory_space<hbm>> -> memref<1x640x128xf32, #tpu.memory_space<hbm>>
      %dma_wait3A_32 = tpu.memref_squeeze %dma_wait3A_31 : memref<1x640x128xf32, #tpu.memory_space<hbm>> -> memref<640x128xf32, #tpu.memory_space<hbm>>
      %dma_wait3A_33 = arith.constant 0 : i32
      %dma_wait3A_34 = tpu.memref_slice %arg6[%mul3A_21, %dma_wait3A_33] : memref<10240x128xf32, #tpu.memory_space<vmem_shared>> -> memref<640x128xf32, #tpu.memory_space<vmem_shared>>
      tpu.wait_dma2 semaphore(%run_scoped3A_24 : memref<!tpu.dma_semaphore, #tpu.memory_space<semaphore_mem>>) src(%dma_wait3A_34 : memref<640x128xf32, #tpu.memory_space<vmem_shared>>) dst(%dma_wait3A_32 : memref<640x128xf32, #tpu.memory_space<hbm>>)
      tpu.yield
    }) : () -> ()
    return
  }
}

#map = affine_map<(d0, d1) -> (0, 0)>
#map1 = affine_map<(d0, d1) -> (0, 0, 0)>
module attributes {stable_mosaic.version = 14 : i64} {
  func.func @spmm_sc(%arg0: i32, %arg1: i32, %arg2: memref<10240x128xf32, #tpu.memory_space<hbm>>, %arg3: memref<32x10000xi32, #tpu.memory_space<hbm>>, %arg4: memref<32x125x80xi32, #tpu.memory_space<hbm>>, %arg5: memref<2x10240x128xf32, #tpu.memory_space<hbm>>, %arg6: memref<10240x128xf32, #tpu.memory_space<vmem_shared>>, %arg7: memref<10000xi32, #tpu.memory_space<vmem>>, %arg8: memref<125x80xi32, #tpu.memory_space<vmem>>, %arg9: memref<80x128xf32, #tpu.memory_space<vmem>>, %arg10: memref<80x128xf32, #tpu.memory_space<vmem>>, %arg11: memref<!tpu.dma_semaphore, #tpu.memory_space<semaphore_mem>>, %arg12: memref<!tpu.dma_semaphore, #tpu.memory_space<semaphore_mem>>) attributes {dimension_semantics = [#tpu.dimension_semantics<core_parallel>, #tpu.dimension_semantics<subcore_parallel>], iteration_bounds = array<i64: 2, 16>, scalar_prefetch = 0 : i64, scratch_operands = 7 : i64, tpu.core_type = #tpu.core_type<sc_vector_subcore>, window_params = [{transform_indices = #map}, {transform_indices = #map}, {transform_indices = #map1}, {transform_indices = #map1}]} {
    %mul3A = arith.constant 2 : i32
    %mul3A_0 = arith.muli %arg1, %mul3A : i32
    %add3A = arith.addi %mul3A_0, %arg0 : i32
    %mul3A_1 = arith.constant 640 : i32
    %mul3A_2 = arith.muli %arg1, %mul3A_1 : i32
    %mul3A_3 = arith.constant 640 : i32
    %mul3A_4 = arith.muli %arg1, %mul3A_3 : i32
    "tpu.region"() ({
      %run_scoped3A_24 = tpu.sem_alloc : memref<!tpu.dma_semaphore, #tpu.memory_space<semaphore_mem>>
      %dma_start3A_25 = arith.constant 0 : i32
      %dma_start3A_26 = tpu.memref_slice %arg6[%mul3A_4, %dma_start3A_25] : memref<10240x128xf32, #tpu.memory_space<vmem_shared>> -> memref<640x128xf32, #tpu.memory_space<vmem_shared>>
      %dma_start3A_27 = arith.constant 0 : i32
      %dma_start3A_28 = tpu.memref_slice %arg2[%mul3A_2, %dma_start3A_27] : memref<10240x128xf32, #tpu.memory_space<hbm>> -> memref<640x128xf32, #tpu.memory_space<hbm>>
      tpu.enqueue_dma source(%dma_start3A_28 : memref<640x128xf32, #tpu.memory_space<hbm>>) target(%dma_start3A_26 : memref<640x128xf32, #tpu.memory_space<vmem_shared>>) target_semaphore(%run_scoped3A_24 : memref<!tpu.dma_semaphore, #tpu.memory_space<semaphore_mem>>)
      %dma_wait3A_29 = arith.constant 0 : i32
      %dma_wait3A_30 = tpu.memref_slice %arg6[%mul3A_4, %dma_wait3A_29] : memref<10240x128xf32, #tpu.memory_space<vmem_shared>> -> memref<640x128xf32, #tpu.memory_space<vmem_shared>>
      %dma_wait3A_31 = arith.constant 0 : i32
      %dma_wait3A_32 = tpu.memref_slice %arg2[%mul3A_2, %dma_wait3A_31] : memref<10240x128xf32, #tpu.memory_space<hbm>> -> memref<640x128xf32, #tpu.memory_space<hbm>>
      tpu.wait_dma2 semaphore(%run_scoped3A_24 : memref<!tpu.dma_semaphore, #tpu.memory_space<semaphore_mem>>) src(%dma_wait3A_32 : memref<640x128xf32, #tpu.memory_space<hbm>>) dst(%dma_wait3A_30 : memref<640x128xf32, #tpu.memory_space<vmem_shared>>)
      tpu.yield
    }) : () -> ()
    "tpu.region"() ({
      %run_scoped3A_24 = tpu.sem_alloc : memref<!tpu.dma_semaphore, #tpu.memory_space<semaphore_mem>>
      %dma_start3A_25 = arith.constant 0 : i32
      %dma_start3A_26 = tpu.memref_slice %arg3[%add3A, %dma_start3A_25] : memref<32x10000xi32, #tpu.memory_space<hbm>> -> memref<1x10000xi32, #tpu.memory_space<hbm>>
      %dma_start3A_27 = tpu.memref_squeeze %dma_start3A_26 : memref<1x10000xi32, #tpu.memory_space<hbm>> -> memref<10000xi32, #tpu.memory_space<hbm>>
      %dma_start3A_28 = arith.constant 0 : i32
      %dma_start3A_29 = tpu.memref_slice %arg3[%add3A, %dma_start3A_28] : memref<32x10000xi32, #tpu.memory_space<hbm>> -> memref<1x10000xi32, #tpu.memory_space<hbm>>
      %dma_start3A_30 = tpu.memref_squeeze %dma_start3A_29 : memref<1x10000xi32, #tpu.memory_space<hbm>> -> memref<10000xi32, #tpu.memory_space<hbm>>
      tpu.enqueue_dma source(%dma_start3A_30 : memref<10000xi32, #tpu.memory_space<hbm>>) target(%arg7 : memref<10000xi32, #tpu.memory_space<vmem>>) target_semaphore(%run_scoped3A_24 : memref<!tpu.dma_semaphore, #tpu.memory_space<semaphore_mem>>)
      %dma_wait3A_31 = arith.constant 0 : i32
      %dma_wait3A_32 = tpu.memref_slice %arg3[%add3A, %dma_wait3A_31] : memref<32x10000xi32, #tpu.memory_space<hbm>> -> memref<1x10000xi32, #tpu.memory_space<hbm>>
      %dma_wait3A_33 = tpu.memref_squeeze %dma_wait3A_32 : memref<1x10000xi32, #tpu.memory_space<hbm>> -> memref<10000xi32, #tpu.memory_space<hbm>>
      %dma_wait3A_34 = arith.constant 0 : i32
      %dma_wait3A_35 = tpu.memref_slice %arg3[%add3A, %dma_wait3A_34] : memref<32x10000xi32, #tpu.memory_space<hbm>> -> memref<1x10000xi32, #tpu.memory_space<hbm>>
      %dma_wait3A_36 = tpu.memref_squeeze %dma_wait3A_35 : memref<1x10000xi32, #tpu.memory_space<hbm>> -> memref<10000xi32, #tpu.memory_space<hbm>>
      tpu.wait_dma2 semaphore(%run_scoped3A_24 : memref<!tpu.dma_semaphore, #tpu.memory_space<semaphore_mem>>) src(%dma_wait3A_36 : memref<10000xi32, #tpu.memory_space<hbm>>) dst(%arg7 : memref<10000xi32, #tpu.memory_space<vmem>>)
      tpu.yield
    }) : () -> ()
    "tpu.region"() ({
      %run_scoped3A_24 = tpu.sem_alloc : memref<!tpu.dma_semaphore, #tpu.memory_space<semaphore_mem>>
      %dma_start3A_25 = arith.constant 0 : i32
      %dma_start3A_26 = arith.constant 0 : i32
      %dma_start3A_27 = tpu.memref_slice %arg4[%add3A, %dma_start3A_25, %dma_start3A_26] : memref<32x125x80xi32, #tpu.memory_space<hbm>> -> memref<1x125x80xi32, #tpu.memory_space<hbm>>
      %dma_start3A_28 = tpu.memref_squeeze %dma_start3A_27 : memref<1x125x80xi32, #tpu.memory_space<hbm>> -> memref<125x80xi32, #tpu.memory_space<hbm>>
      %dma_start3A_29 = arith.constant 0 : i32
      %dma_start3A_30 = arith.constant 0 : i32
      %dma_start3A_31 = tpu.memref_slice %arg4[%add3A, %dma_start3A_29, %dma_start3A_30] : memref<32x125x80xi32, #tpu.memory_space<hbm>> -> memref<1x125x80xi32, #tpu.memory_space<hbm>>
      %dma_start3A_32 = tpu.memref_squeeze %dma_start3A_31 : memref<1x125x80xi32, #tpu.memory_space<hbm>> -> memref<125x80xi32, #tpu.memory_space<hbm>>
      tpu.enqueue_dma source(%dma_start3A_32 : memref<125x80xi32, #tpu.memory_space<hbm>>) target(%arg8 : memref<125x80xi32, #tpu.memory_space<vmem>>) target_semaphore(%run_scoped3A_24 : memref<!tpu.dma_semaphore, #tpu.memory_space<semaphore_mem>>)
      %dma_wait3A_33 = arith.constant 0 : i32
      %dma_wait3A_34 = arith.constant 0 : i32
      %dma_wait3A_35 = tpu.memref_slice %arg4[%add3A, %dma_wait3A_33, %dma_wait3A_34] : memref<32x125x80xi32, #tpu.memory_space<hbm>> -> memref<1x125x80xi32, #tpu.memory_space<hbm>>
      %dma_wait3A_36 = tpu.memref_squeeze %dma_wait3A_35 : memref<1x125x80xi32, #tpu.memory_space<hbm>> -> memref<125x80xi32, #tpu.memory_space<hbm>>
      %dma_wait3A_37 = arith.constant 0 : i32
      %dma_wait3A_38 = arith.constant 0 : i32
      %dma_wait3A_39 = tpu.memref_slice %arg4[%add3A, %dma_wait3A_37, %dma_wait3A_38] : memref<32x125x80xi32, #tpu.memory_space<hbm>> -> memref<1x125x80xi32, #tpu.memory_space<hbm>>
      %dma_wait3A_40 = tpu.memref_squeeze %dma_wait3A_39 : memref<1x125x80xi32, #tpu.memory_space<hbm>> -> memref<125x80xi32, #tpu.memory_space<hbm>>
      tpu.wait_dma2 semaphore(%run_scoped3A_24 : memref<!tpu.dma_semaphore, #tpu.memory_space<semaphore_mem>>) src(%dma_wait3A_40 : memref<125x80xi32, #tpu.memory_space<hbm>>) dst(%arg8 : memref<125x80xi32, #tpu.memory_space<vmem>>)
      tpu.yield
    }) : () -> ()
    %barrier3A = arith.constant 0 : index
    tpu.barrier barrier_id(%barrier3A)
    %dma_start3A = arith.constant 0 : i32
    %dma_start3A_5 = tpu.memref_slice %arg7[%dma_start3A] : memref<10000xi32, #tpu.memory_space<vmem>> -> memref<80xi32, #tpu.memory_space<vmem>>
    %dma_start3A_6 = arith.constant 0 : i32
    %dma_start3A_7 = arith.constant 0 : i32
    %dma_start3A_8 = tpu.memref_slice %arg2[%dma_start3A_6, %dma_start3A_7] : memref<10240x128xf32, #tpu.memory_space<hbm>> -> memref<10240x128xf32, #tpu.memory_space<hbm>>
    tpu.enqueue_indirect_dma source(%dma_start3A_8 : memref<10240x128xf32, #tpu.memory_space<hbm>>) target(%arg9 : memref<80x128xf32, #tpu.memory_space<vmem>>) offsets(%dma_start3A_5 : memref<80xi32, #tpu.memory_space<vmem>>) semaphore(%arg11 : memref<!tpu.dma_semaphore, #tpu.memory_space<semaphore_mem>>)
    %scan3A = arith.constant 0 : i32
    %scan3A_9 = arith.constant 0 : i32
    %scan3A_10 = arith.constant 62 : i32
    %scan3A_11 = arith.addi %scan3A_9, %scan3A_10 : i32
    %scan3A_12 = arith.constant 1 : i32
    %scan3A_13 = scf.for %scan3A_24 = %scan3A_9 to %scan3A_11 step %scan3A_12 iter_args(%scan3A_25 = %scan3A) -> (i32)  : i32 {
      %mul3A_26 = arith.constant 2 : i32
      %mul3A_27 = arith.muli %mul3A_26, %scan3A_24 : i32
      %add3A_28 = arith.constant 1 : i32
      %add3A_29 = arith.addi %mul3A_27, %add3A_28 : i32
      %mul3A_30 = arith.constant 80 : i32
      %mul3A_31 = arith.muli %add3A_29, %mul3A_30 : i32
      %dma_start3A_32 = tpu.memref_slice %arg7[%mul3A_31] : memref<10000xi32, #tpu.memory_space<vmem>> -> memref<80xi32, #tpu.memory_space<vmem>>
      %dma_start3A_33 = arith.constant 0 : i32
      %dma_start3A_34 = arith.constant 0 : i32
      %dma_start3A_35 = tpu.memref_slice %arg2[%dma_start3A_33, %dma_start3A_34] : memref<10240x128xf32, #tpu.memory_space<hbm>> -> memref<10240x128xf32, #tpu.memory_space<hbm>>
      tpu.enqueue_indirect_dma source(%dma_start3A_35 : memref<10240x128xf32, #tpu.memory_space<hbm>>) target(%arg10 : memref<80x128xf32, #tpu.memory_space<vmem>>) offsets(%dma_start3A_32 : memref<80xi32, #tpu.memory_space<vmem>>) semaphore(%arg12 : memref<!tpu.dma_semaphore, #tpu.memory_space<semaphore_mem>>)
      %mul3A_36 = arith.constant 80 : i32
      %mul3A_37 = arith.muli %mul3A_27, %mul3A_36 : i32
      %dma_wait3A_38 = tpu.memref_slice %arg7[%mul3A_37] : memref<10000xi32, #tpu.memory_space<vmem>> -> memref<80xi32, #tpu.memory_space<vmem>>
      %dma_wait3A_39 = arith.constant 0 : i32
      %dma_wait3A_40 = arith.constant 0 : i32
      %dma_wait3A_41 = tpu.memref_slice %arg2[%dma_wait3A_39, %dma_wait3A_40] : memref<10240x128xf32, #tpu.memory_space<hbm>> -> memref<10240x128xf32, #tpu.memory_space<hbm>>
      tpu.wait_indirect_dma semaphore(%arg11 : memref<!tpu.dma_semaphore, #tpu.memory_space<semaphore_mem>>) src(%dma_wait3A_41 : memref<10240x128xf32, #tpu.memory_space<hbm>>) dst(%arg9 : memref<80x128xf32, #tpu.memory_space<vmem>>)
      "tpu.region"() ({
        %run_scoped3A_57 = tpu.sem_alloc : memref<!tpu.dma_semaphore, #tpu.memory_space<semaphore_mem>>
        %dma_start3A_58 = arith.constant 0 : i32
        %dma_start3A_59 = tpu.memref_slice %arg8[%mul3A_27, %dma_start3A_58] : memref<125x80xi32, #tpu.memory_space<vmem>> -> memref<1x80xi32, #tpu.memory_space<vmem>>
        %dma_start3A_60 = tpu.memref_squeeze %dma_start3A_59 : memref<1x80xi32, #tpu.memory_space<vmem>> -> memref<80xi32, #tpu.memory_space<vmem>>
        %dma_start3A_61 = arith.constant 0 : i32
        %dma_start3A_62 = arith.constant 0 : i32
        %dma_start3A_63 = tpu.memref_slice %arg6[%dma_start3A_61, %dma_start3A_62] : memref<10240x128xf32, #tpu.memory_space<vmem_shared>> -> memref<10240x128xf32, #tpu.memory_space<vmem_shared>>
        tpu.enqueue_indirect_dma source(%arg9 : memref<80x128xf32, #tpu.memory_space<vmem>>) target(%dma_start3A_63 : memref<10240x128xf32, #tpu.memory_space<vmem_shared>>) offsets(%dma_start3A_60 : memref<80xi32, #tpu.memory_space<vmem>>) semaphore(%run_scoped3A_57 : memref<!tpu.dma_semaphore, #tpu.memory_space<semaphore_mem>>) {add = true}
        %dma_wait3A_64 = arith.constant 0 : i32
        %dma_wait3A_65 = tpu.memref_slice %arg8[%mul3A_27, %dma_wait3A_64] : memref<125x80xi32, #tpu.memory_space<vmem>> -> memref<1x80xi32, #tpu.memory_space<vmem>>
        %dma_wait3A_66 = tpu.memref_squeeze %dma_wait3A_65 : memref<1x80xi32, #tpu.memory_space<vmem>> -> memref<80xi32, #tpu.memory_space<vmem>>
        %dma_wait3A_67 = arith.constant 0 : i32
        %dma_wait3A_68 = arith.constant 0 : i32
        %dma_wait3A_69 = tpu.memref_slice %arg6[%dma_wait3A_67, %dma_wait3A_68] : memref<10240x128xf32, #tpu.memory_space<vmem_shared>> -> memref<10240x128xf32, #tpu.memory_space<vmem_shared>>
        tpu.wait_indirect_dma semaphore(%run_scoped3A_57 : memref<!tpu.dma_semaphore, #tpu.memory_space<semaphore_mem>>) src(%arg9 : memref<80x128xf32, #tpu.memory_space<vmem>>) dst(%dma_wait3A_69 : memref<10240x128xf32, #tpu.memory_space<vmem_shared>>)
        tpu.yield
      }) : () -> ()
      %add3A_42 = arith.constant 2 : i32
      %add3A_43 = arith.addi %mul3A_27, %add3A_42 : i32
      %mul3A_44 = arith.constant 80 : i32
      %mul3A_45 = arith.muli %add3A_43, %mul3A_44 : i32
      %dma_start3A_46 = tpu.memref_slice %arg7[%mul3A_45] : memref<10000xi32, #tpu.memory_space<vmem>> -> memref<80xi32, #tpu.memory_space<vmem>>
      %dma_start3A_47 = arith.constant 0 : i32
      %dma_start3A_48 = arith.constant 0 : i32
      %dma_start3A_49 = tpu.memref_slice %arg2[%dma_start3A_47, %dma_start3A_48] : memref<10240x128xf32, #tpu.memory_space<hbm>> -> memref<10240x128xf32, #tpu.memory_space<hbm>>
      tpu.enqueue_indirect_dma source(%dma_start3A_49 : memref<10240x128xf32, #tpu.memory_space<hbm>>) target(%arg9 : memref<80x128xf32, #tpu.memory_space<vmem>>) offsets(%dma_start3A_46 : memref<80xi32, #tpu.memory_space<vmem>>) semaphore(%arg11 : memref<!tpu.dma_semaphore, #tpu.memory_space<semaphore_mem>>)
      %dma_wait3A_50 = tpu.memref_slice %arg7[%mul3A_31] : memref<10000xi32, #tpu.memory_space<vmem>> -> memref<80xi32, #tpu.memory_space<vmem>>
      %dma_wait3A_51 = arith.constant 0 : i32
      %dma_wait3A_52 = arith.constant 0 : i32
      %dma_wait3A_53 = tpu.memref_slice %arg2[%dma_wait3A_51, %dma_wait3A_52] : memref<10240x128xf32, #tpu.memory_space<hbm>> -> memref<10240x128xf32, #tpu.memory_space<hbm>>
      tpu.wait_indirect_dma semaphore(%arg12 : memref<!tpu.dma_semaphore, #tpu.memory_space<semaphore_mem>>) src(%dma_wait3A_53 : memref<10240x128xf32, #tpu.memory_space<hbm>>) dst(%arg10 : memref<80x128xf32, #tpu.memory_space<vmem>>)
      %add3A_54 = arith.constant 1 : i32
      %add3A_55 = arith.addi %mul3A_27, %add3A_54 : i32
      "tpu.region"() ({
        %run_scoped3A_57 = tpu.sem_alloc : memref<!tpu.dma_semaphore, #tpu.memory_space<semaphore_mem>>
        %dma_start3A_58 = arith.constant 0 : i32
        %dma_start3A_59 = tpu.memref_slice %arg8[%add3A_55, %dma_start3A_58] : memref<125x80xi32, #tpu.memory_space<vmem>> -> memref<1x80xi32, #tpu.memory_space<vmem>>
        %dma_start3A_60 = tpu.memref_squeeze %dma_start3A_59 : memref<1x80xi32, #tpu.memory_space<vmem>> -> memref<80xi32, #tpu.memory_space<vmem>>
        %dma_start3A_61 = arith.constant 0 : i32
        %dma_start3A_62 = arith.constant 0 : i32
        %dma_start3A_63 = tpu.memref_slice %arg6[%dma_start3A_61, %dma_start3A_62] : memref<10240x128xf32, #tpu.memory_space<vmem_shared>> -> memref<10240x128xf32, #tpu.memory_space<vmem_shared>>
        tpu.enqueue_indirect_dma source(%arg10 : memref<80x128xf32, #tpu.memory_space<vmem>>) target(%dma_start3A_63 : memref<10240x128xf32, #tpu.memory_space<vmem_shared>>) offsets(%dma_start3A_60 : memref<80xi32, #tpu.memory_space<vmem>>) semaphore(%run_scoped3A_57 : memref<!tpu.dma_semaphore, #tpu.memory_space<semaphore_mem>>) {add = true}
        %dma_wait3A_64 = arith.constant 0 : i32
        %dma_wait3A_65 = tpu.memref_slice %arg8[%add3A_55, %dma_wait3A_64] : memref<125x80xi32, #tpu.memory_space<vmem>> -> memref<1x80xi32, #tpu.memory_space<vmem>>
        %dma_wait3A_66 = tpu.memref_squeeze %dma_wait3A_65 : memref<1x80xi32, #tpu.memory_space<vmem>> -> memref<80xi32, #tpu.memory_space<vmem>>
        %dma_wait3A_67 = arith.constant 0 : i32
        %dma_wait3A_68 = arith.constant 0 : i32
        %dma_wait3A_69 = tpu.memref_slice %arg6[%dma_wait3A_67, %dma_wait3A_68] : memref<10240x128xf32, #tpu.memory_space<vmem_shared>> -> memref<10240x128xf32, #tpu.memory_space<vmem_shared>>
        tpu.wait_indirect_dma semaphore(%run_scoped3A_57 : memref<!tpu.dma_semaphore, #tpu.memory_space<semaphore_mem>>) src(%arg10 : memref<80x128xf32, #tpu.memory_space<vmem>>) dst(%dma_wait3A_69 : memref<10240x128xf32, #tpu.memory_space<vmem_shared>>)
        tpu.yield
      }) : () -> ()
      %scan3A_56 = arith.constant 0 : i32
      scf.yield %scan3A_56 : i32
    }
    %scan3A_14 = arith.constant 62 : i32
    %dma_wait3A = arith.constant 9920 : i32
    %dma_wait3A_15 = tpu.memref_slice %arg7[%dma_wait3A] : memref<10000xi32, #tpu.memory_space<vmem>> -> memref<80xi32, #tpu.memory_space<vmem>>
    %dma_wait3A_16 = arith.constant 0 : i32
    %dma_wait3A_17 = arith.constant 0 : i32
    %dma_wait3A_18 = tpu.memref_slice %arg2[%dma_wait3A_16, %dma_wait3A_17] : memref<10240x128xf32, #tpu.memory_space<hbm>> -> memref<10240x128xf32, #tpu.memory_space<hbm>>
    tpu.wait_indirect_dma semaphore(%arg11 : memref<!tpu.dma_semaphore, #tpu.memory_space<semaphore_mem>>) src(%dma_wait3A_18 : memref<10240x128xf32, #tpu.memory_space<hbm>>) dst(%arg9 : memref<80x128xf32, #tpu.memory_space<vmem>>)
    %run_scoped3A = arith.constant 124 : i32
    "tpu.region"() ({
      %run_scoped3A_24 = tpu.sem_alloc : memref<!tpu.dma_semaphore, #tpu.memory_space<semaphore_mem>>
      %dma_start3A_25 = arith.constant 0 : i32
      %dma_start3A_26 = tpu.memref_slice %arg8[%run_scoped3A, %dma_start3A_25] : memref<125x80xi32, #tpu.memory_space<vmem>> -> memref<1x80xi32, #tpu.memory_space<vmem>>
      %dma_start3A_27 = tpu.memref_squeeze %dma_start3A_26 : memref<1x80xi32, #tpu.memory_space<vmem>> -> memref<80xi32, #tpu.memory_space<vmem>>
      %dma_start3A_28 = arith.constant 0 : i32
      %dma_start3A_29 = arith.constant 0 : i32
      %dma_start3A_30 = tpu.memref_slice %arg6[%dma_start3A_28, %dma_start3A_29] : memref<10240x128xf32, #tpu.memory_space<vmem_shared>> -> memref<10240x128xf32, #tpu.memory_space<vmem_shared>>
      tpu.enqueue_indirect_dma source(%arg9 : memref<80x128xf32, #tpu.memory_space<vmem>>) target(%dma_start3A_30 : memref<10240x128xf32, #tpu.memory_space<vmem_shared>>) offsets(%dma_start3A_27 : memref<80xi32, #tpu.memory_space<vmem>>) semaphore(%run_scoped3A_24 : memref<!tpu.dma_semaphore, #tpu.memory_space<semaphore_mem>>) {add = true}
      %dma_wait3A_31 = arith.constant 0 : i32
      %dma_wait3A_32 = tpu.memref_slice %arg8[%run_scoped3A, %dma_wait3A_31] : memref<125x80xi32, #tpu.memory_space<vmem>> -> memref<1x80xi32, #tpu.memory_space<vmem>>
      %dma_wait3A_33 = tpu.memref_squeeze %dma_wait3A_32 : memref<1x80xi32, #tpu.memory_space<vmem>> -> memref<80xi32, #tpu.memory_space<vmem>>
      %dma_wait3A_34 = arith.constant 0 : i32
      %dma_wait3A_35 = arith.constant 0 : i32
      %dma_wait3A_36 = tpu.memref_slice %arg6[%dma_wait3A_34, %dma_wait3A_35] : memref<10240x128xf32, #tpu.memory_space<vmem_shared>> -> memref<10240x128xf32, #tpu.memory_space<vmem_shared>>
      tpu.wait_indirect_dma semaphore(%run_scoped3A_24 : memref<!tpu.dma_semaphore, #tpu.memory_space<semaphore_mem>>) src(%arg9 : memref<80x128xf32, #tpu.memory_space<vmem>>) dst(%dma_wait3A_36 : memref<10240x128xf32, #tpu.memory_space<vmem_shared>>)
      tpu.yield
    }) : () -> ()
    %barrier3A_19 = arith.constant 0 : index
    tpu.barrier barrier_id(%barrier3A_19)
    %mul3A_20 = arith.constant 640 : i32
    %mul3A_21 = arith.muli %arg1, %mul3A_20 : i32
    %mul3A_22 = arith.constant 640 : i32
    %mul3A_23 = arith.muli %arg1, %mul3A_22 : i32
    "tpu.region"() ({
      %run_scoped3A_24 = tpu.sem_alloc : memref<!tpu.dma_semaphore, #tpu.memory_space<semaphore_mem>>
      %dma_start3A_25 = arith.constant 0 : i32
      %dma_start3A_26 = tpu.memref_slice %arg5[%arg0, %mul3A_23, %dma_start3A_25] : memref<2x10240x128xf32, #tpu.memory_space<hbm>> -> memref<1x640x128xf32, #tpu.memory_space<hbm>>
      %dma_start3A_27 = tpu.memref_squeeze %dma_start3A_26 : memref<1x640x128xf32, #tpu.memory_space<hbm>> -> memref<640x128xf32, #tpu.memory_space<hbm>>
      %dma_start3A_28 = arith.constant 0 : i32
      %dma_start3A_29 = tpu.memref_slice %arg6[%mul3A_21, %dma_start3A_28] : memref<10240x128xf32, #tpu.memory_space<vmem_shared>> -> memref<640x128xf32, #tpu.memory_space<vmem_shared>>
      tpu.enqueue_dma source(%dma_start3A_29 : memref<640x128xf32, #tpu.memory_space<vmem_shared>>) target(%dma_start3A_27 : memref<640x128xf32, #tpu.memory_space<hbm>>) target_semaphore(%run_scoped3A_24 : memref<!tpu.dma_semaphore, #tpu.memory_space<semaphore_mem>>)
      %dma_wait3A_30 = arith.constant 0 : i32
      %dma_wait3A_31 = tpu.memref_slice %arg5[%arg0, %mul3A_23, %dma_wait3A_30] : memref<2x10240x128xf32, #tpu.memory_space<hbm>> -> memref<1x640x128xf32, #tpu.memory_space<hbm>>
      %dma_wait3A_32 = tpu.memref_squeeze %dma_wait3A_31 : memref<1x640x128xf32, #tpu.memory_space<hbm>> -> memref<640x128xf32, #tpu.memory_space<hbm>>
      %dma_wait3A_33 = arith.constant 0 : i32
      %dma_wait3A_34 = tpu.memref_slice %arg6[%mul3A_21, %dma_wait3A_33] : memref<10240x128xf32, #tpu.memory_space<vmem_shared>> -> memref<640x128xf32, #tpu.memory_space<vmem_shared>>
      tpu.wait_dma2 semaphore(%run_scoped3A_24 : memref<!tpu.dma_semaphore, #tpu.memory_space<semaphore_mem>>) src(%dma_wait3A_34 : memref<640x128xf32, #tpu.memory_space<vmem_shared>>) dst(%dma_wait3A_32 : memref<640x128xf32, #tpu.memory_space<hbm>>)
      tpu.yield
    }) : () -> ()
    return
  }
}

#map = affine_map<(d0, d1) -> (0, 0)>
#map1 = affine_map<(d0, d1) -> (0, 0, 0)>
module attributes {stable_mosaic.version = 14 : i64} {
  func.func @spmm_sc(%arg0: i32, %arg1: i32, %arg2: memref<10240x128xf32, #tpu.memory_space<hbm>>, %arg3: memref<32x10000xi32, #tpu.memory_space<hbm>>, %arg4: memref<32x125x80xi32, #tpu.memory_space<hbm>>, %arg5: memref<2x10240x128xf32, #tpu.memory_space<hbm>>, %arg6: memref<10240x128xf32, #tpu.memory_space<vmem_shared>>, %arg7: memref<10000xi32, #tpu.memory_space<vmem>>, %arg8: memref<125x80xi32, #tpu.memory_space<vmem>>, %arg9: memref<80x128xf32, #tpu.memory_space<vmem>>, %arg10: memref<80x128xf32, #tpu.memory_space<vmem>>, %arg11: memref<!tpu.dma_semaphore, #tpu.memory_space<semaphore_mem>>, %arg12: memref<!tpu.dma_semaphore, #tpu.memory_space<semaphore_mem>>) attributes {dimension_semantics = [#tpu.dimension_semantics<core_parallel>, #tpu.dimension_semantics<subcore_parallel>], iteration_bounds = array<i64: 2, 16>, scalar_prefetch = 0 : i64, scratch_operands = 7 : i64, tpu.core_type = #tpu.core_type<sc_vector_subcore>, window_params = [{transform_indices = #map}, {transform_indices = #map}, {transform_indices = #map1}, {transform_indices = #map1}]} {
    %mul3A = arith.constant 2 : i32
    %mul3A_0 = arith.muli %arg1, %mul3A : i32
    %add3A = arith.addi %mul3A_0, %arg0 : i32
    %mul3A_1 = arith.constant 640 : i32
    %mul3A_2 = arith.muli %arg1, %mul3A_1 : i32
    %mul3A_3 = arith.constant 640 : i32
    %mul3A_4 = arith.muli %arg1, %mul3A_3 : i32
    "tpu.region"() ({
      %run_scoped3A_24 = tpu.sem_alloc : memref<!tpu.dma_semaphore, #tpu.memory_space<semaphore_mem>>
      %dma_start3A_25 = arith.constant 0 : i32
      %dma_start3A_26 = tpu.memref_slice %arg6[%mul3A_4, %dma_start3A_25] : memref<10240x128xf32, #tpu.memory_space<vmem_shared>> -> memref<640x128xf32, #tpu.memory_space<vmem_shared>>
      %dma_start3A_27 = arith.constant 0 : i32
      %dma_start3A_28 = tpu.memref_slice %arg2[%mul3A_2, %dma_start3A_27] : memref<10240x128xf32, #tpu.memory_space<hbm>> -> memref<640x128xf32, #tpu.memory_space<hbm>>
      tpu.enqueue_dma source(%dma_start3A_28 : memref<640x128xf32, #tpu.memory_space<hbm>>) target(%dma_start3A_26 : memref<640x128xf32, #tpu.memory_space<vmem_shared>>) target_semaphore(%run_scoped3A_24 : memref<!tpu.dma_semaphore, #tpu.memory_space<semaphore_mem>>)
      %dma_wait3A_29 = arith.constant 0 : i32
      %dma_wait3A_30 = tpu.memref_slice %arg6[%mul3A_4, %dma_wait3A_29] : memref<10240x128xf32, #tpu.memory_space<vmem_shared>> -> memref<640x128xf32, #tpu.memory_space<vmem_shared>>
      %dma_wait3A_31 = arith.constant 0 : i32
      %dma_wait3A_32 = tpu.memref_slice %arg2[%mul3A_2, %dma_wait3A_31] : memref<10240x128xf32, #tpu.memory_space<hbm>> -> memref<640x128xf32, #tpu.memory_space<hbm>>
      tpu.wait_dma2 semaphore(%run_scoped3A_24 : memref<!tpu.dma_semaphore, #tpu.memory_space<semaphore_mem>>) src(%dma_wait3A_32 : memref<640x128xf32, #tpu.memory_space<hbm>>) dst(%dma_wait3A_30 : memref<640x128xf32, #tpu.memory_space<vmem_shared>>)
      tpu.yield
    }) : () -> ()
    "tpu.region"() ({
      %run_scoped3A_24 = tpu.sem_alloc : memref<!tpu.dma_semaphore, #tpu.memory_space<semaphore_mem>>
      %dma_start3A_25 = arith.constant 0 : i32
      %dma_start3A_26 = tpu.memref_slice %arg3[%add3A, %dma_start3A_25] : memref<32x10000xi32, #tpu.memory_space<hbm>> -> memref<1x10000xi32, #tpu.memory_space<hbm>>
      %dma_start3A_27 = tpu.memref_squeeze %dma_start3A_26 : memref<1x10000xi32, #tpu.memory_space<hbm>> -> memref<10000xi32, #tpu.memory_space<hbm>>
      %dma_start3A_28 = arith.constant 0 : i32
      %dma_start3A_29 = tpu.memref_slice %arg3[%add3A, %dma_start3A_28] : memref<32x10000xi32, #tpu.memory_space<hbm>> -> memref<1x10000xi32, #tpu.memory_space<hbm>>
      %dma_start3A_30 = tpu.memref_squeeze %dma_start3A_29 : memref<1x10000xi32, #tpu.memory_space<hbm>> -> memref<10000xi32, #tpu.memory_space<hbm>>
      tpu.enqueue_dma source(%dma_start3A_30 : memref<10000xi32, #tpu.memory_space<hbm>>) target(%arg7 : memref<10000xi32, #tpu.memory_space<vmem>>) target_semaphore(%run_scoped3A_24 : memref<!tpu.dma_semaphore, #tpu.memory_space<semaphore_mem>>)
      %dma_wait3A_31 = arith.constant 0 : i32
      %dma_wait3A_32 = tpu.memref_slice %arg3[%add3A, %dma_wait3A_31] : memref<32x10000xi32, #tpu.memory_space<hbm>> -> memref<1x10000xi32, #tpu.memory_space<hbm>>
      %dma_wait3A_33 = tpu.memref_squeeze %dma_wait3A_32 : memref<1x10000xi32, #tpu.memory_space<hbm>> -> memref<10000xi32, #tpu.memory_space<hbm>>
      %dma_wait3A_34 = arith.constant 0 : i32
      %dma_wait3A_35 = tpu.memref_slice %arg3[%add3A, %dma_wait3A_34] : memref<32x10000xi32, #tpu.memory_space<hbm>> -> memref<1x10000xi32, #tpu.memory_space<hbm>>
      %dma_wait3A_36 = tpu.memref_squeeze %dma_wait3A_35 : memref<1x10000xi32, #tpu.memory_space<hbm>> -> memref<10000xi32, #tpu.memory_space<hbm>>
      tpu.wait_dma2 semaphore(%run_scoped3A_24 : memref<!tpu.dma_semaphore, #tpu.memory_space<semaphore_mem>>) src(%dma_wait3A_36 : memref<10000xi32, #tpu.memory_space<hbm>>) dst(%arg7 : memref<10000xi32, #tpu.memory_space<vmem>>)
      tpu.yield
    }) : () -> ()
    "tpu.region"() ({
      %run_scoped3A_24 = tpu.sem_alloc : memref<!tpu.dma_semaphore, #tpu.memory_space<semaphore_mem>>
      %dma_start3A_25 = arith.constant 0 : i32
      %dma_start3A_26 = arith.constant 0 : i32
      %dma_start3A_27 = tpu.memref_slice %arg4[%add3A, %dma_start3A_25, %dma_start3A_26] : memref<32x125x80xi32, #tpu.memory_space<hbm>> -> memref<1x125x80xi32, #tpu.memory_space<hbm>>
      %dma_start3A_28 = tpu.memref_squeeze %dma_start3A_27 : memref<1x125x80xi32, #tpu.memory_space<hbm>> -> memref<125x80xi32, #tpu.memory_space<hbm>>
      %dma_start3A_29 = arith.constant 0 : i32
      %dma_start3A_30 = arith.constant 0 : i32
      %dma_start3A_31 = tpu.memref_slice %arg4[%add3A, %dma_start3A_29, %dma_start3A_30] : memref<32x125x80xi32, #tpu.memory_space<hbm>> -> memref<1x125x80xi32, #tpu.memory_space<hbm>>
      %dma_start3A_32 = tpu.memref_squeeze %dma_start3A_31 : memref<1x125x80xi32, #tpu.memory_space<hbm>> -> memref<125x80xi32, #tpu.memory_space<hbm>>
      tpu.enqueue_dma source(%dma_start3A_32 : memref<125x80xi32, #tpu.memory_space<hbm>>) target(%arg8 : memref<125x80xi32, #tpu.memory_space<vmem>>) target_semaphore(%run_scoped3A_24 : memref<!tpu.dma_semaphore, #tpu.memory_space<semaphore_mem>>)
      %dma_wait3A_33 = arith.constant 0 : i32
      %dma_wait3A_34 = arith.constant 0 : i32
      %dma_wait3A_35 = tpu.memref_slice %arg4[%add3A, %dma_wait3A_33, %dma_wait3A_34] : memref<32x125x80xi32, #tpu.memory_space<hbm>> -> memref<1x125x80xi32, #tpu.memory_space<hbm>>
      %dma_wait3A_36 = tpu.memref_squeeze %dma_wait3A_35 : memref<1x125x80xi32, #tpu.memory_space<hbm>> -> memref<125x80xi32, #tpu.memory_space<hbm>>
      %dma_wait3A_37 = arith.constant 0 : i32
      %dma_wait3A_38 = arith.constant 0 : i32
      %dma_wait3A_39 = tpu.memref_slice %arg4[%add3A, %dma_wait3A_37, %dma_wait3A_38] : memref<32x125x80xi32, #tpu.memory_space<hbm>> -> memref<1x125x80xi32, #tpu.memory_space<hbm>>
      %dma_wait3A_40 = tpu.memref_squeeze %dma_wait3A_39 : memref<1x125x80xi32, #tpu.memory_space<hbm>> -> memref<125x80xi32, #tpu.memory_space<hbm>>
      tpu.wait_dma2 semaphore(%run_scoped3A_24 : memref<!tpu.dma_semaphore, #tpu.memory_space<semaphore_mem>>) src(%dma_wait3A_40 : memref<125x80xi32, #tpu.memory_space<hbm>>) dst(%arg8 : memref<125x80xi32, #tpu.memory_space<vmem>>)
      tpu.yield
    }) : () -> ()
    %barrier3A = arith.constant 0 : index
    tpu.barrier barrier_id(%barrier3A)
    %dma_start3A = arith.constant 0 : i32
    %dma_start3A_5 = tpu.memref_slice %arg7[%dma_start3A] : memref<10000xi32, #tpu.memory_space<vmem>> -> memref<80xi32, #tpu.memory_space<vmem>>
    %dma_start3A_6 = arith.constant 0 : i32
    %dma_start3A_7 = arith.constant 0 : i32
    %dma_start3A_8 = tpu.memref_slice %arg2[%dma_start3A_6, %dma_start3A_7] : memref<10240x128xf32, #tpu.memory_space<hbm>> -> memref<10240x128xf32, #tpu.memory_space<hbm>>
    tpu.enqueue_indirect_dma source(%dma_start3A_8 : memref<10240x128xf32, #tpu.memory_space<hbm>>) target(%arg9 : memref<80x128xf32, #tpu.memory_space<vmem>>) offsets(%dma_start3A_5 : memref<80xi32, #tpu.memory_space<vmem>>) semaphore(%arg11 : memref<!tpu.dma_semaphore, #tpu.memory_space<semaphore_mem>>)
    %scan3A = arith.constant 0 : i32
    %scan3A_9 = arith.constant 0 : i32
    %scan3A_10 = arith.constant 62 : i32
    %scan3A_11 = arith.addi %scan3A_9, %scan3A_10 : i32
    %scan3A_12 = arith.constant 1 : i32
    %scan3A_13 = scf.for %scan3A_24 = %scan3A_9 to %scan3A_11 step %scan3A_12 iter_args(%scan3A_25 = %scan3A) -> (i32)  : i32 {
      %mul3A_26 = arith.constant 2 : i32
      %mul3A_27 = arith.muli %mul3A_26, %scan3A_24 : i32
      %add3A_28 = arith.constant 1 : i32
      %add3A_29 = arith.addi %mul3A_27, %add3A_28 : i32
      %mul3A_30 = arith.constant 80 : i32
      %mul3A_31 = arith.muli %add3A_29, %mul3A_30 : i32
      %dma_start3A_32 = tpu.memref_slice %arg7[%mul3A_31] : memref<10000xi32, #tpu.memory_space<vmem>> -> memref<80xi32, #tpu.memory_space<vmem>>
      %dma_start3A_33 = arith.constant 0 : i32
      %dma_start3A_34 = arith.constant 0 : i32
      %dma_start3A_35 = tpu.memref_slice %arg2[%dma_start3A_33, %dma_start3A_34] : memref<10240x128xf32, #tpu.memory_space<hbm>> -> memref<10240x128xf32, #tpu.memory_space<hbm>>
      tpu.enqueue_indirect_dma source(%dma_start3A_35 : memref<10240x128xf32, #tpu.memory_space<hbm>>) target(%arg10 : memref<80x128xf32, #tpu.memory_space<vmem>>) offsets(%dma_start3A_32 : memref<80xi32, #tpu.memory_space<vmem>>) semaphore(%arg12 : memref<!tpu.dma_semaphore, #tpu.memory_space<semaphore_mem>>)
      %mul3A_36 = arith.constant 80 : i32
      %mul3A_37 = arith.muli %mul3A_27, %mul3A_36 : i32
      %dma_wait3A_38 = tpu.memref_slice %arg7[%mul3A_37] : memref<10000xi32, #tpu.memory_space<vmem>> -> memref<80xi32, #tpu.memory_space<vmem>>
      %dma_wait3A_39 = arith.constant 0 : i32
      %dma_wait3A_40 = arith.constant 0 : i32
      %dma_wait3A_41 = tpu.memref_slice %arg2[%dma_wait3A_39, %dma_wait3A_40] : memref<10240x128xf32, #tpu.memory_space<hbm>> -> memref<10240x128xf32, #tpu.memory_space<hbm>>
      tpu.wait_indirect_dma semaphore(%arg11 : memref<!tpu.dma_semaphore, #tpu.memory_space<semaphore_mem>>) src(%dma_wait3A_41 : memref<10240x128xf32, #tpu.memory_space<hbm>>) dst(%arg9 : memref<80x128xf32, #tpu.memory_space<vmem>>)
      "tpu.region"() ({
        %run_scoped3A_57 = tpu.sem_alloc : memref<!tpu.dma_semaphore, #tpu.memory_space<semaphore_mem>>
        %dma_start3A_58 = arith.constant 0 : i32
        %dma_start3A_59 = tpu.memref_slice %arg8[%mul3A_27, %dma_start3A_58] : memref<125x80xi32, #tpu.memory_space<vmem>> -> memref<1x80xi32, #tpu.memory_space<vmem>>
        %dma_start3A_60 = tpu.memref_squeeze %dma_start3A_59 : memref<1x80xi32, #tpu.memory_space<vmem>> -> memref<80xi32, #tpu.memory_space<vmem>>
        %dma_start3A_61 = arith.constant 0 : i32
        %dma_start3A_62 = arith.constant 0 : i32
        %dma_start3A_63 = tpu.memref_slice %arg6[%dma_start3A_61, %dma_start3A_62] : memref<10240x128xf32, #tpu.memory_space<vmem_shared>> -> memref<10240x128xf32, #tpu.memory_space<vmem_shared>>
        tpu.enqueue_indirect_dma source(%arg9 : memref<80x128xf32, #tpu.memory_space<vmem>>) target(%dma_start3A_63 : memref<10240x128xf32, #tpu.memory_space<vmem_shared>>) offsets(%dma_start3A_60 : memref<80xi32, #tpu.memory_space<vmem>>) semaphore(%run_scoped3A_57 : memref<!tpu.dma_semaphore, #tpu.memory_space<semaphore_mem>>) {add = true}
        %dma_wait3A_64 = arith.constant 0 : i32
        %dma_wait3A_65 = tpu.memref_slice %arg8[%mul3A_27, %dma_wait3A_64] : memref<125x80xi32, #tpu.memory_space<vmem>> -> memref<1x80xi32, #tpu.memory_space<vmem>>
        %dma_wait3A_66 = tpu.memref_squeeze %dma_wait3A_65 : memref<1x80xi32, #tpu.memory_space<vmem>> -> memref<80xi32, #tpu.memory_space<vmem>>
        %dma_wait3A_67 = arith.constant 0 : i32
        %dma_wait3A_68 = arith.constant 0 : i32
        %dma_wait3A_69 = tpu.memref_slice %arg6[%dma_wait3A_67, %dma_wait3A_68] : memref<10240x128xf32, #tpu.memory_space<vmem_shared>> -> memref<10240x128xf32, #tpu.memory_space<vmem_shared>>
        tpu.wait_indirect_dma semaphore(%run_scoped3A_57 : memref<!tpu.dma_semaphore, #tpu.memory_space<semaphore_mem>>) src(%arg9 : memref<80x128xf32, #tpu.memory_space<vmem>>) dst(%dma_wait3A_69 : memref<10240x128xf32, #tpu.memory_space<vmem_shared>>)
        tpu.yield
      }) : () -> ()
      %add3A_42 = arith.constant 2 : i32
      %add3A_43 = arith.addi %mul3A_27, %add3A_42 : i32
      %mul3A_44 = arith.constant 80 : i32
      %mul3A_45 = arith.muli %add3A_43, %mul3A_44 : i32
      %dma_start3A_46 = tpu.memref_slice %arg7[%mul3A_45] : memref<10000xi32, #tpu.memory_space<vmem>> -> memref<80xi32, #tpu.memory_space<vmem>>
      %dma_start3A_47 = arith.constant 0 : i32
      %dma_start3A_48 = arith.constant 0 : i32
      %dma_start3A_49 = tpu.memref_slice %arg2[%dma_start3A_47, %dma_start3A_48] : memref<10240x128xf32, #tpu.memory_space<hbm>> -> memref<10240x128xf32, #tpu.memory_space<hbm>>
      tpu.enqueue_indirect_dma source(%dma_start3A_49 : memref<10240x128xf32, #tpu.memory_space<hbm>>) target(%arg9 : memref<80x128xf32, #tpu.memory_space<vmem>>) offsets(%dma_start3A_46 : memref<80xi32, #tpu.memory_space<vmem>>) semaphore(%arg11 : memref<!tpu.dma_semaphore, #tpu.memory_space<semaphore_mem>>)
      %dma_wait3A_50 = tpu.memref_slice %arg7[%mul3A_31] : memref<10000xi32, #tpu.memory_space<vmem>> -> memref<80xi32, #tpu.memory_space<vmem>>
      %dma_wait3A_51 = arith.constant 0 : i32
      %dma_wait3A_52 = arith.constant 0 : i32
      %dma_wait3A_53 = tpu.memref_slice %arg2[%dma_wait3A_51, %dma_wait3A_52] : memref<10240x128xf32, #tpu.memory_space<hbm>> -> memref<10240x128xf32, #tpu.memory_space<hbm>>
      tpu.wait_indirect_dma semaphore(%arg12 : memref<!tpu.dma_semaphore, #tpu.memory_space<semaphore_mem>>) src(%dma_wait3A_53 : memref<10240x128xf32, #tpu.memory_space<hbm>>) dst(%arg10 : memref<80x128xf32, #tpu.memory_space<vmem>>)
      %add3A_54 = arith.constant 1 : i32
      %add3A_55 = arith.addi %mul3A_27, %add3A_54 : i32
      "tpu.region"() ({
        %run_scoped3A_57 = tpu.sem_alloc : memref<!tpu.dma_semaphore, #tpu.memory_space<semaphore_mem>>
        %dma_start3A_58 = arith.constant 0 : i32
        %dma_start3A_59 = tpu.memref_slice %arg8[%add3A_55, %dma_start3A_58] : memref<125x80xi32, #tpu.memory_space<vmem>> -> memref<1x80xi32, #tpu.memory_space<vmem>>
        %dma_start3A_60 = tpu.memref_squeeze %dma_start3A_59 : memref<1x80xi32, #tpu.memory_space<vmem>> -> memref<80xi32, #tpu.memory_space<vmem>>
        %dma_start3A_61 = arith.constant 0 : i32
        %dma_start3A_62 = arith.constant 0 : i32
        %dma_start3A_63 = tpu.memref_slice %arg6[%dma_start3A_61, %dma_start3A_62] : memref<10240x128xf32, #tpu.memory_space<vmem_shared>> -> memref<10240x128xf32, #tpu.memory_space<vmem_shared>>
        tpu.enqueue_indirect_dma source(%arg10 : memref<80x128xf32, #tpu.memory_space<vmem>>) target(%dma_start3A_63 : memref<10240x128xf32, #tpu.memory_space<vmem_shared>>) offsets(%dma_start3A_60 : memref<80xi32, #tpu.memory_space<vmem>>) semaphore(%run_scoped3A_57 : memref<!tpu.dma_semaphore, #tpu.memory_space<semaphore_mem>>) {add = true}
        %dma_wait3A_64 = arith.constant 0 : i32
        %dma_wait3A_65 = tpu.memref_slice %arg8[%add3A_55, %dma_wait3A_64] : memref<125x80xi32, #tpu.memory_space<vmem>> -> memref<1x80xi32, #tpu.memory_space<vmem>>
        %dma_wait3A_66 = tpu.memref_squeeze %dma_wait3A_65 : memref<1x80xi32, #tpu.memory_space<vmem>> -> memref<80xi32, #tpu.memory_space<vmem>>
        %dma_wait3A_67 = arith.constant 0 : i32
        %dma_wait3A_68 = arith.constant 0 : i32
        %dma_wait3A_69 = tpu.memref_slice %arg6[%dma_wait3A_67, %dma_wait3A_68] : memref<10240x128xf32, #tpu.memory_space<vmem_shared>> -> memref<10240x128xf32, #tpu.memory_space<vmem_shared>>
        tpu.wait_indirect_dma semaphore(%run_scoped3A_57 : memref<!tpu.dma_semaphore, #tpu.memory_space<semaphore_mem>>) src(%arg10 : memref<80x128xf32, #tpu.memory_space<vmem>>) dst(%dma_wait3A_69 : memref<10240x128xf32, #tpu.memory_space<vmem_shared>>)
        tpu.yield
      }) : () -> ()
      %scan3A_56 = arith.constant 0 : i32
      scf.yield %scan3A_56 : i32
    }
    %scan3A_14 = arith.constant 62 : i32
    %dma_wait3A = arith.constant 9920 : i32
    %dma_wait3A_15 = tpu.memref_slice %arg7[%dma_wait3A] : memref<10000xi32, #tpu.memory_space<vmem>> -> memref<80xi32, #tpu.memory_space<vmem>>
    %dma_wait3A_16 = arith.constant 0 : i32
    %dma_wait3A_17 = arith.constant 0 : i32
    %dma_wait3A_18 = tpu.memref_slice %arg2[%dma_wait3A_16, %dma_wait3A_17] : memref<10240x128xf32, #tpu.memory_space<hbm>> -> memref<10240x128xf32, #tpu.memory_space<hbm>>
    tpu.wait_indirect_dma semaphore(%arg11 : memref<!tpu.dma_semaphore, #tpu.memory_space<semaphore_mem>>) src(%dma_wait3A_18 : memref<10240x128xf32, #tpu.memory_space<hbm>>) dst(%arg9 : memref<80x128xf32, #tpu.memory_space<vmem>>)
    %run_scoped3A = arith.constant 124 : i32
    "tpu.region"() ({
      %run_scoped3A_24 = tpu.sem_alloc : memref<!tpu.dma_semaphore, #tpu.memory_space<semaphore_mem>>
      %dma_start3A_25 = arith.constant 0 : i32
      %dma_start3A_26 = tpu.memref_slice %arg8[%run_scoped3A, %dma_start3A_25] : memref<125x80xi32, #tpu.memory_space<vmem>> -> memref<1x80xi32, #tpu.memory_space<vmem>>
      %dma_start3A_27 = tpu.memref_squeeze %dma_start3A_26 : memref<1x80xi32, #tpu.memory_space<vmem>> -> memref<80xi32, #tpu.memory_space<vmem>>
      %dma_start3A_28 = arith.constant 0 : i32
      %dma_start3A_29 = arith.constant 0 : i32
      %dma_start3A_30 = tpu.memref_slice %arg6[%dma_start3A_28, %dma_start3A_29] : memref<10240x128xf32, #tpu.memory_space<vmem_shared>> -> memref<10240x128xf32, #tpu.memory_space<vmem_shared>>
      tpu.enqueue_indirect_dma source(%arg9 : memref<80x128xf32, #tpu.memory_space<vmem>>) target(%dma_start3A_30 : memref<10240x128xf32, #tpu.memory_space<vmem_shared>>) offsets(%dma_start3A_27 : memref<80xi32, #tpu.memory_space<vmem>>) semaphore(%run_scoped3A_24 : memref<!tpu.dma_semaphore, #tpu.memory_space<semaphore_mem>>) {add = true}
      %dma_wait3A_31 = arith.constant 0 : i32
      %dma_wait3A_32 = tpu.memref_slice %arg8[%run_scoped3A, %dma_wait3A_31] : memref<125x80xi32, #tpu.memory_space<vmem>> -> memref<1x80xi32, #tpu.memory_space<vmem>>
      %dma_wait3A_33 = tpu.memref_squeeze %dma_wait3A_32 : memref<1x80xi32, #tpu.memory_space<vmem>> -> memref<80xi32, #tpu.memory_space<vmem>>
      %dma_wait3A_34 = arith.constant 0 : i32
      %dma_wait3A_35 = arith.constant 0 : i32
      %dma_wait3A_36 = tpu.memref_slice %arg6[%dma_wait3A_34, %dma_wait3A_35] : memref<10240x128xf32, #tpu.memory_space<vmem_shared>> -> memref<10240x128xf32, #tpu.memory_space<vmem_shared>>
      tpu.wait_indirect_dma semaphore(%run_scoped3A_24 : memref<!tpu.dma_semaphore, #tpu.memory_space<semaphore_mem>>) src(%arg9 : memref<80x128xf32, #tpu.memory_space<vmem>>) dst(%dma_wait3A_36 : memref<10240x128xf32, #tpu.memory_space<vmem_shared>>)
      tpu.yield
    }) : () -> ()
    %barrier3A_19 = arith.constant 0 : index
    tpu.barrier barrier_id(%barrier3A_19)
    %mul3A_20 = arith.constant 640 : i32
    %mul3A_21 = arith.muli %arg1, %mul3A_20 : i32
    %mul3A_22 = arith.constant 640 : i32
    %mul3A_23 = arith.muli %arg1, %mul3A_22 : i32
    "tpu.region"() ({
      %run_scoped3A_24 = tpu.sem_alloc : memref<!tpu.dma_semaphore, #tpu.memory_space<semaphore_mem>>
      %dma_start3A_25 = arith.constant 0 : i32
      %dma_start3A_26 = tpu.memref_slice %arg5[%arg0, %mul3A_23, %dma_start3A_25] : memref<2x10240x128xf32, #tpu.memory_space<hbm>> -> memref<1x640x128xf32, #tpu.memory_space<hbm>>
      %dma_start3A_27 = tpu.memref_squeeze %dma_start3A_26 : memref<1x640x128xf32, #tpu.memory_space<hbm>> -> memref<640x128xf32, #tpu.memory_space<hbm>>
      %dma_start3A_28 = arith.constant 0 : i32
      %dma_start3A_29 = tpu.memref_slice %arg6[%mul3A_21, %dma_start3A_28] : memref<10240x128xf32, #tpu.memory_space<vmem_shared>> -> memref<640x128xf32, #tpu.memory_space<vmem_shared>>
      tpu.enqueue_dma source(%dma_start3A_29 : memref<640x128xf32, #tpu.memory_space<vmem_shared>>) target(%dma_start3A_27 : memref<640x128xf32, #tpu.memory_space<hbm>>) target_semaphore(%run_scoped3A_24 : memref<!tpu.dma_semaphore, #tpu.memory_space<semaphore_mem>>)
      %dma_wait3A_30 = arith.constant 0 : i32
      %dma_wait3A_31 = tpu.memref_slice %arg5[%arg0, %mul3A_23, %dma_wait3A_30] : memref<2x10240x128xf32, #tpu.memory_space<hbm>> -> memref<1x640x128xf32, #tpu.memory_space<hbm>>
      %dma_wait3A_32 = tpu.memref_squeeze %dma_wait3A_31 : memref<1x640x128xf32, #tpu.memory_space<hbm>> -> memref<640x128xf32, #tpu.memory_space<hbm>>
      %dma_wait3A_33 = arith.constant 0 : i32
      %dma_wait3A_34 = tpu.memref_slice %arg6[%mul3A_21, %dma_wait3A_33] : memref<10240x128xf32, #tpu.memory_space<vmem_shared>> -> memref<640x128xf32, #tpu.memory_space<vmem_shared>>
      tpu.wait_dma2 semaphore(%run_scoped3A_24 : memref<!tpu.dma_semaphore, #tpu.memory_space<semaphore_mem>>) src(%dma_wait3A_34 : memref<640x128xf32, #tpu.memory_space<vmem_shared>>) dst(%dma_wait3A_32 : memref<640x128xf32, #tpu.memory_space<hbm>>)
      tpu.yield
    }) : () -> ()
    return
  }
}

module attributes {stable_mosaic.version = 14 : i64} {
  func.func @_mm_scale_body(%arg0: i32, %arg1: memref<1024x128xf32, #tpu.memory_space<vmem>>, %arg2: memref<128x128xf32, #tpu.memory_space<vmem>>, %arg3: memref<2x1024x1xf32, #tpu.memory_space<vmem>>, %arg4: memref<1024x1xf32, #tpu.memory_space<vmem>>, %arg5: memref<1024x128xf32, #tpu.memory_space<vmem>>) attributes {dimension_semantics = [#tpu.dimension_semantics<arbitrary>], iteration_bounds = array<i64: 10>, scalar_prefetch = 0 : i64, scratch_operands = 0 : i64, tpu.core_type = #tpu.core_type<tc>, window_params = [{transform_indices = @transform_0, window_bounds = array<i64: 1024, 128>}, {pipeline_mode = #tpu.pipeline_mode<synchronous>, transform_indices = @transform_1, window_bounds = array<i64: 128, 128>}, {transform_indices = @transform_2, window_bounds = array<i64: 2, 1024, 1>}, {transform_indices = @transform_3, window_bounds = array<i64: 1024, 1>}, {transform_indices = @transform_4, window_bounds = array<i64: 1024, 128>}]} {
    %get3A = arith.constant 0 : index
    %get3A_0 = arith.constant 0 : index
    %get3A_1 = arith.constant 0 : index
    %get3A_2 = vector.load %arg3[%get3A, %get3A_0, %get3A_1] : memref<2x1024x1xf32, #tpu.memory_space<vmem>>, vector<1x1024x1xf32>
    %get3A_3 = vector.shape_cast %get3A_2 : vector<1x1024x1xf32> to vector<1024x1xf32>
    %add3A = arith.constant 1.000000e+00 : f32
    %add3A_4 = vector.broadcast %add3A : f32 to vector<1024x1xf32>
    %add3A_5 = arith.addf %add3A_4, %get3A_3 : vector<1024x1xf32>
    %get3A_6 = arith.constant 1 : index
    %get3A_7 = arith.constant 0 : index
    %get3A_8 = arith.constant 0 : index
    %get3A_9 = vector.load %arg3[%get3A_6, %get3A_7, %get3A_8] : memref<2x1024x1xf32, #tpu.memory_space<vmem>>, vector<1x1024x1xf32>
    %get3A_10 = vector.shape_cast %get3A_9 : vector<1x1024x1xf32> to vector<1024x1xf32>
    %add3A_11 = arith.addf %add3A_5, %get3A_10 : vector<1024x1xf32>
    %rsqrt3A = math.rsqrt %add3A_11 : vector<1024x1xf32>
    %swap3A = arith.constant 0 : index
    %swap3A_12 = arith.constant 0 : index
    %swap3A_13 = vector.load %arg4[%swap3A, %swap3A_12] : memref<1024x1xf32, #tpu.memory_space<vmem>>, vector<1024x1xf32>
    tpu.vector_store %arg4[%swap3A, %swap3A_12], %rsqrt3A {strides = array<i32>} : memref<1024x1xf32, #tpu.memory_space<vmem>>, vector<1024x1xf32>,
    %get3A_14 = arith.constant 0 : index
    %get3A_15 = arith.constant 0 : index
    %get3A_16 = vector.load %arg1[%get3A_14, %get3A_15] : memref<1024x128xf32, #tpu.memory_space<vmem>>, vector<1024x128xf32>
    %get3A_17 = arith.constant 0 : index
    %get3A_18 = arith.constant 0 : index
    %get3A_19 = vector.load %arg2[%get3A_17, %get3A_18] : memref<128x128xf32, #tpu.memory_space<vmem>>, vector<128x128xf32>
    %dot_general3A = arith.constant dense<0.000000e+00> : vector<1024x128xf32>
    %dot_general3A_20 = tpu.matmul %get3A_16, %get3A_19, %dot_general3A {dimension_numbers = #tpu.dot_dimension_numbers<[1], [0], [0], [1], [0, 0, 1, 1], [], []>, transpose_lhs_hint = false} : vector<1024x128xf32>, vector<128x128xf32>, vector<1024x128xf32> -> vector<1024x128xf32>
    %mul3A = vector.broadcast %rsqrt3A : vector<1024x1xf32> to vector<1024x128xf32>
    %mul3A_21 = arith.mulf %dot_general3A_20, %mul3A : vector<1024x128xf32>
    %swap3A_22 = arith.constant 0 : index
    %swap3A_23 = arith.constant 0 : index
    %swap3A_24 = vector.load %arg5[%swap3A_22, %swap3A_23] : memref<1024x128xf32, #tpu.memory_space<vmem>>, vector<1024x128xf32>
    tpu.vector_store %arg5[%swap3A_22, %swap3A_23], %mul3A_21 {strides = array<i32>} : memref<1024x128xf32, #tpu.memory_space<vmem>>, vector<1024x128xf32>,
    return
  }
  func.func @transform_0(%arg0: i32) -> (i32, i32) {
    %c0_i32 = arith.constant 0 : i32
    %c0_i32_0 = arith.constant 0 : i32
    return %arg0, %c0_i32 : i32, i32
  }
  func.func @transform_1(%arg0: i32) -> (i32, i32) {
    %c0_i32 = arith.constant 0 : i32
    %c0_i32_0 = arith.constant 0 : i32
    %c0_i32_1 = arith.constant 0 : i32
    return %c0_i32, %c0_i32_0 : i32, i32
  }
  func.func @transform_2(%arg0: i32) -> (i32, i32, i32) {
    %c0_i32 = arith.constant 0 : i32
    %c0_i32_0 = arith.constant 0 : i32
    %c0_i32_1 = arith.constant 0 : i32
    return %c0_i32, %arg0, %c0_i32_0 : i32, i32, i32
  }
  func.func @transform_3(%arg0: i32) -> (i32, i32) {
    %c0_i32 = arith.constant 0 : i32
    %c0_i32_0 = arith.constant 0 : i32
    return %arg0, %c0_i32 : i32, i32
  }
  func.func @transform_4(%arg0: i32) -> (i32, i32) {
    %c0_i32 = arith.constant 0 : i32
    %c0_i32_0 = arith.constant 0 : i32
    return %arg0, %c0_i32 : i32, i32
  }
}

module attributes {stable_mosaic.version = 14 : i64} {
  func.func @_post_body(%arg0: i32, %arg1: memref<2x1024x128xf32, #tpu.memory_space<vmem>>, %arg2: memref<1024x128xf32, #tpu.memory_space<vmem>>, %arg3: memref<1024x1xf32, #tpu.memory_space<vmem>>, %arg4: memref<1x128xf32, #tpu.memory_space<vmem>>, %arg5: memref<1x128xf32, #tpu.memory_space<vmem>>, %arg6: memref<1x128xf32, #tpu.memory_space<vmem>>, %arg7: memref<128x128xf32, #tpu.memory_space<vmem>>, %arg8: memref<1024x128xf32, #tpu.memory_space<vmem>>, %arg9: memref<1024x128xf32, #tpu.memory_space<vmem>>, %arg10: memref<1024x128xf32, #tpu.memory_space<vmem>>) attributes {dimension_semantics = [#tpu.dimension_semantics<arbitrary>], iteration_bounds = array<i64: 10>, scalar_prefetch = 0 : i64, scratch_operands = 0 : i64, tpu.core_type = #tpu.core_type<tc>, window_params = [{transform_indices = @transform_0, window_bounds = array<i64: 2, 1024, 128>}, {transform_indices = @transform_1, window_bounds = array<i64: 1024, 128>}, {transform_indices = @transform_2, window_bounds = array<i64: 1024, 1>}, {pipeline_mode = #tpu.pipeline_mode<synchronous>, transform_indices = @transform_3, window_bounds = array<i64: 1, 128>}, {pipeline_mode = #tpu.pipeline_mode<synchronous>, transform_indices = @transform_4, window_bounds = array<i64: 1, 128>}, {pipeline_mode = #tpu.pipeline_mode<synchronous>, transform_indices = @transform_5, window_bounds = array<i64: 1, 128>}, {pipeline_mode = #tpu.pipeline_mode<synchronous>, transform_indices = @transform_6, window_bounds = array<i64: 128, 128>}, {transform_indices = @transform_7, window_bounds = array<i64: 1024, 128>}, {transform_indices = @transform_8, window_bounds = array<i64: 1024, 128>}, {transform_indices = @transform_9, window_bounds = array<i64: 1024, 128>}]} {
    %get3A = arith.constant 0 : index
    %get3A_0 = arith.constant 0 : index
    %get3A_1 = vector.load %arg3[%get3A, %get3A_0] : memref<1024x1xf32, #tpu.memory_space<vmem>>, vector<1024x1xf32>
    %get3A_2 = arith.constant 0 : index
    %get3A_3 = arith.constant 0 : index
    %get3A_4 = arith.constant 0 : index
    %get3A_5 = vector.load %arg1[%get3A_2, %get3A_3, %get3A_4] : memref<2x1024x128xf32, #tpu.memory_space<vmem>>, vector<1x1024x128xf32>
    %get3A_6 = vector.shape_cast %get3A_5 : vector<1x1024x128xf32> to vector<1024x128xf32>
    %get3A_7 = arith.constant 1 : index
    %get3A_8 = arith.constant 0 : index
    %get3A_9 = arith.constant 0 : index
    %get3A_10 = vector.load %arg1[%get3A_7, %get3A_8, %get3A_9] : memref<2x1024x128xf32, #tpu.memory_space<vmem>>, vector<1x1024x128xf32>
    %get3A_11 = vector.shape_cast %get3A_10 : vector<1x1024x128xf32> to vector<1024x128xf32>
    %add3A = arith.addf %get3A_6, %get3A_11 : vector<1024x128xf32>
    %get3A_12 = arith.constant 0 : index
    %get3A_13 = arith.constant 0 : index
    %get3A_14 = vector.load %arg2[%get3A_12, %get3A_13] : memref<1024x128xf32, #tpu.memory_space<vmem>>, vector<1024x128xf32>
    %sub3A = arith.subf %add3A, %get3A_14 : vector<1024x128xf32>
    %mul3A = vector.broadcast %get3A_1 : vector<1024x1xf32> to vector<1024x128xf32>
    %mul3A_15 = arith.mulf %mul3A, %sub3A : vector<1024x128xf32>
    %get3A_16 = arith.constant 0 : index
    %get3A_17 = arith.constant 0 : index
    %get3A_18 = vector.load %arg4[%get3A_16, %get3A_17] : memref<1x128xf32, #tpu.memory_space<vmem>>, vector<1x128xf32>
    %add3A_19 = vector.broadcast %get3A_18 : vector<1x128xf32> to vector<1024x128xf32>
    %add3A_20 = arith.addf %mul3A_15, %add3A_19 : vector<1024x128xf32>
    %mul3A_21 = arith.constant 0.999994993 : f32
    %mul3A_22 = vector.broadcast %mul3A_21 : f32 to vector<1024x128xf32>
    %mul3A_23 = arith.mulf %add3A_20, %mul3A_22 : vector<1024x128xf32>
    %get3A_24 = arith.constant 0 : index
    %get3A_25 = arith.constant 0 : index
    %get3A_26 = vector.load %arg5[%get3A_24, %get3A_25] : memref<1x128xf32, #tpu.memory_space<vmem>>, vector<1x128xf32>
    %mul3A_27 = vector.broadcast %get3A_26 : vector<1x128xf32> to vector<1024x128xf32>
    %mul3A_28 = arith.mulf %mul3A_23, %mul3A_27 : vector<1024x128xf32>
    %get3A_29 = arith.constant 0 : index
    %get3A_30 = arith.constant 0 : index
    %get3A_31 = vector.load %arg6[%get3A_29, %get3A_30] : memref<1x128xf32, #tpu.memory_space<vmem>>, vector<1x128xf32>
    %add3A_32 = vector.broadcast %get3A_31 : vector<1x128xf32> to vector<1024x128xf32>
    %add3A_33 = arith.addf %mul3A_28, %add3A_32 : vector<1024x128xf32>
    %max3A = arith.constant 0.000000e+00 : f32
    %max3A_34 = vector.broadcast %max3A : f32 to vector<1024x128xf32>
    %max3A_35 = arith.maximumf %add3A_33, %max3A_34 : vector<1024x128xf32>
    %swap3A = arith.constant 0 : index
    %swap3A_36 = arith.constant 0 : index
    %swap3A_37 = vector.load %arg9[%swap3A, %swap3A_36] : memref<1024x128xf32, #tpu.memory_space<vmem>>, vector<1024x128xf32>
    tpu.vector_store %arg9[%swap3A, %swap3A_36], %max3A_35 {strides = array<i32>} : memref<1024x128xf32, #tpu.memory_space<vmem>>, vector<1024x128xf32>,
    %get3A_38 = arith.constant 0 : index
    %get3A_39 = arith.constant 0 : index
    %get3A_40 = vector.load %arg7[%get3A_38, %get3A_39] : memref<128x128xf32, #tpu.memory_space<vmem>>, vector<128x128xf32>
    %dot_general3A = arith.constant dense<0.000000e+00> : vector<1024x128xf32>
    %dot_general3A_41 = tpu.matmul %max3A_35, %get3A_40, %dot_general3A {dimension_numbers = #tpu.dot_dimension_numbers<[1], [0], [0], [1], [0, 0, 1, 1], [], []>, transpose_lhs_hint = false} : vector<1024x128xf32>, vector<128x128xf32>, vector<1024x128xf32> -> vector<1024x128xf32>
    %mul3A_42 = vector.broadcast %get3A_1 : vector<1024x1xf32> to vector<1024x128xf32>
    %mul3A_43 = arith.mulf %dot_general3A_41, %mul3A_42 : vector<1024x128xf32>
    %swap3A_44 = arith.constant 0 : index
    %swap3A_45 = arith.constant 0 : index
    %swap3A_46 = vector.load %arg10[%swap3A_44, %swap3A_45] : memref<1024x128xf32, #tpu.memory_space<vmem>>, vector<1024x128xf32>
    tpu.vector_store %arg10[%swap3A_44, %swap3A_45], %mul3A_43 {strides = array<i32>} : memref<1024x128xf32, #tpu.memory_space<vmem>>, vector<1024x128xf32>,
    return
  }
  func.func @transform_0(%arg0: i32) -> (i32, i32, i32) {
    %c0_i32 = arith.constant 0 : i32
    %c0_i32_0 = arith.constant 0 : i32
    %c0_i32_1 = arith.constant 0 : i32
    return %c0_i32, %arg0, %c0_i32_0 : i32, i32, i32
  }
  func.func @transform_1(%arg0: i32) -> (i32, i32) {
    %c0_i32 = arith.constant 0 : i32
    %c0_i32_0 = arith.constant 0 : i32
    return %arg0, %c0_i32 : i32, i32
  }
  func.func @transform_2(%arg0: i32) -> (i32, i32) {
    %c0_i32 = arith.constant 0 : i32
    %c0_i32_0 = arith.constant 0 : i32
    return %arg0, %c0_i32 : i32, i32
  }
  func.func @transform_3(%arg0: i32) -> (i32, i32) {
    %c0_i32 = arith.constant 0 : i32
    %c0_i32_0 = arith.constant 0 : i32
    %c0_i32_1 = arith.constant 0 : i32
    return %c0_i32, %c0_i32_0 : i32, i32
  }
  func.func @transform_4(%arg0: i32) -> (i32, i32) {
    %c0_i32 = arith.constant 0 : i32
    %c0_i32_0 = arith.constant 0 : i32
    %c0_i32_1 = arith.constant 0 : i32
    return %c0_i32, %c0_i32_0 : i32, i32
  }
  func.func @transform_5(%arg0: i32) -> (i32, i32) {
    %c0_i32 = arith.constant 0 : i32
    %c0_i32_0 = arith.constant 0 : i32
    %c0_i32_1 = arith.constant 0 : i32
    return %c0_i32, %c0_i32_0 : i32, i32
  }
  func.func @transform_6(%arg0: i32) -> (i32, i32) {
    %c0_i32 = arith.constant 0 : i32
    %c0_i32_0 = arith.constant 0 : i32
    %c0_i32_1 = arith.constant 0 : i32
    return %c0_i32, %c0_i32_0 : i32, i32
  }
  func.func @transform_7(%arg0: i32) -> (i32, i32) {
    %c0_i32 = arith.constant 0 : i32
    %c0_i32_0 = arith.constant 0 : i32
    return %arg0, %c0_i32 : i32, i32
  }
  func.func @transform_8(%arg0: i32) -> (i32, i32) {
    %c0_i32 = arith.constant 0 : i32
    %c0_i32_0 = arith.constant 0 : i32
    return %arg0, %c0_i32 : i32, i32
  }
  func.func @transform_9(%arg0: i32) -> (i32, i32) {
    %c0_i32 = arith.constant 0 : i32
    %c0_i32_0 = arith.constant 0 : i32
    return %arg0, %c0_i32 : i32, i32
  }
}

module attributes {stable_mosaic.version = 14 : i64} {
  func.func @_post_body(%arg0: i32, %arg1: memref<2x1024x128xf32, #tpu.memory_space<vmem>>, %arg2: memref<1024x128xf32, #tpu.memory_space<vmem>>, %arg3: memref<1024x1xf32, #tpu.memory_space<vmem>>, %arg4: memref<1x128xf32, #tpu.memory_space<vmem>>, %arg5: memref<1x128xf32, #tpu.memory_space<vmem>>, %arg6: memref<1x128xf32, #tpu.memory_space<vmem>>, %arg7: memref<128x128xf32, #tpu.memory_space<vmem>>, %arg8: memref<1024x128xf32, #tpu.memory_space<vmem>>, %arg9: memref<1024x128xf32, #tpu.memory_space<vmem>>, %arg10: memref<1024x128xf32, #tpu.memory_space<vmem>>) attributes {dimension_semantics = [#tpu.dimension_semantics<arbitrary>], iteration_bounds = array<i64: 10>, scalar_prefetch = 0 : i64, scratch_operands = 0 : i64, tpu.core_type = #tpu.core_type<tc>, window_params = [{transform_indices = @transform_0, window_bounds = array<i64: 2, 1024, 128>}, {transform_indices = @transform_1, window_bounds = array<i64: 1024, 128>}, {transform_indices = @transform_2, window_bounds = array<i64: 1024, 1>}, {pipeline_mode = #tpu.pipeline_mode<synchronous>, transform_indices = @transform_3, window_bounds = array<i64: 1, 128>}, {pipeline_mode = #tpu.pipeline_mode<synchronous>, transform_indices = @transform_4, window_bounds = array<i64: 1, 128>}, {pipeline_mode = #tpu.pipeline_mode<synchronous>, transform_indices = @transform_5, window_bounds = array<i64: 1, 128>}, {pipeline_mode = #tpu.pipeline_mode<synchronous>, transform_indices = @transform_6, window_bounds = array<i64: 128, 128>}, {transform_indices = @transform_7, window_bounds = array<i64: 1024, 128>}, {transform_indices = @transform_8, window_bounds = array<i64: 1024, 128>}, {transform_indices = @transform_9, window_bounds = array<i64: 1024, 128>}]} {
    %get3A = arith.constant 0 : index
    %get3A_0 = arith.constant 0 : index
    %get3A_1 = vector.load %arg3[%get3A, %get3A_0] : memref<1024x1xf32, #tpu.memory_space<vmem>>, vector<1024x1xf32>
    %get3A_2 = arith.constant 0 : index
    %get3A_3 = arith.constant 0 : index
    %get3A_4 = arith.constant 0 : index
    %get3A_5 = vector.load %arg1[%get3A_2, %get3A_3, %get3A_4] : memref<2x1024x128xf32, #tpu.memory_space<vmem>>, vector<1x1024x128xf32>
    %get3A_6 = vector.shape_cast %get3A_5 : vector<1x1024x128xf32> to vector<1024x128xf32>
    %get3A_7 = arith.constant 1 : index
    %get3A_8 = arith.constant 0 : index
    %get3A_9 = arith.constant 0 : index
    %get3A_10 = vector.load %arg1[%get3A_7, %get3A_8, %get3A_9] : memref<2x1024x128xf32, #tpu.memory_space<vmem>>, vector<1x1024x128xf32>
    %get3A_11 = vector.shape_cast %get3A_10 : vector<1x1024x128xf32> to vector<1024x128xf32>
    %add3A = arith.addf %get3A_6, %get3A_11 : vector<1024x128xf32>
    %get3A_12 = arith.constant 0 : index
    %get3A_13 = arith.constant 0 : index
    %get3A_14 = vector.load %arg2[%get3A_12, %get3A_13] : memref<1024x128xf32, #tpu.memory_space<vmem>>, vector<1024x128xf32>
    %sub3A = arith.subf %add3A, %get3A_14 : vector<1024x128xf32>
    %mul3A = vector.broadcast %get3A_1 : vector<1024x1xf32> to vector<1024x128xf32>
    %mul3A_15 = arith.mulf %mul3A, %sub3A : vector<1024x128xf32>
    %get3A_16 = arith.constant 0 : index
    %get3A_17 = arith.constant 0 : index
    %get3A_18 = vector.load %arg4[%get3A_16, %get3A_17] : memref<1x128xf32, #tpu.memory_space<vmem>>, vector<1x128xf32>
    %add3A_19 = vector.broadcast %get3A_18 : vector<1x128xf32> to vector<1024x128xf32>
    %add3A_20 = arith.addf %mul3A_15, %add3A_19 : vector<1024x128xf32>
    %mul3A_21 = arith.constant 0.999994993 : f32
    %mul3A_22 = vector.broadcast %mul3A_21 : f32 to vector<1024x128xf32>
    %mul3A_23 = arith.mulf %add3A_20, %mul3A_22 : vector<1024x128xf32>
    %get3A_24 = arith.constant 0 : index
    %get3A_25 = arith.constant 0 : index
    %get3A_26 = vector.load %arg5[%get3A_24, %get3A_25] : memref<1x128xf32, #tpu.memory_space<vmem>>, vector<1x128xf32>
    %mul3A_27 = vector.broadcast %get3A_26 : vector<1x128xf32> to vector<1024x128xf32>
    %mul3A_28 = arith.mulf %mul3A_23, %mul3A_27 : vector<1024x128xf32>
    %get3A_29 = arith.constant 0 : index
    %get3A_30 = arith.constant 0 : index
    %get3A_31 = vector.load %arg6[%get3A_29, %get3A_30] : memref<1x128xf32, #tpu.memory_space<vmem>>, vector<1x128xf32>
    %add3A_32 = vector.broadcast %get3A_31 : vector<1x128xf32> to vector<1024x128xf32>
    %add3A_33 = arith.addf %mul3A_28, %add3A_32 : vector<1024x128xf32>
    %max3A = arith.constant 0.000000e+00 : f32
    %max3A_34 = vector.broadcast %max3A : f32 to vector<1024x128xf32>
    %max3A_35 = arith.maximumf %add3A_33, %max3A_34 : vector<1024x128xf32>
    %get3A_36 = arith.constant 0 : index
    %get3A_37 = arith.constant 0 : index
    %get3A_38 = vector.load %arg8[%get3A_36, %get3A_37] : memref<1024x128xf32, #tpu.memory_space<vmem>>, vector<1024x128xf32>
    %add3A_39 = arith.addf %max3A_35, %get3A_38 : vector<1024x128xf32>
    %swap3A = arith.constant 0 : index
    %swap3A_40 = arith.constant 0 : index
    %swap3A_41 = vector.load %arg9[%swap3A, %swap3A_40] : memref<1024x128xf32, #tpu.memory_space<vmem>>, vector<1024x128xf32>
    tpu.vector_store %arg9[%swap3A, %swap3A_40], %add3A_39 {strides = array<i32>} : memref<1024x128xf32, #tpu.memory_space<vmem>>, vector<1024x128xf32>,
    %get3A_42 = arith.constant 0 : index
    %get3A_43 = arith.constant 0 : index
    %get3A_44 = vector.load %arg7[%get3A_42, %get3A_43] : memref<128x128xf32, #tpu.memory_space<vmem>>, vector<128x128xf32>
    %dot_general3A = arith.constant dense<0.000000e+00> : vector<1024x128xf32>
    %dot_general3A_45 = tpu.matmul %add3A_39, %get3A_44, %dot_general3A {dimension_numbers = #tpu.dot_dimension_numbers<[1], [0], [0], [1], [0, 0, 1, 1], [], []>, transpose_lhs_hint = false} : vector<1024x128xf32>, vector<128x128xf32>, vector<1024x128xf32> -> vector<1024x128xf32>
    %mul3A_46 = vector.broadcast %get3A_1 : vector<1024x1xf32> to vector<1024x128xf32>
    %mul3A_47 = arith.mulf %dot_general3A_45, %mul3A_46 : vector<1024x128xf32>
    %swap3A_48 = arith.constant 0 : index
    %swap3A_49 = arith.constant 0 : index
    %swap3A_50 = vector.load %arg10[%swap3A_48, %swap3A_49] : memref<1024x128xf32, #tpu.memory_space<vmem>>, vector<1024x128xf32>
    tpu.vector_store %arg10[%swap3A_48, %swap3A_49], %mul3A_47 {strides = array<i32>} : memref<1024x128xf32, #tpu.memory_space<vmem>>, vector<1024x128xf32>,
    return
  }
  func.func @transform_0(%arg0: i32) -> (i32, i32, i32) {
    %c0_i32 = arith.constant 0 : i32
    %c0_i32_0 = arith.constant 0 : i32
    %c0_i32_1 = arith.constant 0 : i32
    return %c0_i32, %arg0, %c0_i32_0 : i32, i32, i32
  }
  func.func @transform_1(%arg0: i32) -> (i32, i32) {
    %c0_i32 = arith.constant 0 : i32
    %c0_i32_0 = arith.constant 0 : i32
    return %arg0, %c0_i32 : i32, i32
  }
  func.func @transform_2(%arg0: i32) -> (i32, i32) {
    %c0_i32 = arith.constant 0 : i32
    %c0_i32_0 = arith.constant 0 : i32
    return %arg0, %c0_i32 : i32, i32
  }
  func.func @transform_3(%arg0: i32) -> (i32, i32) {
    %c0_i32 = arith.constant 0 : i32
    %c0_i32_0 = arith.constant 0 : i32
    %c0_i32_1 = arith.constant 0 : i32
    return %c0_i32, %c0_i32_0 : i32, i32
  }
  func.func @transform_4(%arg0: i32) -> (i32, i32) {
    %c0_i32 = arith.constant 0 : i32
    %c0_i32_0 = arith.constant 0 : i32
    %c0_i32_1 = arith.constant 0 : i32
    return %c0_i32, %c0_i32_0 : i32, i32
  }
  func.func @transform_5(%arg0: i32) -> (i32, i32) {
    %c0_i32 = arith.constant 0 : i32
    %c0_i32_0 = arith.constant 0 : i32
    %c0_i32_1 = arith.constant 0 : i32
    return %c0_i32, %c0_i32_0 : i32, i32
  }
  func.func @transform_6(%arg0: i32) -> (i32, i32) {
    %c0_i32 = arith.constant 0 : i32
    %c0_i32_0 = arith.constant 0 : i32
    %c0_i32_1 = arith.constant 0 : i32
    return %c0_i32, %c0_i32_0 : i32, i32
  }
  func.func @transform_7(%arg0: i32) -> (i32, i32) {
    %c0_i32 = arith.constant 0 : i32
    %c0_i32_0 = arith.constant 0 : i32
    return %arg0, %c0_i32 : i32, i32
  }
  func.func @transform_8(%arg0: i32) -> (i32, i32) {
    %c0_i32 = arith.constant 0 : i32
    %c0_i32_0 = arith.constant 0 : i32
    return %arg0, %c0_i32 : i32, i32
  }
  func.func @transform_9(%arg0: i32) -> (i32, i32) {
    %c0_i32 = arith.constant 0 : i32
    %c0_i32_0 = arith.constant 0 : i32
    return %arg0, %c0_i32 : i32, i32
  }
}

module attributes {stable_mosaic.version = 14 : i64} {
  func.func @_post_body(%arg0: i32, %arg1: memref<2x1024x128xf32, #tpu.memory_space<vmem>>, %arg2: memref<1024x128xf32, #tpu.memory_space<vmem>>, %arg3: memref<1024x1xf32, #tpu.memory_space<vmem>>, %arg4: memref<1x128xf32, #tpu.memory_space<vmem>>, %arg5: memref<1x128xf32, #tpu.memory_space<vmem>>, %arg6: memref<1x128xf32, #tpu.memory_space<vmem>>, %arg7: memref<128x128xf32, #tpu.memory_space<vmem>>, %arg8: memref<1024x128xf32, #tpu.memory_space<vmem>>, %arg9: memref<1024x128xf32, #tpu.memory_space<vmem>>, %arg10: memref<1024x128xf32, #tpu.memory_space<vmem>>) attributes {dimension_semantics = [#tpu.dimension_semantics<arbitrary>], iteration_bounds = array<i64: 10>, scalar_prefetch = 0 : i64, scratch_operands = 0 : i64, tpu.core_type = #tpu.core_type<tc>, window_params = [{transform_indices = @transform_0, window_bounds = array<i64: 2, 1024, 128>}, {transform_indices = @transform_1, window_bounds = array<i64: 1024, 128>}, {transform_indices = @transform_2, window_bounds = array<i64: 1024, 1>}, {pipeline_mode = #tpu.pipeline_mode<synchronous>, transform_indices = @transform_3, window_bounds = array<i64: 1, 128>}, {pipeline_mode = #tpu.pipeline_mode<synchronous>, transform_indices = @transform_4, window_bounds = array<i64: 1, 128>}, {pipeline_mode = #tpu.pipeline_mode<synchronous>, transform_indices = @transform_5, window_bounds = array<i64: 1, 128>}, {pipeline_mode = #tpu.pipeline_mode<synchronous>, transform_indices = @transform_6, window_bounds = array<i64: 128, 128>}, {transform_indices = @transform_7, window_bounds = array<i64: 1024, 128>}, {transform_indices = @transform_8, window_bounds = array<i64: 1024, 128>}, {transform_indices = @transform_9, window_bounds = array<i64: 1024, 128>}]} {
    %get3A = arith.constant 0 : index
    %get3A_0 = arith.constant 0 : index
    %get3A_1 = vector.load %arg3[%get3A, %get3A_0] : memref<1024x1xf32, #tpu.memory_space<vmem>>, vector<1024x1xf32>
    %get3A_2 = arith.constant 0 : index
    %get3A_3 = arith.constant 0 : index
    %get3A_4 = arith.constant 0 : index
    %get3A_5 = vector.load %arg1[%get3A_2, %get3A_3, %get3A_4] : memref<2x1024x128xf32, #tpu.memory_space<vmem>>, vector<1x1024x128xf32>
    %get3A_6 = vector.shape_cast %get3A_5 : vector<1x1024x128xf32> to vector<1024x128xf32>
    %get3A_7 = arith.constant 1 : index
    %get3A_8 = arith.constant 0 : index
    %get3A_9 = arith.constant 0 : index
    %get3A_10 = vector.load %arg1[%get3A_7, %get3A_8, %get3A_9] : memref<2x1024x128xf32, #tpu.memory_space<vmem>>, vector<1x1024x128xf32>
    %get3A_11 = vector.shape_cast %get3A_10 : vector<1x1024x128xf32> to vector<1024x128xf32>
    %add3A = arith.addf %get3A_6, %get3A_11 : vector<1024x128xf32>
    %get3A_12 = arith.constant 0 : index
    %get3A_13 = arith.constant 0 : index
    %get3A_14 = vector.load %arg2[%get3A_12, %get3A_13] : memref<1024x128xf32, #tpu.memory_space<vmem>>, vector<1024x128xf32>
    %sub3A = arith.subf %add3A, %get3A_14 : vector<1024x128xf32>
    %mul3A = vector.broadcast %get3A_1 : vector<1024x1xf32> to vector<1024x128xf32>
    %mul3A_15 = arith.mulf %mul3A, %sub3A : vector<1024x128xf32>
    %get3A_16 = arith.constant 0 : index
    %get3A_17 = arith.constant 0 : index
    %get3A_18 = vector.load %arg4[%get3A_16, %get3A_17] : memref<1x128xf32, #tpu.memory_space<vmem>>, vector<1x128xf32>
    %add3A_19 = vector.broadcast %get3A_18 : vector<1x128xf32> to vector<1024x128xf32>
    %add3A_20 = arith.addf %mul3A_15, %add3A_19 : vector<1024x128xf32>
    %mul3A_21 = arith.constant 0.999994993 : f32
    %mul3A_22 = vector.broadcast %mul3A_21 : f32 to vector<1024x128xf32>
    %mul3A_23 = arith.mulf %add3A_20, %mul3A_22 : vector<1024x128xf32>
    %get3A_24 = arith.constant 0 : index
    %get3A_25 = arith.constant 0 : index
    %get3A_26 = vector.load %arg5[%get3A_24, %get3A_25] : memref<1x128xf32, #tpu.memory_space<vmem>>, vector<1x128xf32>
    %mul3A_27 = vector.broadcast %get3A_26 : vector<1x128xf32> to vector<1024x128xf32>
    %mul3A_28 = arith.mulf %mul3A_23, %mul3A_27 : vector<1024x128xf32>
    %get3A_29 = arith.constant 0 : index
    %get3A_30 = arith.constant 0 : index
    %get3A_31 = vector.load %arg6[%get3A_29, %get3A_30] : memref<1x128xf32, #tpu.memory_space<vmem>>, vector<1x128xf32>
    %add3A_32 = vector.broadcast %get3A_31 : vector<1x128xf32> to vector<1024x128xf32>
    %add3A_33 = arith.addf %mul3A_28, %add3A_32 : vector<1024x128xf32>
    %max3A = arith.constant 0.000000e+00 : f32
    %max3A_34 = vector.broadcast %max3A : f32 to vector<1024x128xf32>
    %max3A_35 = arith.maximumf %add3A_33, %max3A_34 : vector<1024x128xf32>
    %get3A_36 = arith.constant 0 : index
    %get3A_37 = arith.constant 0 : index
    %get3A_38 = vector.load %arg8[%get3A_36, %get3A_37] : memref<1024x128xf32, #tpu.memory_space<vmem>>, vector<1024x128xf32>
    %add3A_39 = arith.addf %max3A_35, %get3A_38 : vector<1024x128xf32>
    %swap3A = arith.constant 0 : index
    %swap3A_40 = arith.constant 0 : index
    %swap3A_41 = vector.load %arg9[%swap3A, %swap3A_40] : memref<1024x128xf32, #tpu.memory_space<vmem>>, vector<1024x128xf32>
    tpu.vector_store %arg9[%swap3A, %swap3A_40], %add3A_39 {strides = array<i32>} : memref<1024x128xf32, #tpu.memory_space<vmem>>, vector<1024x128xf32>,
    %get3A_42 = arith.constant 0 : index
    %get3A_43 = arith.constant 0 : index
    %get3A_44 = vector.load %arg7[%get3A_42, %get3A_43] : memref<128x128xf32, #tpu.memory_space<vmem>>, vector<128x128xf32>
    %dot_general3A = arith.constant dense<0.000000e+00> : vector<1024x128xf32>
    %dot_general3A_45 = tpu.matmul %add3A_39, %get3A_44, %dot_general3A {dimension_numbers = #tpu.dot_dimension_numbers<[1], [0], [0], [1], [0, 0, 1, 1], [], []>, transpose_lhs_hint = false} : vector<1024x128xf32>, vector<128x128xf32>, vector<1024x128xf32> -> vector<1024x128xf32>
    %mul3A_46 = vector.broadcast %get3A_1 : vector<1024x1xf32> to vector<1024x128xf32>
    %mul3A_47 = arith.mulf %dot_general3A_45, %mul3A_46 : vector<1024x128xf32>
    %swap3A_48 = arith.constant 0 : index
    %swap3A_49 = arith.constant 0 : index
    %swap3A_50 = vector.load %arg10[%swap3A_48, %swap3A_49] : memref<1024x128xf32, #tpu.memory_space<vmem>>, vector<1024x128xf32>
    tpu.vector_store %arg10[%swap3A_48, %swap3A_49], %mul3A_47 {strides = array<i32>} : memref<1024x128xf32, #tpu.memory_space<vmem>>, vector<1024x128xf32>,
    return
  }
  func.func @transform_0(%arg0: i32) -> (i32, i32, i32) {
    %c0_i32 = arith.constant 0 : i32
    %c0_i32_0 = arith.constant 0 : i32
    %c0_i32_1 = arith.constant 0 : i32
    return %c0_i32, %arg0, %c0_i32_0 : i32, i32, i32
  }
  func.func @transform_1(%arg0: i32) -> (i32, i32) {
    %c0_i32 = arith.constant 0 : i32
    %c0_i32_0 = arith.constant 0 : i32
    return %arg0, %c0_i32 : i32, i32
  }
  func.func @transform_2(%arg0: i32) -> (i32, i32) {
    %c0_i32 = arith.constant 0 : i32
    %c0_i32_0 = arith.constant 0 : i32
    return %arg0, %c0_i32 : i32, i32
  }
  func.func @transform_3(%arg0: i32) -> (i32, i32) {
    %c0_i32 = arith.constant 0 : i32
    %c0_i32_0 = arith.constant 0 : i32
    %c0_i32_1 = arith.constant 0 : i32
    return %c0_i32, %c0_i32_0 : i32, i32
  }
  func.func @transform_4(%arg0: i32) -> (i32, i32) {
    %c0_i32 = arith.constant 0 : i32
    %c0_i32_0 = arith.constant 0 : i32
    %c0_i32_1 = arith.constant 0 : i32
    return %c0_i32, %c0_i32_0 : i32, i32
  }
  func.func @transform_5(%arg0: i32) -> (i32, i32) {
    %c0_i32 = arith.constant 0 : i32
    %c0_i32_0 = arith.constant 0 : i32
    %c0_i32_1 = arith.constant 0 : i32
    return %c0_i32, %c0_i32_0 : i32, i32
  }
  func.func @transform_6(%arg0: i32) -> (i32, i32) {
    %c0_i32 = arith.constant 0 : i32
    %c0_i32_0 = arith.constant 0 : i32
    %c0_i32_1 = arith.constant 0 : i32
    return %c0_i32, %c0_i32_0 : i32, i32
  }
  func.func @transform_7(%arg0: i32) -> (i32, i32) {
    %c0_i32 = arith.constant 0 : i32
    %c0_i32_0 = arith.constant 0 : i32
    return %arg0, %c0_i32 : i32, i32
  }
  func.func @transform_8(%arg0: i32) -> (i32, i32) {
    %c0_i32 = arith.constant 0 : i32
    %c0_i32_0 = arith.constant 0 : i32
    return %arg0, %c0_i32 : i32, i32
  }
  func.func @transform_9(%arg0: i32) -> (i32, i32) {
    %c0_i32 = arith.constant 0 : i32
    %c0_i32_0 = arith.constant 0 : i32
    return %arg0, %c0_i32 : i32, i32
  }
}

module attributes {stable_mosaic.version = 14 : i64} {
  func.func @_final_body(%arg0: i32, %arg1: memref<2x1024x128xf32, #tpu.memory_space<vmem>>, %arg2: memref<1024x128xf32, #tpu.memory_space<vmem>>, %arg3: memref<1024x1xf32, #tpu.memory_space<vmem>>, %arg4: memref<1x128xf32, #tpu.memory_space<vmem>>, %arg5: memref<1x128xf32, #tpu.memory_space<vmem>>, %arg6: memref<1x128xf32, #tpu.memory_space<vmem>>, %arg7: memref<1024x1xi32, #tpu.memory_space<vmem>>, %arg8: memref<1024x128xf32, #tpu.memory_space<vmem>>, %arg9: memref<64x128xf32, #tpu.memory_space<vmem>>, %arg10: memref<64x128xf32, #tpu.memory_space<vmem>>, %arg11: memref<64x128xf32, #tpu.memory_space<vmem>>) attributes {dimension_semantics = [#tpu.dimension_semantics<arbitrary>], iteration_bounds = array<i64: 10>, scalar_prefetch = 0 : i64, scratch_operands = 2 : i64, tpu.core_type = #tpu.core_type<tc>, window_params = [{transform_indices = @transform_0, window_bounds = array<i64: 2, 1024, 128>}, {transform_indices = @transform_1, window_bounds = array<i64: 1024, 128>}, {transform_indices = @transform_2, window_bounds = array<i64: 1024, 1>}, {pipeline_mode = #tpu.pipeline_mode<synchronous>, transform_indices = @transform_3, window_bounds = array<i64: 1, 128>}, {pipeline_mode = #tpu.pipeline_mode<synchronous>, transform_indices = @transform_4, window_bounds = array<i64: 1, 128>}, {pipeline_mode = #tpu.pipeline_mode<synchronous>, transform_indices = @transform_5, window_bounds = array<i64: 1, 128>}, {transform_indices = @transform_6, window_bounds = array<i64: 1024, 1>}, {transform_indices = @transform_7, window_bounds = array<i64: 1024, 128>}, {pipeline_mode = #tpu.pipeline_mode<synchronous>, transform_indices = @transform_8, window_bounds = array<i64: 64, 128>}]} {
    %get3A = arith.constant 0 : index
    %get3A_0 = arith.constant 0 : index
    %get3A_1 = vector.load %arg3[%get3A, %get3A_0] : memref<1024x1xf32, #tpu.memory_space<vmem>>, vector<1024x1xf32>
    %get3A_2 = arith.constant 0 : index
    %get3A_3 = arith.constant 0 : index
    %get3A_4 = arith.constant 0 : index
    %get3A_5 = vector.load %arg1[%get3A_2, %get3A_3, %get3A_4] : memref<2x1024x128xf32, #tpu.memory_space<vmem>>, vector<1x1024x128xf32>
    %get3A_6 = vector.shape_cast %get3A_5 : vector<1x1024x128xf32> to vector<1024x128xf32>
    %get3A_7 = arith.constant 1 : index
    %get3A_8 = arith.constant 0 : index
    %get3A_9 = arith.constant 0 : index
    %get3A_10 = vector.load %arg1[%get3A_7, %get3A_8, %get3A_9] : memref<2x1024x128xf32, #tpu.memory_space<vmem>>, vector<1x1024x128xf32>
    %get3A_11 = vector.shape_cast %get3A_10 : vector<1x1024x128xf32> to vector<1024x128xf32>
    %add3A = arith.addf %get3A_6, %get3A_11 : vector<1024x128xf32>
    %get3A_12 = arith.constant 0 : index
    %get3A_13 = arith.constant 0 : index
    %get3A_14 = vector.load %arg2[%get3A_12, %get3A_13] : memref<1024x128xf32, #tpu.memory_space<vmem>>, vector<1024x128xf32>
    %sub3A = arith.subf %add3A, %get3A_14 : vector<1024x128xf32>
    %mul3A = vector.broadcast %get3A_1 : vector<1024x1xf32> to vector<1024x128xf32>
    %mul3A_15 = arith.mulf %mul3A, %sub3A : vector<1024x128xf32>
    %get3A_16 = arith.constant 0 : index
    %get3A_17 = arith.constant 0 : index
    %get3A_18 = vector.load %arg4[%get3A_16, %get3A_17] : memref<1x128xf32, #tpu.memory_space<vmem>>, vector<1x128xf32>
    %add3A_19 = vector.broadcast %get3A_18 : vector<1x128xf32> to vector<1024x128xf32>
    %add3A_20 = arith.addf %mul3A_15, %add3A_19 : vector<1024x128xf32>
    %mul3A_21 = arith.constant 0.999994993 : f32
    %mul3A_22 = vector.broadcast %mul3A_21 : f32 to vector<1024x128xf32>
    %mul3A_23 = arith.mulf %add3A_20, %mul3A_22 : vector<1024x128xf32>
    %get3A_24 = arith.constant 0 : index
    %get3A_25 = arith.constant 0 : index
    %get3A_26 = vector.load %arg5[%get3A_24, %get3A_25] : memref<1x128xf32, #tpu.memory_space<vmem>>, vector<1x128xf32>
    %mul3A_27 = vector.broadcast %get3A_26 : vector<1x128xf32> to vector<1024x128xf32>
    %mul3A_28 = arith.mulf %mul3A_23, %mul3A_27 : vector<1024x128xf32>
    %get3A_29 = arith.constant 0 : index
    %get3A_30 = arith.constant 0 : index
    %get3A_31 = vector.load %arg6[%get3A_29, %get3A_30] : memref<1x128xf32, #tpu.memory_space<vmem>>, vector<1x128xf32>
    %add3A_32 = vector.broadcast %get3A_31 : vector<1x128xf32> to vector<1024x128xf32>
    %add3A_33 = arith.addf %mul3A_28, %add3A_32 : vector<1024x128xf32>
    %swap3A = arith.constant 0 : index
    %swap3A_34 = arith.constant 0 : index
    %swap3A_35 = vector.load %arg8[%swap3A, %swap3A_34] : memref<1024x128xf32, #tpu.memory_space<vmem>>, vector<1024x128xf32>
    tpu.vector_store %arg8[%swap3A, %swap3A_34], %add3A_33 {strides = array<i32>} : memref<1024x128xf32, #tpu.memory_space<vmem>>, vector<1024x128xf32>,
    %get3A_36 = arith.constant 0 : index
    %get3A_37 = arith.constant 0 : index
    %get3A_38 = vector.load %arg7[%get3A_36, %get3A_37] : memref<1024x1xi32, #tpu.memory_space<vmem>>, vector<1024x1xi32>
    %iota3A = tpu.iota {dimensions = array<i32: 1>} : vector<1024x64xi32>
    %eq3A = vector.broadcast %get3A_38 : vector<1024x1xi32> to vector<1024x64xi32>
    %eq3A_39 = arith.cmpi eq, %eq3A, %iota3A : vector<1024x64xi32>
    %convert_element_type3A = arith.extui %eq3A_39 : vector<1024x64xi1> to vector<1024x64xi32>
    %convert_element_type3A_40 = arith.sitofp %convert_element_type3A : vector<1024x64xi32> to vector<1024x64xf32>
    %dot_general3A = arith.constant dense<0.000000e+00> : vector<64x128xf32>
    %dot_general3A_41 = tpu.matmul %convert_element_type3A_40, %add3A_33, %dot_general3A {dimension_numbers = #tpu.dot_dimension_numbers<[0], [0], [1], [1], [0, 1, 1, 1], [], []>, transpose_lhs_hint = false} : vector<1024x64xf32>, vector<1024x128xf32>, vector<64x128xf32> -> vector<64x128xf32>
    %broadcast_in_dim3A = arith.constant 1.000000e+00 : f32
    %broadcast_in_dim3A_42 = vector.broadcast %broadcast_in_dim3A : f32 to vector<1024x128xf32>
    %dot_general3A_43 = arith.constant dense<0.000000e+00> : vector<64x128xf32>
    %dot_general3A_44 = tpu.matmul %convert_element_type3A_40, %broadcast_in_dim3A_42, %dot_general3A_43 {dimension_numbers = #tpu.dot_dimension_numbers<[0], [0], [1], [1], [0, 1, 1, 1], [], []>, transpose_lhs_hint = false} : vector<1024x64xf32>, vector<1024x128xf32>, vector<64x128xf32> -> vector<64x128xf32>
    %eq3A_45 = arith.constant 0 : i32
    %eq3A_46 = arith.cmpi eq, %arg0, %eq3A_45 : i32
    %convert_element_type3A_47 = arith.extui %eq3A_46 : i1 to i32
    %cond3A = arith.constant 0 : i32
    %cond3A_48 = arith.cmpi ne, %convert_element_type3A_47, %cond3A : i32
    scf.if %cond3A_48 {
      %swap3A_58 = arith.constant 0 : index
      %swap3A_59 = arith.constant 0 : index
      %swap3A_60 = vector.load %arg10[%swap3A_58, %swap3A_59] : memref<64x128xf32, #tpu.memory_space<vmem>>, vector<64x128xf32>
      tpu.vector_store %arg10[%swap3A_58, %swap3A_59], %dot_general3A_41 {strides = array<i32>} : memref<64x128xf32, #tpu.memory_space<vmem>>, vector<64x128xf32>,
      %swap3A_61 = arith.constant 0 : index
      %swap3A_62 = arith.constant 0 : index
      %swap3A_63 = vector.load %arg11[%swap3A_61, %swap3A_62] : memref<64x128xf32, #tpu.memory_space<vmem>>, vector<64x128xf32>
      tpu.vector_store %arg11[%swap3A_61, %swap3A_62], %dot_general3A_44 {strides = array<i32>} : memref<64x128xf32, #tpu.memory_space<vmem>>, vector<64x128xf32>,
    } else {
    }
    %gt3A = arith.constant 0 : i32
    %gt3A_49 = arith.cmpi sgt, %arg0, %gt3A : i32
    %convert_element_type3A_50 = arith.extui %gt3A_49 : i1 to i32
    %cond3A_51 = arith.constant 0 : i32
    %cond3A_52 = arith.cmpi ne, %convert_element_type3A_50, %cond3A_51 : i32
    scf.if %cond3A_52 {
      %get3A_58 = arith.constant 0 : index
      %get3A_59 = arith.constant 0 : index
      %get3A_60 = vector.load %arg10[%get3A_58, %get3A_59] : memref<64x128xf32, #tpu.memory_space<vmem>>, vector<64x128xf32>
      %add3A_61 = arith.addf %get3A_60, %dot_general3A_41 : vector<64x128xf32>
      %swap3A_62 = arith.constant 0 : index
      %swap3A_63 = arith.constant 0 : index
      %swap3A_64 = vector.load %arg10[%swap3A_62, %swap3A_63] : memref<64x128xf32, #tpu.memory_space<vmem>>, vector<64x128xf32>
      tpu.vector_store %arg10[%swap3A_62, %swap3A_63], %add3A_61 {strides = array<i32>} : memref<64x128xf32, #tpu.memory_space<vmem>>, vector<64x128xf32>,
      %get3A_65 = arith.constant 0 : index
      %get3A_66 = arith.constant 0 : index
      %get3A_67 = vector.load %arg11[%get3A_65, %get3A_66] : memref<64x128xf32, #tpu.memory_space<vmem>>, vector<64x128xf32>
      %add3A_68 = arith.addf %get3A_67, %dot_general3A_44 : vector<64x128xf32>
      %swap3A_69 = arith.constant 0 : index
      %swap3A_70 = arith.constant 0 : index
      %swap3A_71 = vector.load %arg11[%swap3A_69, %swap3A_70] : memref<64x128xf32, #tpu.memory_space<vmem>>, vector<64x128xf32>
      tpu.vector_store %arg11[%swap3A_69, %swap3A_70], %add3A_68 {strides = array<i32>} : memref<64x128xf32, #tpu.memory_space<vmem>>, vector<64x128xf32>,
    } else {
    }
    %eq3A_53 = arith.constant 9 : i32
    %eq3A_54 = arith.cmpi eq, %arg0, %eq3A_53 : i32
    %convert_element_type3A_55 = arith.extui %eq3A_54 : i1 to i32
    %cond3A_56 = arith.constant 0 : i32
    %cond3A_57 = arith.cmpi ne, %convert_element_type3A_55, %cond3A_56 : i32
    scf.if %cond3A_57 {
      %get3A_58 = arith.constant 0 : index
      %get3A_59 = arith.constant 0 : index
      %get3A_60 = vector.load %arg10[%get3A_58, %get3A_59] : memref<64x128xf32, #tpu.memory_space<vmem>>, vector<64x128xf32>
      %get3A_61 = arith.constant 0 : index
      %get3A_62 = arith.constant 0 : index
      %get3A_63 = vector.load %arg11[%get3A_61, %get3A_62] : memref<64x128xf32, #tpu.memory_space<vmem>>, vector<64x128xf32>
      %max3A = arith.constant 1.000000e+00 : f32
      %max3A_64 = vector.broadcast %max3A : f32 to vector<64x128xf32>
      %max3A_65 = arith.maximumf %get3A_63, %max3A_64 : vector<64x128xf32>
      %div3A = arith.divf %get3A_60, %max3A_65 : vector<64x128xf32>
      %swap3A_66 = arith.constant 0 : index
      %swap3A_67 = arith.constant 0 : index
      %swap3A_68 = vector.load %arg9[%swap3A_66, %swap3A_67] : memref<64x128xf32, #tpu.memory_space<vmem>>, vector<64x128xf32>
      tpu.vector_store %arg9[%swap3A_66, %swap3A_67], %div3A {strides = array<i32>} : memref<64x128xf32, #tpu.memory_space<vmem>>, vector<64x128xf32>,
    } else {
    }
    return
  }
  func.func @transform_0(%arg0: i32) -> (i32, i32, i32) {
    %c0_i32 = arith.constant 0 : i32
    %c0_i32_0 = arith.constant 0 : i32
    %c0_i32_1 = arith.constant 0 : i32
    return %c0_i32, %arg0, %c0_i32_0 : i32, i32, i32
  }
  func.func @transform_1(%arg0: i32) -> (i32, i32) {
    %c0_i32 = arith.constant 0 : i32
    %c0_i32_0 = arith.constant 0 : i32
    return %arg0, %c0_i32 : i32, i32
  }
  func.func @transform_2(%arg0: i32) -> (i32, i32) {
    %c0_i32 = arith.constant 0 : i32
    %c0_i32_0 = arith.constant 0 : i32
    return %arg0, %c0_i32 : i32, i32
  }
  func.func @transform_3(%arg0: i32) -> (i32, i32) {
    %c0_i32 = arith.constant 0 : i32
    %c0_i32_0 = arith.constant 0 : i32
    %c0_i32_1 = arith.constant 0 : i32
    return %c0_i32, %c0_i32_0 : i32, i32
  }
  func.func @transform_4(%arg0: i32) -> (i32, i32) {
    %c0_i32 = arith.constant 0 : i32
    %c0_i32_0 = arith.constant 0 : i32
    %c0_i32_1 = arith.constant 0 : i32
    return %c0_i32, %c0_i32_0 : i32, i32
  }
  func.func @transform_5(%arg0: i32) -> (i32, i32) {
    %c0_i32 = arith.constant 0 : i32
    %c0_i32_0 = arith.constant 0 : i32
    %c0_i32_1 = arith.constant 0 : i32
    return %c0_i32, %c0_i32_0 : i32, i32
  }
  func.func @transform_6(%arg0: i32) -> (i32, i32) {
    %c0_i32 = arith.constant 0 : i32
    %c0_i32_0 = arith.constant 0 : i32
    return %arg0, %c0_i32 : i32, i32
  }
  func.func @transform_7(%arg0: i32) -> (i32, i32) {
    %c0_i32 = arith.constant 0 : i32
    %c0_i32_0 = arith.constant 0 : i32
    return %arg0, %c0_i32 : i32, i32
  }
  func.func @transform_8(%arg0: i32) -> (i32, i32) {
    %c0_i32 = arith.constant 0 : i32
    %c0_i32_0 = arith.constant 0 : i32
    %c0_i32_1 = arith.constant 0 : i32
    return %c0_i32, %c0_i32_0 : i32, i32
  }
}

</mosaic_0001>

<sc_bundles>
// kernel: kernel.12.cloned.1.call-start
scs
__scs_entry_jumppad:
0x0: {  	(pc) =	sbr.rel $0x88, $3  }
0x1: {  	(tag) =	ssettag $0x0;
	lr =	simm.s32 $0x1  }
0x2: {  	[smem:$0x3F8E] =	sst lr;
	_ =	strace $0xD0000000  }
0x3: {  	_ = 	snop  }
0x4: {  	_ = 	snop  }
0x5: {  	_ = 	snop  }
0x6: {  	_ = 	snop  }
0x7: {  	_ = 	snop  }
__scs_overlays_trampoline_lowered:
0x8: {  	[smem:$0x3F9D] =	sst s0  }
0x9: {  	[smem:$0x3F9E] =	sst s1  }
0xa: {  	[smem:$0x3F9F] =	sst s2  }
0xb: {  	[smem:$0x3FA0] =	sst s3  }
0xc: {  	[smem:$0x3FA1] =	sst s4  }
0xd: {  	[smem:$0x3FA2] =	sst s5  }
0xe: {  	[smem:$0x3FA3] =	sst s6  }
0xf: {  	[smem:$0x3FA4] =	sst s7  }
0x10: {  	[smem:$0x3FA5] =	sst s8  }
0x11: {  	[smem:$0x3FA6] =	sst s9;
	s0 =	simm.s32 @!p0 $0x0  }
0x12: {  	s1 =	sld [smem:$0x3F8C];
	s0 =	simm.s32 @p0 $0x1  }
0x13: {  	[smem:$0x3FA7] =	sst s0;
	s0 =	simm.s32 @!p1 $0x0  }
0x14: {  	s2 =	sld [smem:$0x3F8B];
	s0 =	simm.s32 @p1 $0x1  }
0x15: {  	[smem:$0x3FA8] =	sst s0;
	s0 =	simm.s32 @!p2 $0x0  }
0x16: {  	s3 =	sld [smem:$0x3FDB];
	s0 =	simm.s32 @p2 $0x1  }
0x17: {  	s4 =	simm.s32 $0x1BF5;
	[smem:$0x3FAA] =	sst s0  }
0x18: {  	s0 =	sld [smem:$0x3F8D];
	_ =	swait.ge [sflag:s4], $0x0  }
0x19: {  	s7 =	sld [smem:$0x3F8E]  }
0x1a: {  	s8 =	sadd.s32 $0xFFFFE003, lr  }
0x1b: {  	s9 =	sadd.s32 $0xFFFFFEF7, lr;
	s5 =	simm.s32 $0xFFFFFFFF;
	p2 =	slt.u32 s8, $0xFFFFF086  }
0x1c: {  	p1 =	slt.u32 s9, $0xF7A;
	s5 =	simm.s32 @!p2 $0x0  }
0x1d: {  	s5 =	simm.s32 @p1 $0x1;
	p0 =	seq.s32 s7, s2  }
0x1e: {  	s7 =	smul.u32 @!p0 $0xF7A, s2;
	p2 =	seq.s32 @!p0 s5, $0x0  }
0x1f: {  	s9 =	smul.u32 $0xF7A, s1;
	s8 =	simm.s32 @!p0 $0x1BF5;
	p2 =	por !p2, p0  }
0x20: {  	[sflag:s8] =	ssyncset.s32 @!p0 $0xFFFFF086;
	s6 =	sadd.s32 @!p0 s3, s7;
	s7 =	simm.s32 @!p0 $0x108  }
0x21: {  	s3 =	sadd.s32 s3, s9;
	s6 =	sadd.s32 @!p0 $0x88, s6;
	s7 =	simm.s32 @p2 $0x1082  }
0x22: {  	[simem:s7], [sflag:s8] =	dma.local @!p0 [hbm:s6], $0xF7A  }
0x23: {  	s9 =	sor.u32 $0xD0000000, s2;
	s6 =	simm.s32 $0x108;
	_ =	swait.ge @!p0 [sflag:s8], $0x0  }
0x24: {  	s3 =	sadd.s32 $0x88, s3;
	s6 =	simm.s32 @!p1 $0x1082;
	[sflag:s4] =	ssyncset.s32 $0xFFFFF086  }
0x25: {  	[simem:s6], [sflag:s4] =	dma.local [hbm:s3], $0xF7A  }
0x26: {  	[smem:$0x3F8E] =	sst s1;
	(tag) =	ssettag s2;
	_ =	strace s9  }
0x27: {  	s1 =	sld [smem:$0x3F9E]  }
0x28: {  	s2 =	sld [smem:$0x3F9F]  }
0x29: {  	s4 =	sld [smem:$0x3FA1]  }
0x2a: {  	p0 =	seq.s32 s5, $0x0;
	s5 =	sld [smem:$0x3FA2]  }
0x2b: {  	s6 =	sld [smem:$0x3FA3]  }
0x2c: {  	s7 =	sld [smem:$0x3FA4]  }
0x2d: {  	s3 =	simm.s32 $0x108;
	s8 =	sld [smem:$0x3FA5]  }
0x2e: {  	s3 =	simm.s32 @!p0 $0x1082;
	s9 =	sld [smem:$0x3FA6]  }
0x2f: {  	lr =	sadd.s32 s0, s3;
	s0 =	sld [smem:$0x3F9D]  }
0x30: {  	s3 =	sld [smem:$0x3FA0]  }
0x31: {  	[smem:$0x3FA9] =	sst s10  }
0x32: {  	s10 =	sld [smem:$0x3FA7];
	_ =	sdelay $0x3  }
0x33: {  	p0 =	seq.s32 s10, $0x1;
	s10 =	sld [smem:$0x3FA9];
	_ =	sdelay $0x3  }
0x34: {  	[smem:$0x3FA9] =	sst s10  }
0x35: {  	s10 =	sld [smem:$0x3FA8];
	_ =	sdelay $0x3  }
0x36: {  	p1 =	seq.s32 s10, $0x1;
	s10 =	sld [smem:$0x3FA9];
	_ =	sdelay $0x3  }
0x37: {  	[smem:$0x3FA9] =	sst s10  }
0x38: {  	s10 =	sld [smem:$0x3FAA]  }
0x39: {  	_ = 	snop;
	(pc) =	sbr.ind lr, $3  }
0x3a: {  	_ = 	snop  }
0x3b: {  	_ = 	snop  }
0x3c: {  	p2 =	seq.s32 s10, $0x1;
	s10 =	sld [smem:$0x3FA9]  }
0x3d: {  	_ =	shalt  }
0x3e: {  	_ =	shalt  }
0x3f: {  	_ =	shalt  }
0x40: {  	_ =	shalt  }
0x41: {  	_ =	shalt  }
0x42: {  	_ =	shalt  }
0x43: {  	_ =	shalt  }
0x44: {  	_ =	shalt  }
0x45: {  	_ =	shalt  }
0x46: {  	_ =	shalt  }
0x47: {  	_ =	shalt  }
0x48: {  	_ =	shalt  }
0x49: {  	_ =	shalt  }
0x4a: {  	_ =	shalt  }
0x4b: {  	_ =	shalt  }
0x4c: {  	_ =	shalt  }
0x4d: {  	_ =	shalt  }
0x4e: {  	_ =	shalt  }
0x4f: {  	_ =	shalt  }
0x50: {  	_ =	shalt  }
0x51: {  	_ =	shalt  }
0x52: {  	_ =	shalt  }
0x53: {  	_ =	shalt  }
0x54: {  	_ =	shalt  }
0x55: {  	_ =	shalt  }
0x56: {  	_ =	shalt  }
0x57: {  	_ =	shalt  }
0x58: {  	_ =	shalt  }
0x59: {  	_ =	shalt  }
0x5a: {  	_ =	shalt  }
0x5b: {  	_ =	shalt  }
0x5c: {  	_ =	shalt  }
0x5d: {  	_ =	shalt  }
0x5e: {  	_ =	shalt  }
0x5f: {  	_ =	shalt  }
0x60: {  	_ =	shalt  }
0x61: {  	_ =	shalt  }
0x62: {  	_ =	shalt  }
0x63: {  	_ =	shalt  }
0x64: {  	_ =	shalt  }
0x65: {  	_ =	shalt  }
0x66: {  	_ =	shalt  }
0x67: {  	_ =	shalt  }
0x68: {  	_ =	shalt  }
0x69: {  	_ =	shalt  }
0x6a: {  	_ =	shalt  }
0x6b: {  	_ =	shalt  }
0x6c: {  	_ =	shalt  }
0x6d: {  	_ =	shalt  }
0x6e: {  	_ =	shalt  }
0x6f: {  	_ =	shalt  }
0x70: {  	_ =	shalt  }
0x71: {  	_ =	shalt  }
0x72: {  	_ =	shalt  }
0x73: {  	_ =	shalt  }
0x74: {  	_ =	shalt  }
0x75: {  	_ =	shalt  }
0x76: {  	_ =	shalt  }
0x77: {  	_ =	shalt  }
0x78: {  	_ =	shalt  }
0x79: {  	_ =	shalt  }
0x7a: {  	_ =	shalt  }
0x7b: {  	_ =	shalt  }
0x7c: {  	_ =	shalt  }
0x7d: {  	_ =	shalt  }
0x7e: {  	_ =	shalt  }
0x7f: {  	_ =	shalt  }
0x80: {  	_ =	shalt  }
0x81: {  	_ =	shalt  }
0x82: {  	_ =	shalt  }
0x83: {  	_ =	shalt  }
0x84: {  	_ =	shalt  }
0x85: {  	_ =	shalt  }
0x86: {  	_ =	shalt  }
0x87: {  	_ =	shalt  }
.Lfunc_end0:
.L_simem_size_0:
called_computation_lowered:
.L_overlay_start_0:
0x88: {  	s2 =	sld [smem:$0x3FD9]  }
0x89: {  	s3 =	sld [smem:$0x3FFE];
	_ =	sdelay $0x1  }
0x8a: {  	s1 =	srdreg.scid  }
0x8b: {  	s0 =	sand.u32 $0x1, s1  }
0x8c: {  	s14 =	sshll.u32 s0, $0xA;
	s2 =	sadd.s32 s3, s2  }
0x8d: {  	s2 =	sadd.s32 s2, s14  }
0x8e: {  	[smem:$0x3FB5] =	sst s2  }
0x8f: {  	_ = 	snop  }
0x90: {  	s2 =	sld [smem:$0x3FD0];
	_ =	sdelay $0x2  }
0x91: {  	s15 =	simm.s32 $0xA;
	s4 =	simm.s32 $0x10  }
0x92: {  	[smem:s4], [sflag:s15] =	dma.local [hbm:s2], $0x1  }
0x93: {  	_ =	swait.eq [sflag:s15], $0x1  }
0x94: {  	[sflag:s15] =	ssyncset.done $0x0  }
0x95: {  	s16 =	sld [smem:$0x10];
	[sflag:s15] =	ssyncadd.s32 $0xFFFFFFFF  }
0x96: {  	s17 =	sld [smem:$0x11];
	(tm) =	ssettm $0x1  }
0x97: {  	s18 =	sld [smem:$0x3FFB];
	_ =	sdelay $0x3  }
0x98: {  	_ =	strace s18  }
0x99: {  	s4 =	sld [smem:$0x3FFC];
	_ =	sdelay $0x3  }
0x9a: {  	_ =	strace s4  }
0x9b: {  	s4 =	sld [smem:$0x3FFD];
	_ =	sdelay $0x3  }
0x9c: {  	_ =	strace s4  }
0x9d: {  	_ =	strace $0x8FFFFFFF  }
0x9e: {  	s19 =	sld [smem:$0x3FDB];
	_ =	sdelay $0x1  }
0x9f: {  	s5 =	simm.s32 $_scs_section_size  }
0xa0: {  	s6 =	simm.s32 $_size__tile_overlayer_lowered;
	s7 =	simm.s32 $_tile_overlayer_lowered  }
0xa1: {  	s22 =	simm.s32 $0x1BFF;
	s21 =	sshll.u32 s7, $0x1;
	s4 =	sadd.s32 s5, s19  }
0xa2: {  	s8 =	simm.s32 $0x0;
	s20 =	sshll.u32 s6, $0x1;
	s6 =	sadd.s32 s21, s4  }
0xa3: {  	[timem:s8], [sflag:s22] =	dma.local [hbm:s6], s20  }
0xa4: {  	_ =	swait.ge [sflag:s22], s20  }
0xa5: {  	s5 =	ssub.s32 $0x0, s20;
	[sflag:s22] =	ssyncset.done $0x0  }
0xa6: {  	[sflag:s22] =	ssyncadd.s32 s5;
	_ =	sdelay $0x1  }
0xa7: {  	s23 =	simm.s32 $0x1B8B  }
0xa8: {  	_ =	swait.ge [sflag:s23], $0x1  }
0xa9: {  	[sflag:s23] =	ssyncset.done $0x0  }
0xaa: {  	s25 =	simm.s32 $0x1B8E;
	s24 =	sld [smem:$0x3FFE];
	[sflag:s23] =	ssyncadd.s32 $0xFFFFFFFF  }
0xab: {  	s26 =	simm.s32 $execute0_lowered;
	[smem:$0x3FD2] =	sst s25  }
0xac: {  	s6 =	sshll.u32 s26, $0x1;
	_ =	strace $0x80000046;
	[dreg:$0x1] =	wrdreg $0xFFFFFFFF  }
0xad: {  	s28 =	simm.s32 $_size_execute0_lowered;
	s4 =	sadd.s32 s4, s6;
	[dreg:$0x0] =	wrdreg $0x0  }
0xae: {  	s6 =	sshll.u32 s28, $0x1;
	[dreg:$0x2] =	wrdreg s4  }
0xaf: {  	[dreg:$0x3] =	wrdreg s6  }
0xb0: {  	[dreg:$0x4] =	wrdreg $0xC0  }
0xb1: {  	_ =	task [dreg:s8], $0x5FFFF  }
0xb2: {  	[dreg:$0x1] =	wrdreg $0xFFFFFFFF  }
0xb3: {  	[dreg:$0x0] =	wrdreg $0x60  }
0xb4: {  	[dreg:$0x2] =	wrdreg s16  }
0xb5: {  	[dreg:$0x3] =	wrdreg s17  }
0xb6: {  	[dreg:$0x4] =	wrdreg s24  }
0xb7: {  	[dreg:$0x5] =	wrdreg $0x0  }
0xb8: {  	[dreg:$0x6] =	wrdreg $0x9  }
0xb9: {  	_ =	task.clear_ibuf [dreg:s8], $0x7FFFF;
	_ =	strace $0x90000046  }
0xba: {  	s29 =	simm.s32 $0x9;
	_ =	strace $0x80000048  }
0xbb: {  	_ =	swait.ge [sflag:s29], $0x1  }
0xbc: {  	[sflag:s29] =	ssyncadd.s32 $0xFFFFFFFF  }
0xbd: {  	_ =	strace $0x90000048  }
0xbe: {  	_ =	sfence  }
0xbf: {  	s30 =	sld [smem:$0x0];
	_ =	sdelay $0x2  }
0xc0: {  	s31 =	sshll.u32 s1, $0xD;
	s1 =	sshrl.u32 s1, $0x2  }
0xc1: {  	s3 =	sand.u32 $0x4000, s31;
	s1 =	sadd.s32 s1, s30  }
0xc2: {  	s0 =	sor.u32 s3, s0;
	s1 =	sshll.u32 s1, $0x11  }
0xc3: {  	s0 =	sor.u32 s1, s0  }
0xc4: {  	s0 =	sadd.s32 $0x8F2B, s0  }
0xc5: {  	[sflag:s0] =	ssyncadd.remote.s32 $0x1  }
0xc6: {  	_ =	sfence.sel $0xFFFF  }
0xc7: {  	[dreg:$0x0] =	wrdreg $0xFFFFFFFF;
	(pc) =	sbr.abs _section_cstart, $3  }
0xc8: {  	[dreg:$0x1] =	wrdreg $0xFFFFFFFF  }
0xc9: {  	_ =	task.clear_ibuf [dreg:s8], $0x2FFFF;
	_ =	strace $0x9FFFFFFF  }
0xca: {  	(tm) =	ssettm $0x7FFFFFFF  }
0xcb: {  	_ =	shalt  }
tec
execute0_lowered:
.L_overlay_start_1:
0x0: {  	(tag) =	ssettag $0x1  }
0x1: {  	s5 =	rddreg [dreg:$0x0]  }
0x2: {  	s1 =	rddreg [dreg:$0x1]  }
0x3: {  	s6 =	rddreg [dreg:$0x2]  }
0x4: {  	s3 =	rddreg [dreg:$0x3]  }
0x5: {  	s0 =	rddreg [dreg:$0x4];
	s7 =	srdreg.scid  }
0x6: {  	s2 =	stileid.u32;
	s4 =	simm.s32 $0x0;
	s12 =	simm.s32 $0x280  }
0x7: {  	s13 =	simm.s32 $0x50;
	s16 =	simm.s32 $0x20;
	s17 =	simm.s32 $0x10  }
0x8: {  	s18 =	simm.s32 $0x0;
	s7 =	sand.u32 $0x1, s7;
	s8 =	smul.u32 $0x500, s2  }
0x9: {  	[smem:$0x7FF] =	sst s4;
	s11 =	smul.u32 $0xA00, s2;
	s31 =	sshll.u32 s2, $0xC  }
0xa: {  	s14 =	sshll.u32 s2, $0x6;
	s9 =	sshll.u32 s7, $0x7;
	_ =	strace $0x80000047  }
0xb: {  	s28 =	ssub.s32 $0x2, s7;
	s29 =	sshll.u32 s7, $0xB;
	s14 =	sor.u32 $0x1C01, s14  }
0xc: {  	s8 =	sor.u32 s9, s8;
	s10 =	sshrl.u32 s28, $0x1;
	s30 =	sshrl.u32 s11, $0x2  }
0xd: {  	s11 =	simm.s32 $0x4280;
	s8 =	sshrl.u32 s8, $0x3;
	s9 =	ssub.s32 s28, s10  }
0xe: {  	s10 =	simm.s32 $0x1;
	s8 =	sadd.s32 s8, s6;
	s6 =	sadd.s32 s5, s29  }
0xf: {  	s5 =	sadd.s32 s30, s3;
	s6 =	sadd.s32 s31, s6;
	s7 =	sadd.s32 $0x5A00, s8  }
0x10: {  	v0 =	vimm.f32 $0.0e+00;
	s8 =	smax.u32 s9, $0x1;
	s9 =	simm.s32 $0x4300;
	s15 =	sshrl.u32 s5, $0x3  }
.LBB2_1:
0x11: {  	[tilespmem:$0x4300] =	vst v0  }
0x12: {  	[tilespmem:$0x4310] =	vst v0  }
0x13: {  	[tilespmem:$0x4320] =	vst v0  }
0x14: {  	[tilespmem:$0x4330] =	vst v0  }
0x15: {  	[tilespmem:$0x4340] =	vst v0  }
0x16: {  	[tilespmem:$0x4350] =	vst v0  }
0x17: {  	[tilespmem:$0x4360] =	vst v0  }
0x18: {  	[tilespmem:$0x4370] =	vst v0  }
0x19: {  	[tilespmem:$0x4380] =	vst v0  }
0x1a: {  	[tilespmem:$0x4390] =	vst v0  }
0x1b: {  	[tilespmem:$0x43A0] =	vst v0  }
0x1c: {  	[tilespmem:$0x43B0] =	vst v0  }
0x1d: {  	[tilespmem:$0x43C0] =	vst v0  }
0x1e: {  	[tilespmem:$0x43D0] =	vst v0  }
0x1f: {  	[tilespmem:$0x43E0] =	vst v0  }
0x20: {  	[tilespmem:$0x43F0] =	vst v0  }
0x21: {  	[tilespmem:$0x4400] =	vst v0  }
0x22: {  	[tilespmem:$0x4410] =	vst v0  }
0x23: {  	[tilespmem:$0x4420] =	vst v0  }
0x24: {  	[tilespmem:$0x4430] =	vst v0  }
0x25: {  	[tilespmem:$0x4440] =	vst v0  }
0x26: {  	[tilespmem:$0x4450] =	vst v0  }
0x27: {  	[tilespmem:$0x4460] =	vst v0  }
0x28: {  	[tilespmem:$0x4470] =	vst v0  }
0x29: {  	[tilespmem:$0x4480] =	vst v0  }
0x2a: {  	[tilespmem:$0x4490] =	vst v0  }
0x2b: {  	[tilespmem:$0x44A0] =	vst v0  }
0x2c: {  	[tilespmem:$0x44B0] =	vst v0  }
0x2d: {  	[tilespmem:$0x44C0] =	vst v0  }
0x2e: {  	[tilespmem:$0x44D0] =	vst v0  }
0x2f: {  	[tilespmem:$0x44E0] =	vst v0  }
0x30: {  	[tilespmem:$0x44F0] =	vst v0  }
0x31: {  	[tilespmem:$0x4500] =	vst v0  }
0x32: {  	[tilespmem:$0x4510] =	vst v0  }
0x33: {  	[tilespmem:$0x4520] =	vst v0  }
0x34: {  	[tilespmem:$0x4530] =	vst v0  }
0x35: {  	[tilespmem:$0x4540] =	vst v0  }
0x36: {  	[tilespmem:$0x4550] =	vst v0  }
0x37: {  	[tilespmem:$0x4560] =	vst v0  }
0x38: {  	[tilespmem:$0x4570] =	vst v0  }
0x39: {  	[spmem:s5] =	stream.linear.scatter [tilespmem:s9], [sflag:$0x1], $0x280, $0x38;
	[tilespmem:$0x4580] =	vst v63  }
0x3a: {  	_ =	swait.ge [sflag:s10], $0x280  }
0x3b: {  	[sflag:s10] =	ssyncset.done $0x0  }
0x3c: {  	[sflag:s10] =	ssyncadd.s32 $0xFFFFFD80  }
0x3d: {  	[tilespmem:s11], [sflag:$0x1] =	stream.linear.gather [hbm4b:s1+s4], $0x80, $0x38;
	[tilespmem:$0x4580] =	vst v63  }
0x3e: {  	_ =	swait.ge [sflag:s10], $0x80  }
0x3f: {  	[sflag:s10] =	ssyncset.done $0x0  }
0x40: {  	[sflag:s10] =	ssyncadd.s32 $0xFFFFFF80  }
0x41: {  	[tilespmem:s12], [sflag:$0x1] =	stream.linear.gather [hbm4b:s6+s4], $0x3E80, $0x38;
	[tilespmem:$0x4580] =	vst v63  }
0x42: {  	_ =	swait.ge [sflag:s10], $0x3E80  }
0x43: {  	[sflag:s10] =	ssyncset.done $0x0  }
0x44: {  	[sflag:s10] =	ssyncadd.s32 $0xFFFFC180  }
0x45: {  	s19 =	simm.s32 $0x280;
	[bflag:$0x0] =	sbarrier.arrive $0xFFFF  }
0x46: {  	[spmem:s3] =	stream.indirect.scatter.add.f32 [tilespmem:s11], [sflag:$0x1], $0x1, s19, s13, $0xb8;
	[tilespmem:$0x4580] =	vst v63  }
0x47: {  	s19 =	simm.s32 $0x200;
	_ =	swait.ge [sflag:s10], $0x50  }
.LBB2_2:
0x48: {  	s20 =	sshra.s32 s19, $0x2;
	[sflag:s10] =	ssyncset.done $0x0;
	p0 =	sne.s32 s19, $0xF800  }
.Ltmp0:
0x49: {  	s20 =	sadd.s32 $0x280, s20;
	[sflag:s10] =	ssyncadd.s32 $0xFFFFFFB0;
	(pc) =	sbr.rel @p0 .LBB2_2-.Ltmp0, $3  }
0x4a: {  	[spmem:s3] =	stream.indirect.scatter.add.f32 [tilespmem:s11], [sflag:$0x1], $0x1, s20, s13, $0xb8;
	[tilespmem:$0x4580] =	vst v63  }
0x4b: {  	s19 =	sadd.s32 $0x200, s19;
	_ =	sdelay $0x1  }
0x4c: {  	_ =	swait.ge [sflag:s10], $0x50  }
0x4d: {  	[sflag:s10] =	ssyncset.done $0x0;
	s18 =	sadd.s32 $0x1, s18  }
0x4e: {  	[sflag:s10] =	ssyncadd.s32 $0xFFFFFFB0;
	p0 =	sne.s32 s18, s8  }
.Ltmp1:
0x4f: {  	[bflag:$0x0] =	sbarrier.arrive $0xFFFF;
	(pc) =	sbr.rel @p0 .LBB2_1-.Ltmp1, $4  }
0x50: {  	[hbm:s7@s16], [sflag:s14] =	dma.strided [spmem:s15@s17], $0x50, s10, $0x10   }
0x51: {  	_ =	swait.ge [sflag:s10], $0x50  }
0x52: {  	[sflag:s10] =	ssyncset.done $0x0  }
0x53: {  	[sflag:s10] =	ssyncadd.s32 $0xFFFFFFB0  }
0x54: {  	_ =	sfence.sel $0x180000  }
0x55: {  	[bflag:$0x0] =	sbarrier.arrive $0xFFFF  }
0x56: {  	p0 =	sne.s32 s2, $0x0;
	_ =	strace $0x90000047  }
0x57: {  	s0 =	sadd.s32 @!p0 $0x100000, s0;
	[bflag:$0x2] =	sbarrier.arrive $0xFFFF  }
0x58: {  	[sflag:s0] =	ssyncadd.tile.s32 @!p0 $0x1;
	_ =	shalt  }
.Lfunc_end2:
_tile_overlayer_lowered:
.L_overlay_start_2:
0x59: {  	(tag) =	ssettag $0x2  }
0x5a: {  	s0 =	rddreg [dreg:$0x0];
	s2 =	stileid.u32  }
0x5b: {  	s1 =	rddreg [dreg:$0x1];
	p0 =	sne.s32 s2, $0x0  }
0x5c: {  	s3 =	rddreg [dreg:$0x2];
	[bflag:$0x3] =	sbarrier.arrive $0xFFFF;
	s2 =	simm.s32 @!p0 $0x1C01  }
0x5d: {  	[timem:s3], [sflag:s2] =	dma.local @!p0 [hbm:s0], s1  }
0x5e: {  	s0 =	simm.s32 @!p0 $0x1  }
0x5f: {  	_ =	swait.ge @!p0 [sflag:s0], s1  }
0x60: {  	s1 =	ssub.s32 @!p0 $0x0, s1;
	[sflag:s0] =	ssyncset.done @!p0 $0x0  }
0x61: {  	[sflag:s0] =	ssyncadd.s32 @!p0 s1  }
0x62: {  	[bflag:$0x3] =	sbarrier.arrive $0xFFFF  }
0x63: {  	_ =	shalt  }

// kernel: kernel.15.cloned.1.call-start
scs
__scs_entry_jumppad:
0x0: {  	(pc) =	sbr.rel $0x88, $3  }
0x1: {  	(tag) =	ssettag $0x0;
	lr =	simm.s32 $0x1  }
0x2: {  	[smem:$0x3F8E] =	sst lr;
	_ =	strace $0xD0000000  }
0x3: {  	_ = 	snop  }
0x4: {  	_ = 	snop  }
0x5: {  	_ = 	snop  }
0x6: {  	_ = 	snop  }
0x7: {  	_ = 	snop  }
__scs_overlays_trampoline_lowered:
0x8: {  	[smem:$0x3F9D] =	sst s0  }
0x9: {  	[smem:$0x3F9E] =	sst s1  }
0xa: {  	[smem:$0x3F9F] =	sst s2  }
0xb: {  	[smem:$0x3FA0] =	sst s3  }
0xc: {  	[smem:$0x3FA1] =	sst s4  }
0xd: {  	[smem:$0x3FA2] =	sst s5  }
0xe: {  	[smem:$0x3FA3] =	sst s6  }
0xf: {  	[smem:$0x3FA4] =	sst s7  }
0x10: {  	[smem:$0x3FA5] =	sst s8  }
0x11: {  	[smem:$0x3FA6] =	sst s9;
	s0 =	simm.s32 @!p0 $0x0  }
0x12: {  	s1 =	sld [smem:$0x3F8C];
	s0 =	simm.s32 @p0 $0x1  }
0x13: {  	[smem:$0x3FA7] =	sst s0;
	s0 =	simm.s32 @!p1 $0x0  }
0x14: {  	s2 =	sld [smem:$0x3F8B];
	s0 =	simm.s32 @p1 $0x1  }
0x15: {  	[smem:$0x3FA8] =	sst s0;
	s0 =	simm.s32 @!p2 $0x0  }
0x16: {  	s3 =	sld [smem:$0x3FDB];
	s0 =	simm.s32 @p2 $0x1  }
0x17: {  	s4 =	simm.s32 $0x1BF5;
	[smem:$0x3FAA] =	sst s0  }
0x18: {  	s0 =	sld [smem:$0x3F8D];
	_ =	swait.ge [sflag:s4], $0x0  }
0x19: {  	s7 =	sld [smem:$0x3F8E]  }
0x1a: {  	s8 =	sadd.s32 $0xFFFFE003, lr  }
0x1b: {  	s9 =	sadd.s32 $0xFFFFFEF7, lr;
	s5 =	simm.s32 $0xFFFFFFFF;
	p2 =	slt.u32 s8, $0xFFFFF086  }
0x1c: {  	p1 =	slt.u32 s9, $0xF7A;
	s5 =	simm.s32 @!p2 $0x0  }
0x1d: {  	s5 =	simm.s32 @p1 $0x1;
	p0 =	seq.s32 s7, s2  }
0x1e: {  	s7 =	smul.u32 @!p0 $0xF7A, s2;
	p2 =	seq.s32 @!p0 s5, $0x0  }
0x1f: {  	s9 =	smul.u32 $0xF7A, s1;
	s8 =	simm.s32 @!p0 $0x1BF5;
	p2 =	por !p2, p0  }
0x20: {  	[sflag:s8] =	ssyncset.s32 @!p0 $0xFFFFF086;
	s6 =	sadd.s32 @!p0 s3, s7;
	s7 =	simm.s32 @!p0 $0x108  }
0x21: {  	s3 =	sadd.s32 s3, s9;
	s6 =	sadd.s32 @!p0 $0x88, s6;
	s7 =	simm.s32 @p2 $0x1082  }
0x22: {  	[simem:s7], [sflag:s8] =	dma.local @!p0 [hbm:s6], $0xF7A  }
0x23: {  	s9 =	sor.u32 $0xD0000000, s2;
	s6 =	simm.s32 $0x108;
	_ =	swait.ge @!p0 [sflag:s8], $0x0  }
0x24: {  	s3 =	sadd.s32 $0x88, s3;
	s6 =	simm.s32 @!p1 $0x1082;
	[sflag:s4] =	ssyncset.s32 $0xFFFFF086  }
0x25: {  	[simem:s6], [sflag:s4] =	dma.local [hbm:s3], $0xF7A  }
0x26: {  	[smem:$0x3F8E] =	sst s1;
	(tag) =	ssettag s2;
	_ =	strace s9  }
0x27: {  	s1 =	sld [smem:$0x3F9E]  }
0x28: {  	s2 =	sld [smem:$0x3F9F]  }
0x29: {  	s4 =	sld [smem:$0x3FA1]  }
0x2a: {  	p0 =	seq.s32 s5, $0x0;
	s5 =	sld [smem:$0x3FA2]  }
0x2b: {  	s6 =	sld [smem:$0x3FA3]  }
0x2c: {  	s7 =	sld [smem:$0x3FA4]  }
0x2d: {  	s3 =	simm.s32 $0x108;
	s8 =	sld [smem:$0x3FA5]  }
0x2e: {  	s3 =	simm.s32 @!p0 $0x1082;
	s9 =	sld [smem:$0x3FA6]  }
0x2f: {  	lr =	sadd.s32 s0, s3;
	s0 =	sld [smem:$0x3F9D]  }
0x30: {  	s3 =	sld [smem:$0x3FA0]  }
0x31: {  	[smem:$0x3FA9] =	sst s10  }
0x32: {  	s10 =	sld [smem:$0x3FA7];
	_ =	sdelay $0x3  }
0x33: {  	p0 =	seq.s32 s10, $0x1;
	s10 =	sld [smem:$0x3FA9];
	_ =	sdelay $0x3  }
0x34: {  	[smem:$0x3FA9] =	sst s10  }
0x35: {  	s10 =	sld [smem:$0x3FA8];
	_ =	sdelay $0x3  }
0x36: {  	p1 =	seq.s32 s10, $0x1;
	s10 =	sld [smem:$0x3FA9];
	_ =	sdelay $0x3  }
0x37: {  	[smem:$0x3FA9] =	sst s10  }
0x38: {  	s10 =	sld [smem:$0x3FAA]  }
0x39: {  	_ = 	snop;
	(pc) =	sbr.ind lr, $3  }
0x3a: {  	_ = 	snop  }
0x3b: {  	_ = 	snop  }
0x3c: {  	p2 =	seq.s32 s10, $0x1;
	s10 =	sld [smem:$0x3FA9]  }
0x3d: {  	_ =	shalt  }
0x3e: {  	_ =	shalt  }
0x3f: {  	_ =	shalt  }
0x40: {  	_ =	shalt  }
0x41: {  	_ =	shalt  }
0x42: {  	_ =	shalt  }
0x43: {  	_ =	shalt  }
0x44: {  	_ =	shalt  }
0x45: {  	_ =	shalt  }
0x46: {  	_ =	shalt  }
0x47: {  	_ =	shalt  }
0x48: {  	_ =	shalt  }
0x49: {  	_ =	shalt  }
0x4a: {  	_ =	shalt  }
0x4b: {  	_ =	shalt  }
0x4c: {  	_ =	shalt  }
0x4d: {  	_ =	shalt  }
0x4e: {  	_ =	shalt  }
0x4f: {  	_ =	shalt  }
0x50: {  	_ =	shalt  }
0x51: {  	_ =	shalt  }
0x52: {  	_ =	shalt  }
0x53: {  	_ =	shalt  }
0x54: {  	_ =	shalt  }
0x55: {  	_ =	shalt  }
0x56: {  	_ =	shalt  }
0x57: {  	_ =	shalt  }
0x58: {  	_ =	shalt  }
0x59: {  	_ =	shalt  }
0x5a: {  	_ =	shalt  }
0x5b: {  	_ =	shalt  }
0x5c: {  	_ =	shalt  }
0x5d: {  	_ =	shalt  }
0x5e: {  	_ =	shalt  }
0x5f: {  	_ =	shalt  }
0x60: {  	_ =	shalt  }
0x61: {  	_ =	shalt  }
0x62: {  	_ =	shalt  }
0x63: {  	_ =	shalt  }
0x64: {  	_ =	shalt  }
0x65: {  	_ =	shalt  }
0x66: {  	_ =	shalt  }
0x67: {  	_ =	shalt  }
0x68: {  	_ =	shalt  }
0x69: {  	_ =	shalt  }
0x6a: {  	_ =	shalt  }
0x6b: {  	_ =	shalt  }
0x6c: {  	_ =	shalt  }
0x6d: {  	_ =	shalt  }
0x6e: {  	_ =	shalt  }
0x6f: {  	_ =	shalt  }
0x70: {  	_ =	shalt  }
0x71: {  	_ =	shalt  }
0x72: {  	_ =	shalt  }
0x73: {  	_ =	shalt  }
0x74: {  	_ =	shalt  }
0x75: {  	_ =	shalt  }
0x76: {  	_ =	shalt  }
0x77: {  	_ =	shalt  }
0x78: {  	_ =	shalt  }
0x79: {  	_ =	shalt  }
0x7a: {  	_ =	shalt  }
0x7b: {  	_ =	shalt  }
0x7c: {  	_ =	shalt  }
0x7d: {  	_ =	shalt  }
0x7e: {  	_ =	shalt  }
0x7f: {  	_ =	shalt  }
0x80: {  	_ =	shalt  }
0x81: {  	_ =	shalt  }
0x82: {  	_ =	shalt  }
0x83: {  	_ =	shalt  }
0x84: {  	_ =	shalt  }
0x85: {  	_ =	shalt  }
0x86: {  	_ =	shalt  }
0x87: {  	_ =	shalt  }
.Lfunc_end0:
.L_simem_size_0:
called_computation.1_lowered:
.L_overlay_start_0:
0x88: {  	s2 =	sld [smem:$0x3FD9]  }
0x89: {  	s3 =	sld [smem:$0x3FFE];
	_ =	sdelay $0x1  }
0x8a: {  	s1 =	srdreg.scid  }
0x8b: {  	s0 =	sand.u32 $0x1, s1  }
0x8c: {  	s14 =	sshll.u32 s0, $0xA;
	s2 =	sadd.s32 s3, s2  }
0x8d: {  	s2 =	sadd.s32 s2, s14  }
0x8e: {  	[smem:$0x3FB5] =	sst s2  }
0x8f: {  	_ = 	snop  }
0x90: {  	s2 =	sld [smem:$0x3FD0];
	_ =	sdelay $0x2  }
0x91: {  	s15 =	simm.s32 $0xA;
	s4 =	simm.s32 $0x10  }
0x92: {  	[smem:s4], [sflag:s15] =	dma.local [hbm:s2], $0x1  }
0x93: {  	_ =	swait.eq [sflag:s15], $0x1  }
0x94: {  	[sflag:s15] =	ssyncset.done $0x0  }
0x95: {  	[sflag:s15] =	ssyncadd.s32 $0xFFFFFFFF  }
0x96: {  	s16 =	sld [smem:$0x10];
	(tm) =	ssettm $0x1  }
0x97: {  	s17 =	sld [smem:$0x3FFB];
	_ =	sdelay $0x3  }
0x98: {  	_ =	strace s17  }
0x99: {  	s3 =	sld [smem:$0x3FFC];
	_ =	sdelay $0x3  }
0x9a: {  	_ =	strace s3  }
0x9b: {  	s3 =	sld [smem:$0x3FFD];
	_ =	sdelay $0x3  }
0x9c: {  	_ =	strace s3  }
0x9d: {  	_ =	strace $0x8FFFFFFF  }
0x9e: {  	s18 =	sld [smem:$0x3FDB];
	_ =	sdelay $0x1  }
0x9f: {  	s19 =	simm.s32 $_scs_section_size  }
0xa0: {  	s5 =	simm.s32 $_size__tile_overlayer_lowered;
	s6 =	simm.s32 $_tile_overlayer_lowered  }
0xa1: {  	s22 =	simm.s32 $0x1BFF;
	s21 =	sshll.u32 s6, $0x1;
	s3 =	sadd.s32 s19, s18  }
0xa2: {  	s7 =	simm.s32 $0x0;
	s20 =	sshll.u32 s5, $0x1;
	s5 =	sadd.s32 s21, s3  }
0xa3: {  	[timem:s7], [sflag:s22] =	dma.local [hbm:s5], s20  }
0xa4: {  	_ =	swait.ge [sflag:s22], s20  }
0xa5: {  	s4 =	ssub.s32 $0x0, s20;
	[sflag:s22] =	ssyncset.done $0x0  }
0xa6: {  	[sflag:s22] =	ssyncadd.s32 s4;
	_ =	sdelay $0x1  }
0xa7: {  	s23 =	simm.s32 $0x1B8B  }
0xa8: {  	_ =	swait.ge [sflag:s23], $0x1  }
0xa9: {  	[sflag:s23] =	ssyncset.done $0x0  }
0xaa: {  	s25 =	simm.s32 $0x1B8E;
	s24 =	sld [smem:$0x3FFE];
	[sflag:s23] =	ssyncadd.s32 $0xFFFFFFFF  }
0xab: {  	s26 =	simm.s32 $execute0_lowered;
	[smem:$0x3FD2] =	sst s25  }
0xac: {  	s5 =	sshll.u32 s26, $0x1;
	_ =	strace $0x80000049;
	[dreg:$0x1] =	wrdreg $0xFFFFFFFF  }
0xad: {  	s28 =	simm.s32 $_size_execute0_lowered;
	s3 =	sadd.s32 s3, s5;
	[dreg:$0x0] =	wrdreg $0x0  }
0xae: {  	s5 =	sshll.u32 s28, $0x1;
	[dreg:$0x2] =	wrdreg s3  }
0xaf: {  	[dreg:$0x3] =	wrdreg s5  }
0xb0: {  	[dreg:$0x4] =	wrdreg $0xC0  }
0xb1: {  	_ =	task [dreg:s7], $0x5FFFF  }
0xb2: {  	[dreg:$0x1] =	wrdreg $0xFFFFFFFF  }
0xb3: {  	[dreg:$0x0] =	wrdreg $0x60  }
0xb4: {  	[dreg:$0x2] =	wrdreg s24  }
0xb5: {  	[dreg:$0x3] =	wrdreg s16  }
0xb6: {  	[dreg:$0x4] =	wrdreg $0x0  }
0xb7: {  	[dreg:$0x5] =	wrdreg $0x9  }
0xb8: {  	_ =	task.clear_ibuf [dreg:s7], $0x6FFFF;
	_ =	strace $0x90000049  }
0xb9: {  	s29 =	simm.s32 $0x9;
	_ =	strace $0x8000004B  }
0xba: {  	_ =	swait.ge [sflag:s29], $0x1  }
0xbb: {  	[sflag:s29] =	ssyncadd.s32 $0xFFFFFFFF  }
0xbc: {  	_ =	strace $0x9000004B  }
0xbd: {  	_ =	sfence  }
0xbe: {  	s30 =	sld [smem:$0x0];
	_ =	sdelay $0x2  }
0xbf: {  	s31 =	sshll.u32 s1, $0xD;
	s1 =	sshrl.u32 s1, $0x2  }
0xc0: {  	s3 =	sand.u32 $0x4000, s31;
	s1 =	sadd.s32 s1, s30  }
0xc1: {  	s0 =	sor.u32 s3, s0;
	s1 =	sshll.u32 s1, $0x11  }
0xc2: {  	s0 =	sor.u32 s1, s0  }
0xc3: {  	s0 =	sadd.s32 $0x8F2B, s0  }
0xc4: {  	[sflag:s0] =	ssyncadd.remote.s32 $0x1  }
0xc5: {  	_ =	sfence.sel $0xFFFF  }
0xc6: {  	[dreg:$0x0] =	wrdreg $0xFFFFFFFF;
	(pc) =	sbr.abs _section_cstart, $3  }
0xc7: {  	[dreg:$0x1] =	wrdreg $0xFFFFFFFF  }
0xc8: {  	_ =	task.clear_ibuf [dreg:s7], $0x2FFFF;
	_ =	strace $0x9FFFFFFF  }
0xc9: {  	(tm) =	ssettm $0x7FFFFFFF  }
tec
execute0_lowered:
.L_overlay_start_1:
0x0: {  	(tag) =	ssettag $0x1  }
0x1: {  	s5 =	rddreg [dreg:$0x0]  }
0x2: {  	s8 =	rddreg [dreg:$0x1]  }
0x3: {  	s2 =	rddreg [dreg:$0x2]  }
0x4: {  	s1 =	srdreg.scid;
	s0 =	stileid.u32  }
0x5: {  	s14 =	simm.s32 $0x400;
	s15 =	simm.s32 $0x14000;
	s16 =	simm.s32 $0x16780  }
0x6: {  	s17 =	simm.s32 $0x50;
	s18 =	simm.s32 $0x1A780;
	s19 =	simm.s32 $0x1CF80  }
0x7: {  	s20 =	simm.s32 $0x1;
	s21 =	simm.s32 $0x2;
	s22 =	simm.s32 $0x1A580  }
0x8: {  	s23 =	simm.s32 $0x0;
	s6 =	sand.u32 $0x1, s1;
	s10 =	smul.u32 $0x14000, s0  }
0x9: {  	s3 =	sshll.u32 s0, $0x1;
	s4 =	sshrl.u32 s0, $0x2;
	s26 =	smul.u32 $0x50000, s0  }
0xa: {  	s1 =	rddreg [dreg:$0x3];
	s30 =	sshll.u32 s0, $0x6;
	s9 =	smul.u32 $0x13C00, s4  }
0xb: {  	s7 =	sor.u32 s6, s3;
	s3 =	simm.s32 $0x0;
	s12 =	smul.u32 $0x140000, s6  }
0xc: {  	s4 =	sadd.s32 $0x10200, s5;
	s6 =	ssub.s32 $0x2, s6;
	s24 =	sshll.u32 s7, $0x7  }
0xd: {  	[smem:$0x7FF] =	sst s3;
	s28 =	sshrl.u32 s6, $0x1;
	s29 =	sshrl.u32 s10, $0x3  }
0xe: {  	s31 =	sshll.u32 s7, $0xB;
	s11 =	sand.u32 $0x380, s24;
	_ =	strace $0x8000004A  }
0xf: {  	s25 =	sadd.s32 s10, s12;
	s12 =	sshrl.u32 s26, $0x2;
	s13 =	ssub.s32 s6, s28  }
0x10: {  	s6 =	sor.u32 $0x1C03, s30;
	s8 =	sadd.s32 s8, s31;
	s9 =	sor.u32 s9, s11  }
0x11: {  	s11 =	sshrl.u32 s25, $0x3;
	s12 =	sadd.s32 s12, s2;
	s9 =	sshrl.u32 s9, $0x3  }
0x12: {  	s10 =	smax.u32 s13, $0x1;
	s13 =	simm.s32 $0x80;
	s9 =	sadd.s32 s9, s5  }
0x13: {  	s11 =	sadd.s32 s11, s5;
	s5 =	sadd.s32 s4, s29;
	s7 =	sadd.s32 $0x6400, s9  }
0x14: {  	s9 =	sadd.s32 $0x38200, s11;
	s11 =	sshrl.u32 s12, $0x3;
	s12 =	simm.s32 $0x3  }
.LBB2_1:
0x15: {  	[spmem:s11], [sflag:s6] =	dma.local [hbm:s5], $0x2800  }
0x16: {  	_ =	swait.ge [sflag:s12], $0x2800  }
0x17: {  	[sflag:s12] =	ssyncset.done $0x0  }
0x18: {  	[sflag:s12] =	ssyncadd.s32 $0xFFFFD800  }
0x19: {  	[tilespmem:s15], [sflag:$0x3] =	stream.strided.gather [hbm4b:s7+s13], $0x2780, s14, s13, $0x38;
	[tilespmem:$0x1F780] =	vst v63  }
0x1a: {  	_ =	swait.ge [sflag:s12], $0x2780  }
0x1b: {  	[sflag:s12] =	ssyncset.done $0x0  }
0x1c: {  	[sflag:s12] =	ssyncadd.s32 $0xFFFFD880  }
0x1d: {  	[tilespmem:s16], [sflag:$0x3] =	stream.linear.gather [hbm4b:s8+s3], $0x3E80, $0x38;
	[tilespmem:$0x1F780] =	vst v63  }
0x1e: {  	_ =	swait.ge [sflag:s12], $0x3E80  }
0x1f: {  	[sflag:s12] =	ssyncset.done $0x0  }
0x20: {  	[sflag:s12] =	ssyncadd.s32 $0xFFFFC180  }
0x21: {  	[bflag:$0x0] =	sbarrier.arrive $0xFFFF  }
0x22: {  	[tilespmem:s18], [sflag:$0x1] =	stream.indirect.gather [hbm4b:s4+s17], $0x80, s15, s17, $0xb8;
	[tilespmem:$0x1F780] =	vst v63  }
0x23: {  	s24 =	simm.s32 $0x14050  }
0x24: {  	[tilespmem:s19], [sflag:$0x2] =	stream.indirect.gather [hbm4b:s4+s17], $0x80, s24, s17, $0xb8;
	[tilespmem:$0x1F780] =	vst v63  }
0x25: {  	_ =	swait.ge [sflag:s20], $0x2800  }
0x26: {  	[sflag:s20] =	ssyncset.done $0x0  }
0x27: {  	s29 =	simm.s32 $0x16780;
	[sflag:s20] =	ssyncadd.s32 $0xFFFFD800  }
0x28: {  	[spmem:s2] =	stream.indirect.scatter.add.f32 [tilespmem:s18], [sflag:$0x3], $0x80, s29, s17, $0xb8;
	[tilespmem:$0x1F780] =	vst v63  }
0x29: {  	_ =	swait.ge [sflag:s12], $0x2800  }
0x2a: {  	[sflag:s12] =	ssyncset.done $0x0  }
0x2b: {  	s30 =	simm.s32 $0x140A0;
	[sflag:s12] =	ssyncadd.s32 $0xFFFFD800  }
0x2c: {  	[tilespmem:s18], [sflag:$0x1] =	stream.indirect.gather [hbm4b:s4+s17], $0x80, s30, s17, $0xb8;
	[tilespmem:$0x1F780] =	vst v63  }
0x2d: {  	_ =	swait.ge [sflag:s21], $0x2800  }
0x2e: {  	[sflag:s21] =	ssyncset.done $0x0  }
0x2f: {  	s31 =	simm.s32 $0x16800;
	[sflag:s21] =	ssyncadd.s32 $0xFFFFD800  }
0x30: {  	[spmem:s2] =	stream.indirect.scatter.add.f32 [tilespmem:s19], [sflag:$0x3], $0x80, s31, s17, $0xb8;
	[tilespmem:$0x1F780] =	vst v63  }
0x31: {  	s25 =	simm.s32 $0x400;
	_ =	swait.ge [sflag:s12], $0x2800  }
0x32: {  	s26 =	simm.s32 $0x800;
	s24 =	simm.s32 $0x14140;
	[sflag:s12] =	ssyncset.done $0x0  }
.LBB2_2:
0x33: {  	p0 =	sne.s32 s26, $0xF400;
	s28 =	sadd.s32 $0xFFFFFFB0, s24;
	[sflag:s12] =	ssyncadd.s32 $0xFFFFD800  }
0x34: {  	[tilespmem:s19], [sflag:$0x2] =	stream.indirect.gather [hbm4b:s4+s17], $0x80, s28, s17, $0xb8;
	[tilespmem:$0x1F780] =	vst v63  }
0x35: {  	s28 =	smov.u32 s26;
	s26 =	sadd.s32 $0x400, s26;
	_ =	swait.ge [sflag:s20], $0x2800  }
0x36: {  	s29 =	sshra.s32 s25, $0x2;
	s25 =	smov.u32 s28;
	[sflag:s20] =	ssyncset.done $0x0  }
0x37: {  	s28 =	sadd.s32 $0x16780, s29;
	[sflag:s20] =	ssyncadd.s32 $0xFFFFD800  }
0x38: {  	[spmem:s2] =	stream.indirect.scatter.add.f32 [tilespmem:s18], [sflag:$0x3], $0x80, s28, s17, $0xb8;
	[tilespmem:$0x1F780] =	vst v63  }
0x39: {  	_ =	swait.ge [sflag:s12], $0x2800  }
0x3a: {  	[sflag:s12] =	ssyncset.done $0x0  }
0x3b: {  	[sflag:s12] =	ssyncadd.s32 $0xFFFFD800  }
0x3c: {  	[tilespmem:s18], [sflag:$0x1] =	stream.indirect.gather [hbm4b:s4+s17], $0x80, s24, s17, $0xb8;
	[tilespmem:$0x1F780] =	vst v63  }
0x3d: {  	_ =	swait.ge [sflag:s21], $0x2800  }
.Ltmp0:
0x3e: {  	[sflag:s21] =	ssyncset.done $0x0;
	(pc) =	sbr.rel @p0 .LBB2_2-.Ltmp0, $4  }
0x3f: {  	s28 =	sadd.s32 $0x16800, s29;
	[sflag:s21] =	ssyncadd.s32 $0xFFFFD800  }
0x40: {  	[spmem:s2] =	stream.indirect.scatter.add.f32 [tilespmem:s19], [sflag:$0x3], $0x80, s28, s17, $0xb8;
	[tilespmem:$0x1F780] =	vst v63  }
0x41: {  	_ =	swait.ge [sflag:s12], $0x2800  }
0x42: {  	s24 =	sadd.s32 $0xA0, s24;
	[sflag:s12] =	ssyncset.done $0x0  }
0x43: {  	s26 =	sadd.s32 $0xFFFFFFB0, s24;
	[sflag:s12] =	ssyncadd.s32 $0xFFFFD800  }
0x44: {  	[tilespmem:s19], [sflag:$0x2] =	stream.indirect.gather [hbm4b:s4+s17], $0x80, s26, s17, $0xb8;
	[tilespmem:$0x1F780] =	vst v63  }
0x45: {  	_ =	swait.ge [sflag:s20], $0x2800  }
0x46: {  	s25 =	sshra.s32 s25, $0x2;
	[sflag:s20] =	ssyncset.done $0x0  }
0x47: {  	s30 =	sadd.s32 $0x16780, s25;
	[sflag:s20] =	ssyncadd.s32 $0xFFFFD800  }
0x48: {  	[spmem:s2] =	stream.indirect.scatter.add.f32 [tilespmem:s18], [sflag:$0x3], $0x80, s30, s17, $0xb8;
	[tilespmem:$0x1F780] =	vst v63  }
0x49: {  	_ =	swait.ge [sflag:s12], $0x2800  }
0x4a: {  	[sflag:s12] =	ssyncset.done $0x0  }
0x4b: {  	[sflag:s12] =	ssyncadd.s32 $0xFFFFD800  }
0x4c: {  	[tilespmem:s18], [sflag:$0x1] =	stream.indirect.gather [hbm4b:s4+s17], $0x80, s24, s17, $0xb8;
	[tilespmem:$0x1F780] =	vst v63  }
0x4d: {  	_ =	swait.ge [sflag:s21], $0x2800  }
0x4e: {  	[sflag:s21] =	ssyncset.done $0x0  }
0x4f: {  	s31 =	sadd.s32 $0x16800, s25;
	[sflag:s21] =	ssyncadd.s32 $0xFFFFD800  }
0x50: {  	[spmem:s2] =	stream.indirect.scatter.add.f32 [tilespmem:s19], [sflag:$0x3], $0x80, s31, s17, $0xb8;
	[tilespmem:$0x1F780] =	vst v63  }
0x51: {  	_ =	swait.ge [sflag:s12], $0x2800  }
0x52: {  	[sflag:s12] =	ssyncset.done $0x0  }
0x53: {  	[sflag:s12] =	ssyncadd.s32 $0xFFFFD800  }
0x54: {  	_ =	swait.ge [sflag:s20], $0x2800  }
0x55: {  	[sflag:s20] =	ssyncset.done $0x0  }
0x56: {  	[sflag:s20] =	ssyncadd.s32 $0xFFFFD800  }
0x57: {  	[spmem:s2] =	stream.indirect.scatter.add.f32 [tilespmem:s18], [sflag:$0x3], $0x80, s22, s17, $0xb8;
	[tilespmem:$0x1F780] =	vst v63  }
0x58: {  	_ =	swait.ge [sflag:s12], $0x2800  }
0x59: {  	s23 =	sadd.s32 $0x1, s23;
	[sflag:s12] =	ssyncset.done $0x0  }
0x5a: {  	p0 =	sne.s32 s23, s10;
	[sflag:s12] =	ssyncadd.s32 $0xFFFFD800  }
.Ltmp1:
0x5b: {  	[bflag:$0x0] =	sbarrier.arrive $0xFFFF;
	(pc) =	sbr.rel @p0 .LBB2_1-.Ltmp1, $4  }
0x5c: {  	[hbm:s9], [sflag:s6] =	dma.local [spmem:s11], $0x2800  }
0x5d: {  	_ =	swait.ge [sflag:s12], $0x2800  }
0x5e: {  	[sflag:s12] =	ssyncset.done $0x0  }
0x5f: {  	[sflag:s12] =	ssyncadd.s32 $0xFFFFD800  }
0x60: {  	_ =	sfence.sel $0x180000  }
0x61: {  	[bflag:$0x0] =	sbarrier.arrive $0xFFFF  }
0x62: {  	p0 =	sne.s32 s0, $0x0;
	_ =	strace $0x9000004A  }
0x63: {  	s0 =	sadd.s32 @!p0 $0x100000, s1;
	[bflag:$0x2] =	sbarrier.arrive $0xFFFF  }
0x64: {  	[sflag:s0] =	ssyncadd.tile.s32 @!p0 $0x1;
	_ =	shalt  }
.Lfunc_end2:
_tile_overlayer_lowered:
.L_overlay_start_2:
0x65: {  	(tag) =	ssettag $0x2  }
0x66: {  	s0 =	rddreg [dreg:$0x0];
	s2 =	stileid.u32  }
0x67: {  	s1 =	rddreg [dreg:$0x1];
	p0 =	sne.s32 s2, $0x0  }
0x68: {  	s3 =	rddreg [dreg:$0x2];
	[bflag:$0x3] =	sbarrier.arrive $0xFFFF;
	s2 =	simm.s32 @!p0 $0x1C03  }
0x69: {  	[timem:s3], [sflag:s2] =	dma.local @!p0 [hbm:s0], s1  }
0x6a: {  	s0 =	simm.s32 @!p0 $0x3  }
0x6b: {  	_ =	swait.ge @!p0 [sflag:s0], s1  }
0x6c: {  	s1 =	ssub.s32 @!p0 $0x0, s1;
	[sflag:s0] =	ssyncset.done @!p0 $0x0  }
0x6d: {  	[sflag:s0] =	ssyncadd.s32 @!p0 s1  }
0x6e: {  	[bflag:$0x3] =	sbarrier.arrive $0xFFFF  }
0x6f: {  	_ =	shalt  }

// kernel: kernel.18.cloned.1.call-start
scs
__scs_entry_jumppad:
0x0: {  	(pc) =	sbr.rel $0x88, $3  }
0x1: {  	(tag) =	ssettag $0x0;
	lr =	simm.s32 $0x1  }
0x2: {  	[smem:$0x3F8E] =	sst lr;
	_ =	strace $0xD0000000  }
0x3: {  	_ = 	snop  }
0x4: {  	_ = 	snop  }
0x5: {  	_ = 	snop  }
0x6: {  	_ = 	snop  }
0x7: {  	_ = 	snop  }
__scs_overlays_trampoline_lowered:
0x8: {  	[smem:$0x3F9D] =	sst s0  }
0x9: {  	[smem:$0x3F9E] =	sst s1  }
0xa: {  	[smem:$0x3F9F] =	sst s2  }
0xb: {  	[smem:$0x3FA0] =	sst s3  }
0xc: {  	[smem:$0x3FA1] =	sst s4  }
0xd: {  	[smem:$0x3FA2] =	sst s5  }
0xe: {  	[smem:$0x3FA3] =	sst s6  }
0xf: {  	[smem:$0x3FA4] =	sst s7  }
0x10: {  	[smem:$0x3FA5] =	sst s8  }
0x11: {  	[smem:$0x3FA6] =	sst s9;
	s0 =	simm.s32 @!p0 $0x0  }
0x12: {  	s1 =	sld [smem:$0x3F8C];
	s0 =	simm.s32 @p0 $0x1  }
0x13: {  	[smem:$0x3FA7] =	sst s0;
	s0 =	simm.s32 @!p1 $0x0  }
0x14: {  	s2 =	sld [smem:$0x3F8B];
	s0 =	simm.s32 @p1 $0x1  }
0x15: {  	[smem:$0x3FA8] =	sst s0;
	s0 =	simm.s32 @!p2 $0x0  }
0x16: {  	s3 =	sld [smem:$0x3FDB];
	s0 =	simm.s32 @p2 $0x1  }
0x17: {  	s4 =	simm.s32 $0x1BF5;
	[smem:$0x3FAA] =	sst s0  }
0x18: {  	s0 =	sld [smem:$0x3F8D];
	_ =	swait.ge [sflag:s4], $0x0  }
0x19: {  	s7 =	sld [smem:$0x3F8E]  }
0x1a: {  	s8 =	sadd.s32 $0xFFFFE003, lr  }
0x1b: {  	s9 =	sadd.s32 $0xFFFFFEF7, lr;
	s5 =	simm.s32 $0xFFFFFFFF;
	p2 =	slt.u32 s8, $0xFFFFF086  }
0x1c: {  	p1 =	slt.u32 s9, $0xF7A;
	s5 =	simm.s32 @!p2 $0x0  }
0x1d: {  	s5 =	simm.s32 @p1 $0x1;
	p0 =	seq.s32 s7, s2  }
0x1e: {  	s7 =	smul.u32 @!p0 $0xF7A, s2;
	p2 =	seq.s32 @!p0 s5, $0x0  }
0x1f: {  	s9 =	smul.u32 $0xF7A, s1;
	s8 =	simm.s32 @!p0 $0x1BF5;
	p2 =	por !p2, p0  }
0x20: {  	[sflag:s8] =	ssyncset.s32 @!p0 $0xFFFFF086;
	s6 =	sadd.s32 @!p0 s3, s7;
	s7 =	simm.s32 @!p0 $0x108  }
0x21: {  	s3 =	sadd.s32 s3, s9;
	s6 =	sadd.s32 @!p0 $0x88, s6;
	s7 =	simm.s32 @p2 $0x1082  }
0x22: {  	[simem:s7], [sflag:s8] =	dma.local @!p0 [hbm:s6], $0xF7A  }
0x23: {  	s9 =	sor.u32 $0xD0000000, s2;
	s6 =	simm.s32 $0x108;
	_ =	swait.ge @!p0 [sflag:s8], $0x0  }
0x24: {  	s3 =	sadd.s32 $0x88, s3;
	s6 =	simm.s32 @!p1 $0x1082;
	[sflag:s4] =	ssyncset.s32 $0xFFFFF086  }
0x25: {  	[simem:s6], [sflag:s4] =	dma.local [hbm:s3], $0xF7A  }
0x26: {  	[smem:$0x3F8E] =	sst s1;
	(tag) =	ssettag s2;
	_ =	strace s9  }
0x27: {  	s1 =	sld [smem:$0x3F9E]  }
0x28: {  	s2 =	sld [smem:$0x3F9F]  }
0x29: {  	s4 =	sld [smem:$0x3FA1]  }
0x2a: {  	p0 =	seq.s32 s5, $0x0;
	s5 =	sld [smem:$0x3FA2]  }
0x2b: {  	s6 =	sld [smem:$0x3FA3]  }
0x2c: {  	s7 =	sld [smem:$0x3FA4]  }
0x2d: {  	s3 =	simm.s32 $0x108;
	s8 =	sld [smem:$0x3FA5]  }
0x2e: {  	s3 =	simm.s32 @!p0 $0x1082;
	s9 =	sld [smem:$0x3FA6]  }
0x2f: {  	lr =	sadd.s32 s0, s3;
	s0 =	sld [smem:$0x3F9D]  }
0x30: {  	s3 =	sld [smem:$0x3FA0]  }
0x31: {  	[smem:$0x3FA9] =	sst s10  }
0x32: {  	s10 =	sld [smem:$0x3FA7];
	_ =	sdelay $0x3  }
0x33: {  	p0 =	seq.s32 s10, $0x1;
	s10 =	sld [smem:$0x3FA9];
	_ =	sdelay $0x3  }
0x34: {  	[smem:$0x3FA9] =	sst s10  }
0x35: {  	s10 =	sld [smem:$0x3FA8];
	_ =	sdelay $0x3  }
0x36: {  	p1 =	seq.s32 s10, $0x1;
	s10 =	sld [smem:$0x3FA9];
	_ =	sdelay $0x3  }
0x37: {  	[smem:$0x3FA9] =	sst s10  }
0x38: {  	s10 =	sld [smem:$0x3FAA]  }
0x39: {  	_ = 	snop;
	(pc) =	sbr.ind lr, $3  }
0x3a: {  	_ = 	snop  }
0x3b: {  	_ = 	snop  }
0x3c: {  	p2 =	seq.s32 s10, $0x1;
	s10 =	sld [smem:$0x3FA9]  }
0x3d: {  	_ =	shalt  }
0x3e: {  	_ =	shalt  }
0x3f: {  	_ =	shalt  }
0x40: {  	_ =	shalt  }
0x41: {  	_ =	shalt  }
0x42: {  	_ =	shalt  }
0x43: {  	_ =	shalt  }
0x44: {  	_ =	shalt  }
0x45: {  	_ =	shalt  }
0x46: {  	_ =	shalt  }
0x47: {  	_ =	shalt  }
0x48: {  	_ =	shalt  }
0x49: {  	_ =	shalt  }
0x4a: {  	_ =	shalt  }
0x4b: {  	_ =	shalt  }
0x4c: {  	_ =	shalt  }
0x4d: {  	_ =	shalt  }
0x4e: {  	_ =	shalt  }
0x4f: {  	_ =	shalt  }
0x50: {  	_ =	shalt  }
0x51: {  	_ =	shalt  }
0x52: {  	_ =	shalt  }
0x53: {  	_ =	shalt  }
0x54: {  	_ =	shalt  }
0x55: {  	_ =	shalt  }
0x56: {  	_ =	shalt  }
0x57: {  	_ =	shalt  }
0x58: {  	_ =	shalt  }
0x59: {  	_ =	shalt  }
0x5a: {  	_ =	shalt  }
0x5b: {  	_ =	shalt  }
0x5c: {  	_ =	shalt  }
0x5d: {  	_ =	shalt  }
0x5e: {  	_ =	shalt  }
0x5f: {  	_ =	shalt  }
0x60: {  	_ =	shalt  }
0x61: {  	_ =	shalt  }
0x62: {  	_ =	shalt  }
0x63: {  	_ =	shalt  }
0x64: {  	_ =	shalt  }
0x65: {  	_ =	shalt  }
0x66: {  	_ =	shalt  }
0x67: {  	_ =	shalt  }
0x68: {  	_ =	shalt  }
0x69: {  	_ =	shalt  }
0x6a: {  	_ =	shalt  }
0x6b: {  	_ =	shalt  }
0x6c: {  	_ =	shalt  }
0x6d: {  	_ =	shalt  }
0x6e: {  	_ =	shalt  }
0x6f: {  	_ =	shalt  }
0x70: {  	_ =	shalt  }
0x71: {  	_ =	shalt  }
0x72: {  	_ =	shalt  }
0x73: {  	_ =	shalt  }
0x74: {  	_ =	shalt  }
0x75: {  	_ =	shalt  }
0x76: {  	_ =	shalt  }
0x77: {  	_ =	shalt  }
0x78: {  	_ =	shalt  }
0x79: {  	_ =	shalt  }
0x7a: {  	_ =	shalt  }
0x7b: {  	_ =	shalt  }
0x7c: {  	_ =	shalt  }
0x7d: {  	_ =	shalt  }
0x7e: {  	_ =	shalt  }
0x7f: {  	_ =	shalt  }
0x80: {  	_ =	shalt  }
0x81: {  	_ =	shalt  }
0x82: {  	_ =	shalt  }
0x83: {  	_ =	shalt  }
0x84: {  	_ =	shalt  }
0x85: {  	_ =	shalt  }
0x86: {  	_ =	shalt  }
0x87: {  	_ =	shalt  }
.Lfunc_end0:
.L_simem_size_0:
called_computation.2_lowered:
.L_overlay_start_0:
0x88: {  	s2 =	sld [smem:$0x3FD9]  }
0x89: {  	s3 =	sld [smem:$0x3FFE];
	_ =	sdelay $0x1  }
0x8a: {  	s1 =	srdreg.scid  }
0x8b: {  	s0 =	sand.u32 $0x1, s1  }
0x8c: {  	s14 =	sshll.u32 s0, $0xA;
	s2 =	sadd.s32 s3, s2  }
0x8d: {  	s2 =	sadd.s32 s2, s14  }
0x8e: {  	[smem:$0x3FB5] =	sst s2  }
0x8f: {  	_ = 	snop  }
0x90: {  	s2 =	sld [smem:$0x3FD0];
	_ =	sdelay $0x2  }
0x91: {  	s15 =	simm.s32 $0xA;
	s4 =	simm.s32 $0x10  }
0x92: {  	[smem:s4], [sflag:s15] =	dma.local [hbm:s2], $0x1  }
0x93: {  	_ =	swait.eq [sflag:s15], $0x1  }
0x94: {  	[sflag:s15] =	ssyncset.done $0x0  }
0x95: {  	[sflag:s15] =	ssyncadd.s32 $0xFFFFFFFF  }
0x96: {  	s16 =	sld [smem:$0x10];
	(tm) =	ssettm $0x1  }
0x97: {  	s17 =	sld [smem:$0x3FFB];
	_ =	sdelay $0x3  }
0x98: {  	_ =	strace s17  }
0x99: {  	s3 =	sld [smem:$0x3FFC];
	_ =	sdelay $0x3  }
0x9a: {  	_ =	strace s3  }
0x9b: {  	s3 =	sld [smem:$0x3FFD];
	_ =	sdelay $0x3  }
0x9c: {  	_ =	strace s3  }
0x9d: {  	_ =	strace $0x8FFFFFFF  }
0x9e: {  	s18 =	sld [smem:$0x3FDB];
	_ =	sdelay $0x1  }
0x9f: {  	s19 =	simm.s32 $_scs_section_size  }
0xa0: {  	s5 =	simm.s32 $_size__tile_overlayer_lowered;
	s6 =	simm.s32 $_tile_overlayer_lowered  }
0xa1: {  	s22 =	simm.s32 $0x1BFF;
	s21 =	sshll.u32 s6, $0x1;
	s3 =	sadd.s32 s19, s18  }
0xa2: {  	s7 =	simm.s32 $0x0;
	s20 =	sshll.u32 s5, $0x1;
	s5 =	sadd.s32 s21, s3  }
0xa3: {  	[timem:s7], [sflag:s22] =	dma.local [hbm:s5], s20  }
0xa4: {  	_ =	swait.ge [sflag:s22], s20  }
0xa5: {  	s4 =	ssub.s32 $0x0, s20;
	[sflag:s22] =	ssyncset.done $0x0  }
0xa6: {  	[sflag:s22] =	ssyncadd.s32 s4;
	_ =	sdelay $0x1  }
0xa7: {  	s23 =	simm.s32 $0x1B8B  }
0xa8: {  	_ =	swait.ge [sflag:s23], $0x1  }
0xa9: {  	[sflag:s23] =	ssyncset.done $0x0  }
0xaa: {  	s25 =	simm.s32 $0x1B8E;
	s24 =	sld [smem:$0x3FFE];
	[sflag:s23] =	ssyncadd.s32 $0xFFFFFFFF  }
0xab: {  	s26 =	simm.s32 $execute0_lowered;
	[smem:$0x3FD2] =	sst s25  }
0xac: {  	s5 =	sshll.u32 s26, $0x1;
	_ =	strace $0x8000004C;
	[dreg:$0x1] =	wrdreg $0xFFFFFFFF  }
0xad: {  	s28 =	simm.s32 $_size_execute0_lowered;
	s3 =	sadd.s32 s3, s5;
	[dreg:$0x0] =	wrdreg $0x0  }
0xae: {  	s5 =	sshll.u32 s28, $0x1;
	[dreg:$0x2] =	wrdreg s3  }
0xaf: {  	[dreg:$0x3] =	wrdreg s5  }
0xb0: {  	[dreg:$0x4] =	wrdreg $0xC0  }
0xb1: {  	_ =	task [dreg:s7], $0x5FFFF  }
0xb2: {  	[dreg:$0x1] =	wrdreg $0xFFFFFFFF  }
0xb3: {  	[dreg:$0x0] =	wrdreg $0x60  }
0xb4: {  	[dreg:$0x2] =	wrdreg s24  }
0xb5: {  	[dreg:$0x3] =	wrdreg s16  }
0xb6: {  	[dreg:$0x4] =	wrdreg $0x0  }
0xb7: {  	[dreg:$0x5] =	wrdreg $0x9  }
0xb8: {  	_ =	task.clear_ibuf [dreg:s7], $0x6FFFF;
	_ =	strace $0x9000004C  }
0xb9: {  	s29 =	simm.s32 $0x9;
	_ =	strace $0x8000004E  }
0xba: {  	_ =	swait.ge [sflag:s29], $0x1  }
0xbb: {  	[sflag:s29] =	ssyncadd.s32 $0xFFFFFFFF  }
0xbc: {  	_ =	strace $0x9000004E  }
0xbd: {  	_ =	sfence  }
0xbe: {  	s30 =	sld [smem:$0x0];
	_ =	sdelay $0x2  }
0xbf: {  	s31 =	sshll.u32 s1, $0xD;
	s1 =	sshrl.u32 s1, $0x2  }
0xc0: {  	s3 =	sand.u32 $0x4000, s31;
	s1 =	sadd.s32 s1, s30  }
0xc1: {  	s0 =	sor.u32 s3, s0;
	s1 =	sshll.u32 s1, $0x11  }
0xc2: {  	s0 =	sor.u32 s1, s0  }
0xc3: {  	s0 =	sadd.s32 $0x8F2B, s0  }
0xc4: {  	[sflag:s0] =	ssyncadd.remote.s32 $0x1  }
0xc5: {  	_ =	sfence.sel $0xFFFF  }
0xc6: {  	[dreg:$0x0] =	wrdreg $0xFFFFFFFF;
	(pc) =	sbr.abs _section_cstart, $3  }
0xc7: {  	[dreg:$0x1] =	wrdreg $0xFFFFFFFF  }
0xc8: {  	_ =	task.clear_ibuf [dreg:s7], $0x2FFFF;
	_ =	strace $0x9FFFFFFF  }
0xc9: {  	(tm) =	ssettm $0x7FFFFFFF  }
tec
execute0_lowered:
.L_overlay_start_1:
0x0: {  	(tag) =	ssettag $0x1  }
0x1: {  	s5 =	rddreg [dreg:$0x0]  }
0x2: {  	s8 =	rddreg [dreg:$0x1]  }
0x3: {  	s2 =	rddreg [dreg:$0x2]  }
0x4: {  	s1 =	srdreg.scid;
	s0 =	stileid.u32  }
0x5: {  	s14 =	simm.s32 $0x400;
	s15 =	simm.s32 $0x14000;
	s16 =	simm.s32 $0x16780  }
0x6: {  	s17 =	simm.s32 $0x50;
	s18 =	simm.s32 $0x1A780;
	s19 =	simm.s32 $0x1CF80  }
0x7: {  	s20 =	simm.s32 $0x1;
	s21 =	simm.s32 $0x2;
	s22 =	simm.s32 $0x1A580  }
0x8: {  	s23 =	simm.s32 $0x0;
	s6 =	sand.u32 $0x1, s1;
	s10 =	smul.u32 $0x14000, s0  }
0x9: {  	s3 =	sshll.u32 s0, $0x1;
	s4 =	sshrl.u32 s0, $0x2;
	s26 =	smul.u32 $0x50000, s0  }
0xa: {  	s1 =	rddreg [dreg:$0x3];
	s30 =	sshll.u32 s0, $0x6;
	s9 =	smul.u32 $0x13C00, s4  }
0xb: {  	s7 =	sor.u32 s6, s3;
	s3 =	simm.s32 $0x0;
	s12 =	smul.u32 $0x140000, s6  }
0xc: {  	s4 =	sadd.s32 $0x10200, s5;
	s6 =	ssub.s32 $0x2, s6;
	s24 =	sshll.u32 s7, $0x7  }
0xd: {  	[smem:$0x7FF] =	sst s3;
	s28 =	sshrl.u32 s6, $0x1;
	s29 =	sshrl.u32 s10, $0x3  }
0xe: {  	s31 =	sshll.u32 s7, $0xB;
	s11 =	sand.u32 $0x380, s24;
	_ =	strace $0x8000004D  }
0xf: {  	s25 =	sadd.s32 s10, s12;
	s12 =	sshrl.u32 s26, $0x2;
	s13 =	ssub.s32 s6, s28  }
0x10: {  	s6 =	sor.u32 $0x1C03, s30;
	s8 =	sadd.s32 s8, s31;
	s9 =	sor.u32 s9, s11  }
0x11: {  	s11 =	sshrl.u32 s25, $0x3;
	s12 =	sadd.s32 s12, s2;
	s9 =	sshrl.u32 s9, $0x3  }
0x12: {  	s10 =	smax.u32 s13, $0x1;
	s13 =	simm.s32 $0x80;
	s9 =	sadd.s32 s9, s5  }
0x13: {  	s11 =	sadd.s32 s11, s5;
	s5 =	sadd.s32 s4, s29;
	s7 =	sadd.s32 $0x6400, s9  }
0x14: {  	s9 =	sadd.s32 $0x60200, s11;
	s11 =	sshrl.u32 s12, $0x3;
	s12 =	simm.s32 $0x3  }
.LBB2_1:
0x15: {  	[spmem:s11], [sflag:s6] =	dma.local [hbm:s5], $0x2800  }
0x16: {  	_ =	swait.ge [sflag:s12], $0x2800  }
0x17: {  	[sflag:s12] =	ssyncset.done $0x0  }
0x18: {  	[sflag:s12] =	ssyncadd.s32 $0xFFFFD800  }
0x19: {  	[tilespmem:s15], [sflag:$0x3] =	stream.strided.gather [hbm4b:s7+s13], $0x2780, s14, s13, $0x38;
	[tilespmem:$0x1F780] =	vst v63  }
0x1a: {  	_ =	swait.ge [sflag:s12], $0x2780  }
0x1b: {  	[sflag:s12] =	ssyncset.done $0x0  }
0x1c: {  	[sflag:s12] =	ssyncadd.s32 $0xFFFFD880  }
0x1d: {  	[tilespmem:s16], [sflag:$0x3] =	stream.linear.gather [hbm4b:s8+s3], $0x3E80, $0x38;
	[tilespmem:$0x1F780] =	vst v63  }
0x1e: {  	_ =	swait.ge [sflag:s12], $0x3E80  }
0x1f: {  	[sflag:s12] =	ssyncset.done $0x0  }
0x20: {  	[sflag:s12] =	ssyncadd.s32 $0xFFFFC180  }
0x21: {  	[bflag:$0x0] =	sbarrier.arrive $0xFFFF  }
0x22: {  	[tilespmem:s18], [sflag:$0x1] =	stream.indirect.gather [hbm4b:s4+s17], $0x80, s15, s17, $0xb8;
	[tilespmem:$0x1F780] =	vst v63  }
0x23: {  	s24 =	simm.s32 $0x14050  }
0x24: {  	[tilespmem:s19], [sflag:$0x2] =	stream.indirect.gather [hbm4b:s4+s17], $0x80, s24, s17, $0xb8;
	[tilespmem:$0x1F780] =	vst v63  }
0x25: {  	_ =	swait.ge [sflag:s20], $0x2800  }
0x26: {  	[sflag:s20] =	ssyncset.done $0x0  }
0x27: {  	s29 =	simm.s32 $0x16780;
	[sflag:s20] =	ssyncadd.s32 $0xFFFFD800  }
0x28: {  	[spmem:s2] =	stream.indirect.scatter.add.f32 [tilespmem:s18], [sflag:$0x3], $0x80, s29, s17, $0xb8;
	[tilespmem:$0x1F780] =	vst v63  }
0x29: {  	_ =	swait.ge [sflag:s12], $0x2800  }
0x2a: {  	[sflag:s12] =	ssyncset.done $0x0  }
0x2b: {  	s30 =	simm.s32 $0x140A0;
	[sflag:s12] =	ssyncadd.s32 $0xFFFFD800  }
0x2c: {  	[tilespmem:s18], [sflag:$0x1] =	stream.indirect.gather [hbm4b:s4+s17], $0x80, s30, s17, $0xb8;
	[tilespmem:$0x1F780] =	vst v63  }
0x2d: {  	_ =	swait.ge [sflag:s21], $0x2800  }
0x2e: {  	[sflag:s21] =	ssyncset.done $0x0  }
0x2f: {  	s31 =	simm.s32 $0x16800;
	[sflag:s21] =	ssyncadd.s32 $0xFFFFD800  }
0x30: {  	[spmem:s2] =	stream.indirect.scatter.add.f32 [tilespmem:s19], [sflag:$0x3], $0x80, s31, s17, $0xb8;
	[tilespmem:$0x1F780] =	vst v63  }
0x31: {  	s25 =	simm.s32 $0x400;
	_ =	swait.ge [sflag:s12], $0x2800  }
0x32: {  	s26 =	simm.s32 $0x800;
	s24 =	simm.s32 $0x14140;
	[sflag:s12] =	ssyncset.done $0x0  }
.LBB2_2:
0x33: {  	p0 =	sne.s32 s26, $0xF400;
	s28 =	sadd.s32 $0xFFFFFFB0, s24;
	[sflag:s12] =	ssyncadd.s32 $0xFFFFD800  }
0x34: {  	[tilespmem:s19], [sflag:$0x2] =	stream.indirect.gather [hbm4b:s4+s17], $0x80, s28, s17, $0xb8;
	[tilespmem:$0x1F780] =	vst v63  }
0x35: {  	s28 =	smov.u32 s26;
	s26 =	sadd.s32 $0x400, s26;
	_ =	swait.ge [sflag:s20], $0x2800  }
0x36: {  	s29 =	sshra.s32 s25, $0x2;
	s25 =	smov.u32 s28;
	[sflag:s20] =	ssyncset.done $0x0  }
0x37: {  	s28 =	sadd.s32 $0x16780, s29;
	[sflag:s20] =	ssyncadd.s32 $0xFFFFD800  }
0x38: {  	[spmem:s2] =	stream.indirect.scatter.add.f32 [tilespmem:s18], [sflag:$0x3], $0x80, s28, s17, $0xb8;
	[tilespmem:$0x1F780] =	vst v63  }
0x39: {  	_ =	swait.ge [sflag:s12], $0x2800  }
0x3a: {  	[sflag:s12] =	ssyncset.done $0x0  }
0x3b: {  	[sflag:s12] =	ssyncadd.s32 $0xFFFFD800  }
0x3c: {  	[tilespmem:s18], [sflag:$0x1] =	stream.indirect.gather [hbm4b:s4+s17], $0x80, s24, s17, $0xb8;
	[tilespmem:$0x1F780] =	vst v63  }
0x3d: {  	_ =	swait.ge [sflag:s21], $0x2800  }
.Ltmp0:
0x3e: {  	[sflag:s21] =	ssyncset.done $0x0;
	(pc) =	sbr.rel @p0 .LBB2_2-.Ltmp0, $4  }
0x3f: {  	s28 =	sadd.s32 $0x16800, s29;
	[sflag:s21] =	ssyncadd.s32 $0xFFFFD800  }
0x40: {  	[spmem:s2] =	stream.indirect.scatter.add.f32 [tilespmem:s19], [sflag:$0x3], $0x80, s28, s17, $0xb8;
	[tilespmem:$0x1F780] =	vst v63  }
0x41: {  	_ =	swait.ge [sflag:s12], $0x2800  }
0x42: {  	s24 =	sadd.s32 $0xA0, s24;
	[sflag:s12] =	ssyncset.done $0x0  }
0x43: {  	s26 =	sadd.s32 $0xFFFFFFB0, s24;
	[sflag:s12] =	ssyncadd.s32 $0xFFFFD800  }
0x44: {  	[tilespmem:s19], [sflag:$0x2] =	stream.indirect.gather [hbm4b:s4+s17], $0x80, s26, s17, $0xb8;
	[tilespmem:$0x1F780] =	vst v63  }
0x45: {  	_ =	swait.ge [sflag:s20], $0x2800  }
0x46: {  	s25 =	sshra.s32 s25, $0x2;
	[sflag:s20] =	ssyncset.done $0x0  }
0x47: {  	s30 =	sadd.s32 $0x16780, s25;
	[sflag:s20] =	ssyncadd.s32 $0xFFFFD800  }
0x48: {  	[spmem:s2] =	stream.indirect.scatter.add.f32 [tilespmem:s18], [sflag:$0x3], $0x80, s30, s17, $0xb8;
	[tilespmem:$0x1F780] =	vst v63  }
0x49: {  	_ =	swait.ge [sflag:s12], $0x2800  }
0x4a: {  	[sflag:s12] =	ssyncset.done $0x0  }
0x4b: {  	[sflag:s12] =	ssyncadd.s32 $0xFFFFD800  }
0x4c: {  	[tilespmem:s18], [sflag:$0x1] =	stream.indirect.gather [hbm4b:s4+s17], $0x80, s24, s17, $0xb8;
	[tilespmem:$0x1F780] =	vst v63  }
0x4d: {  	_ =	swait.ge [sflag:s21], $0x2800  }
0x4e: {  	[sflag:s21] =	ssyncset.done $0x0  }
0x4f: {  	s31 =	sadd.s32 $0x16800, s25;
	[sflag:s21] =	ssyncadd.s32 $0xFFFFD800  }
0x50: {  	[spmem:s2] =	stream.indirect.scatter.add.f32 [tilespmem:s19], [sflag:$0x3], $0x80, s31, s17, $0xb8;
	[tilespmem:$0x1F780] =	vst v63  }
0x51: {  	_ =	swait.ge [sflag:s12], $0x2800  }
0x52: {  	[sflag:s12] =	ssyncset.done $0x0  }
0x53: {  	[sflag:s12] =	ssyncadd.s32 $0xFFFFD800  }
0x54: {  	_ =	swait.ge [sflag:s20], $0x2800  }
0x55: {  	[sflag:s20] =	ssyncset.done $0x0  }
0x56: {  	[sflag:s20] =	ssyncadd.s32 $0xFFFFD800  }
0x57: {  	[spmem:s2] =	stream.indirect.scatter.add.f32 [tilespmem:s18], [sflag:$0x3], $0x80, s22, s17, $0xb8;
	[tilespmem:$0x1F780] =	vst v63  }
0x58: {  	_ =	swait.ge [sflag:s12], $0x2800  }
0x59: {  	s23 =	sadd.s32 $0x1, s23;
	[sflag:s12] =	ssyncset.done $0x0  }
0x5a: {  	p0 =	sne.s32 s23, s10;
	[sflag:s12] =	ssyncadd.s32 $0xFFFFD800  }
.Ltmp1:
0x5b: {  	[bflag:$0x0] =	sbarrier.arrive $0xFFFF;
	(pc) =	sbr.rel @p0 .LBB2_1-.Ltmp1, $4  }
0x5c: {  	[hbm:s9], [sflag:s6] =	dma.local [spmem:s11], $0x2800  }
0x5d: {  	_ =	swait.ge [sflag:s12], $0x2800  }
0x5e: {  	[sflag:s12] =	ssyncset.done $0x0  }
0x5f: {  	[sflag:s12] =	ssyncadd.s32 $0xFFFFD800  }
0x60: {  	_ =	sfence.sel $0x180000  }
0x61: {  	[bflag:$0x0] =	sbarrier.arrive $0xFFFF  }
0x62: {  	p0 =	sne.s32 s0, $0x0;
	_ =	strace $0x9000004D  }
0x63: {  	s0 =	sadd.s32 @!p0 $0x100000, s1;
	[bflag:$0x2] =	sbarrier.arrive $0xFFFF  }
0x64: {  	[sflag:s0] =	ssyncadd.tile.s32 @!p0 $0x1;
	_ =	shalt  }
.Lfunc_end2:
_tile_overlayer_lowered:
.L_overlay_start_2:
0x65: {  	(tag) =	ssettag $0x2  }
0x66: {  	s0 =	rddreg [dreg:$0x0];
	s2 =	stileid.u32  }
0x67: {  	s1 =	rddreg [dreg:$0x1];
	p0 =	sne.s32 s2, $0x0  }
0x68: {  	s3 =	rddreg [dreg:$0x2];
	[bflag:$0x3] =	sbarrier.arrive $0xFFFF;
	s2 =	simm.s32 @!p0 $0x1C03  }
0x69: {  	[timem:s3], [sflag:s2] =	dma.local @!p0 [hbm:s0], s1  }
0x6a: {  	s0 =	simm.s32 @!p0 $0x3  }
0x6b: {  	_ =	swait.ge @!p0 [sflag:s0], s1  }
0x6c: {  	s1 =	ssub.s32 @!p0 $0x0, s1;
	[sflag:s0] =	ssyncset.done @!p0 $0x0  }
0x6d: {  	[sflag:s0] =	ssyncadd.s32 @!p0 s1  }
0x6e: {  	[bflag:$0x3] =	sbarrier.arrive $0xFFFF  }
0x6f: {  	_ =	shalt  }

// kernel: kernel.21.cloned.1.call-start
scs
__scs_entry_jumppad:
0x0: {  	(pc) =	sbr.rel $0x88, $3  }
0x1: {  	(tag) =	ssettag $0x0;
	lr =	simm.s32 $0x1  }
0x2: {  	[smem:$0x3F8E] =	sst lr;
	_ =	strace $0xD0000000  }
0x3: {  	_ = 	snop  }
0x4: {  	_ = 	snop  }
0x5: {  	_ = 	snop  }
0x6: {  	_ = 	snop  }
0x7: {  	_ = 	snop  }
__scs_overlays_trampoline_lowered:
0x8: {  	[smem:$0x3F9D] =	sst s0  }
0x9: {  	[smem:$0x3F9E] =	sst s1  }
0xa: {  	[smem:$0x3F9F] =	sst s2  }
0xb: {  	[smem:$0x3FA0] =	sst s3  }
0xc: {  	[smem:$0x3FA1] =	sst s4  }
0xd: {  	[smem:$0x3FA2] =	sst s5  }
0xe: {  	[smem:$0x3FA3] =	sst s6  }
0xf: {  	[smem:$0x3FA4] =	sst s7  }
0x10: {  	[smem:$0x3FA5] =	sst s8  }
0x11: {  	[smem:$0x3FA6] =	sst s9;
	s0 =	simm.s32 @!p0 $0x0  }
0x12: {  	s1 =	sld [smem:$0x3F8C];
	s0 =	simm.s32 @p0 $0x1  }
0x13: {  	[smem:$0x3FA7] =	sst s0;
	s0 =	simm.s32 @!p1 $0x0  }
0x14: {  	s2 =	sld [smem:$0x3F8B];
	s0 =	simm.s32 @p1 $0x1  }
0x15: {  	[smem:$0x3FA8] =	sst s0;
	s0 =	simm.s32 @!p2 $0x0  }
0x16: {  	s3 =	sld [smem:$0x3FDB];
	s0 =	simm.s32 @p2 $0x1  }
0x17: {  	s4 =	simm.s32 $0x1BF5;
	[smem:$0x3FAA] =	sst s0  }
0x18: {  	s0 =	sld [smem:$0x3F8D];
	_ =	swait.ge [sflag:s4], $0x0  }
0x19: {  	s7 =	sld [smem:$0x3F8E]  }
0x1a: {  	s8 =	sadd.s32 $0xFFFFE003, lr  }
0x1b: {  	s9 =	sadd.s32 $0xFFFFFEF7, lr;
	s5 =	simm.s32 $0xFFFFFFFF;
	p2 =	slt.u32 s8, $0xFFFFF086  }
0x1c: {  	p1 =	slt.u32 s9, $0xF7A;
	s5 =	simm.s32 @!p2 $0x0  }
0x1d: {  	s5 =	simm.s32 @p1 $0x1;
	p0 =	seq.s32 s7, s2  }
0x1e: {  	s7 =	smul.u32 @!p0 $0xF7A, s2;
	p2 =	seq.s32 @!p0 s5, $0x0  }
0x1f: {  	s9 =	smul.u32 $0xF7A, s1;
	s8 =	simm.s32 @!p0 $0x1BF5;
	p2 =	por !p2, p0  }
0x20: {  	[sflag:s8] =	ssyncset.s32 @!p0 $0xFFFFF086;
	s6 =	sadd.s32 @!p0 s3, s7;
	s7 =	simm.s32 @!p0 $0x108  }
0x21: {  	s3 =	sadd.s32 s3, s9;
	s6 =	sadd.s32 @!p0 $0x88, s6;
	s7 =	simm.s32 @p2 $0x1082  }
0x22: {  	[simem:s7], [sflag:s8] =	dma.local @!p0 [hbm:s6], $0xF7A  }
0x23: {  	s9 =	sor.u32 $0xD0000000, s2;
	s6 =	simm.s32 $0x108;
	_ =	swait.ge @!p0 [sflag:s8], $0x0  }
0x24: {  	s3 =	sadd.s32 $0x88, s3;
	s6 =	simm.s32 @!p1 $0x1082;
	[sflag:s4] =	ssyncset.s32 $0xFFFFF086  }
0x25: {  	[simem:s6], [sflag:s4] =	dma.local [hbm:s3], $0xF7A  }
0x26: {  	[smem:$0x3F8E] =	sst s1;
	(tag) =	ssettag s2;
	_ =	strace s9  }
0x27: {  	s1 =	sld [smem:$0x3F9E]  }
0x28: {  	s2 =	sld [smem:$0x3F9F]  }
0x29: {  	s4 =	sld [smem:$0x3FA1]  }
0x2a: {  	p0 =	seq.s32 s5, $0x0;
	s5 =	sld [smem:$0x3FA2]  }
0x2b: {  	s6 =	sld [smem:$0x3FA3]  }
0x2c: {  	s7 =	sld [smem:$0x3FA4]  }
0x2d: {  	s3 =	simm.s32 $0x108;
	s8 =	sld [smem:$0x3FA5]  }
0x2e: {  	s3 =	simm.s32 @!p0 $0x1082;
	s9 =	sld [smem:$0x3FA6]  }
0x2f: {  	lr =	sadd.s32 s0, s3;
	s0 =	sld [smem:$0x3F9D]  }
0x30: {  	s3 =	sld [smem:$0x3FA0]  }
0x31: {  	[smem:$0x3FA9] =	sst s10  }
0x32: {  	s10 =	sld [smem:$0x3FA7];
	_ =	sdelay $0x3  }
0x33: {  	p0 =	seq.s32 s10, $0x1;
	s10 =	sld [smem:$0x3FA9];
	_ =	sdelay $0x3  }
0x34: {  	[smem:$0x3FA9] =	sst s10  }
0x35: {  	s10 =	sld [smem:$0x3FA8];
	_ =	sdelay $0x3  }
0x36: {  	p1 =	seq.s32 s10, $0x1;
	s10 =	sld [smem:$0x3FA9];
	_ =	sdelay $0x3  }
0x37: {  	[smem:$0x3FA9] =	sst s10  }
0x38: {  	s10 =	sld [smem:$0x3FAA]  }
0x39: {  	_ = 	snop;
	(pc) =	sbr.ind lr, $3  }
0x3a: {  	_ = 	snop  }
0x3b: {  	_ = 	snop  }
0x3c: {  	p2 =	seq.s32 s10, $0x1;
	s10 =	sld [smem:$0x3FA9]  }
0x3d: {  	_ =	shalt  }
0x3e: {  	_ =	shalt  }
0x3f: {  	_ =	shalt  }
0x40: {  	_ =	shalt  }
0x41: {  	_ =	shalt  }
0x42: {  	_ =	shalt  }
0x43: {  	_ =	shalt  }
0x44: {  	_ =	shalt  }
0x45: {  	_ =	shalt  }
0x46: {  	_ =	shalt  }
0x47: {  	_ =	shalt  }
0x48: {  	_ =	shalt  }
0x49: {  	_ =	shalt  }
0x4a: {  	_ =	shalt  }
0x4b: {  	_ =	shalt  }
0x4c: {  	_ =	shalt  }
0x4d: {  	_ =	shalt  }
0x4e: {  	_ =	shalt  }
0x4f: {  	_ =	shalt  }
0x50: {  	_ =	shalt  }
0x51: {  	_ =	shalt  }
0x52: {  	_ =	shalt  }
0x53: {  	_ =	shalt  }
0x54: {  	_ =	shalt  }
0x55: {  	_ =	shalt  }
0x56: {  	_ =	shalt  }
0x57: {  	_ =	shalt  }
0x58: {  	_ =	shalt  }
0x59: {  	_ =	shalt  }
0x5a: {  	_ =	shalt  }
0x5b: {  	_ =	shalt  }
0x5c: {  	_ =	shalt  }
0x5d: {  	_ =	shalt  }
0x5e: {  	_ =	shalt  }
0x5f: {  	_ =	shalt  }
0x60: {  	_ =	shalt  }
0x61: {  	_ =	shalt  }
0x62: {  	_ =	shalt  }
0x63: {  	_ =	shalt  }
0x64: {  	_ =	shalt  }
0x65: {  	_ =	shalt  }
0x66: {  	_ =	shalt  }
0x67: {  	_ =	shalt  }
0x68: {  	_ =	shalt  }
0x69: {  	_ =	shalt  }
0x6a: {  	_ =	shalt  }
0x6b: {  	_ =	shalt  }
0x6c: {  	_ =	shalt  }
0x6d: {  	_ =	shalt  }
0x6e: {  	_ =	shalt  }
0x6f: {  	_ =	shalt  }
0x70: {  	_ =	shalt  }
0x71: {  	_ =	shalt  }
0x72: {  	_ =	shalt  }
0x73: {  	_ =	shalt  }
0x74: {  	_ =	shalt  }
0x75: {  	_ =	shalt  }
0x76: {  	_ =	shalt  }
0x77: {  	_ =	shalt  }
0x78: {  	_ =	shalt  }
0x79: {  	_ =	shalt  }
0x7a: {  	_ =	shalt  }
0x7b: {  	_ =	shalt  }
0x7c: {  	_ =	shalt  }
0x7d: {  	_ =	shalt  }
0x7e: {  	_ =	shalt  }
0x7f: {  	_ =	shalt  }
0x80: {  	_ =	shalt  }
0x81: {  	_ =	shalt  }
0x82: {  	_ =	shalt  }
0x83: {  	_ =	shalt  }
0x84: {  	_ =	shalt  }
0x85: {  	_ =	shalt  }
0x86: {  	_ =	shalt  }
0x87: {  	_ =	shalt  }
.Lfunc_end0:
.L_simem_size_0:
called_computation.3_lowered:
.L_overlay_start_0:
0x88: {  	s2 =	sld [smem:$0x3FD9]  }
0x89: {  	s3 =	sld [smem:$0x3FFE];
	_ =	sdelay $0x1  }
0x8a: {  	s1 =	srdreg.scid  }
0x8b: {  	s0 =	sand.u32 $0x1, s1  }
0x8c: {  	s14 =	sshll.u32 s0, $0xA;
	s2 =	sadd.s32 s3, s2  }
0x8d: {  	s2 =	sadd.s32 s2, s14  }
0x8e: {  	[smem:$0x3FB5] =	sst s2  }
0x8f: {  	_ = 	snop  }
0x90: {  	s2 =	sld [smem:$0x3FD0];
	_ =	sdelay $0x2  }
0x91: {  	s15 =	simm.s32 $0xA;
	s4 =	simm.s32 $0x10  }
0x92: {  	[smem:s4], [sflag:s15] =	dma.local [hbm:s2], $0x1  }
0x93: {  	_ =	swait.eq [sflag:s15], $0x1  }
0x94: {  	[sflag:s15] =	ssyncset.done $0x0  }
0x95: {  	[sflag:s15] =	ssyncadd.s32 $0xFFFFFFFF  }
0x96: {  	s16 =	sld [smem:$0x10];
	(tm) =	ssettm $0x1  }
0x97: {  	s17 =	sld [smem:$0x3FFB];
	_ =	sdelay $0x3  }
0x98: {  	_ =	strace s17  }
0x99: {  	s3 =	sld [smem:$0x3FFC];
	_ =	sdelay $0x3  }
0x9a: {  	_ =	strace s3  }
0x9b: {  	s3 =	sld [smem:$0x3FFD];
	_ =	sdelay $0x3  }
0x9c: {  	_ =	strace s3  }
0x9d: {  	_ =	strace $0x8FFFFFFF  }
0x9e: {  	s18 =	sld [smem:$0x3FDB];
	_ =	sdelay $0x1  }
0x9f: {  	s19 =	simm.s32 $_scs_section_size  }
0xa0: {  	s5 =	simm.s32 $_size__tile_overlayer_lowered;
	s6 =	simm.s32 $_tile_overlayer_lowered  }
0xa1: {  	s22 =	simm.s32 $0x1BFF;
	s21 =	sshll.u32 s6, $0x1;
	s3 =	sadd.s32 s19, s18  }
0xa2: {  	s7 =	simm.s32 $0x0;
	s20 =	sshll.u32 s5, $0x1;
	s5 =	sadd.s32 s21, s3  }
0xa3: {  	[timem:s7], [sflag:s22] =	dma.local [hbm:s5], s20  }
0xa4: {  	_ =	swait.ge [sflag:s22], s20  }
0xa5: {  	s4 =	ssub.s32 $0x0, s20;
	[sflag:s22] =	ssyncset.done $0x0  }
0xa6: {  	[sflag:s22] =	ssyncadd.s32 s4;
	_ =	sdelay $0x1  }
0xa7: {  	s23 =	simm.s32 $0x1B8B  }
0xa8: {  	_ =	swait.ge [sflag:s23], $0x1  }
0xa9: {  	[sflag:s23] =	ssyncset.done $0x0  }
0xaa: {  	s25 =	simm.s32 $0x1B8E;
	s24 =	sld [smem:$0x3FFE];
	[sflag:s23] =	ssyncadd.s32 $0xFFFFFFFF  }
0xab: {  	s26 =	simm.s32 $execute0_lowered;
	[smem:$0x3FD2] =	sst s25  }
0xac: {  	s5 =	sshll.u32 s26, $0x1;
	_ =	strace $0x8000004F;
	[dreg:$0x1] =	wrdreg $0xFFFFFFFF  }
0xad: {  	s28 =	simm.s32 $_size_execute0_lowered;
	s3 =	sadd.s32 s3, s5;
	[dreg:$0x0] =	wrdreg $0x0  }
0xae: {  	s5 =	sshll.u32 s28, $0x1;
	[dreg:$0x2] =	wrdreg s3  }
0xaf: {  	[dreg:$0x3] =	wrdreg s5  }
0xb0: {  	[dreg:$0x4] =	wrdreg $0xC0  }
0xb1: {  	_ =	task [dreg:s7], $0x5FFFF  }
0xb2: {  	[dreg:$0x1] =	wrdreg $0xFFFFFFFF  }
0xb3: {  	[dreg:$0x0] =	wrdreg $0x60  }
0xb4: {  	[dreg:$0x2] =	wrdreg s24  }
0xb5: {  	[dreg:$0x3] =	wrdreg s16  }
0xb6: {  	[dreg:$0x4] =	wrdreg $0x0  }
0xb7: {  	[dreg:$0x5] =	wrdreg $0x9  }
0xb8: {  	_ =	task.clear_ibuf [dreg:s7], $0x6FFFF;
	_ =	strace $0x9000004F  }
0xb9: {  	s29 =	simm.s32 $0x9;
	_ =	strace $0x80000051  }
0xba: {  	_ =	swait.ge [sflag:s29], $0x1  }
0xbb: {  	[sflag:s29] =	ssyncadd.s32 $0xFFFFFFFF  }
0xbc: {  	_ =	strace $0x90000051  }
0xbd: {  	_ =	sfence  }
0xbe: {  	s30 =	sld [smem:$0x0];
	_ =	sdelay $0x2  }
0xbf: {  	s31 =	sshll.u32 s1, $0xD;
	s1 =	sshrl.u32 s1, $0x2  }
0xc0: {  	s3 =	sand.u32 $0x4000, s31;
	s1 =	sadd.s32 s1, s30  }
0xc1: {  	s0 =	sor.u32 s3, s0;
	s1 =	sshll.u32 s1, $0x11  }
0xc2: {  	s0 =	sor.u32 s1, s0  }
0xc3: {  	s0 =	sadd.s32 $0x8F2B, s0  }
0xc4: {  	[sflag:s0] =	ssyncadd.remote.s32 $0x1  }
0xc5: {  	_ =	sfence.sel $0xFFFF  }
0xc6: {  	[dreg:$0x0] =	wrdreg $0xFFFFFFFF;
	(pc) =	sbr.abs _section_cstart, $3  }
0xc7: {  	[dreg:$0x1] =	wrdreg $0xFFFFFFFF  }
0xc8: {  	_ =	task.clear_ibuf [dreg:s7], $0x2FFFF;
	_ =	strace $0x9FFFFFFF  }
0xc9: {  	(tm) =	ssettm $0x7FFFFFFF  }
tec
execute0_lowered:
.L_overlay_start_1:
0x0: {  	(tag) =	ssettag $0x1  }
0x1: {  	s5 =	rddreg [dreg:$0x0]  }
0x2: {  	s8 =	rddreg [dreg:$0x1]  }
0x3: {  	s2 =	rddreg [dreg:$0x2]  }
0x4: {  	s1 =	srdreg.scid;
	s0 =	stileid.u32  }
0x5: {  	s14 =	simm.s32 $0x400;
	s15 =	simm.s32 $0x14000;
	s16 =	simm.s32 $0x16780  }
0x6: {  	s17 =	simm.s32 $0x50;
	s18 =	simm.s32 $0x1A780;
	s19 =	simm.s32 $0x1CF80  }
0x7: {  	s20 =	simm.s32 $0x1;
	s21 =	simm.s32 $0x2;
	s22 =	simm.s32 $0x1A580  }
0x8: {  	s23 =	simm.s32 $0x0;
	s6 =	sand.u32 $0x1, s1;
	s10 =	smul.u32 $0x14000, s0  }
0x9: {  	s3 =	sshll.u32 s0, $0x1;
	s4 =	sshrl.u32 s0, $0x2;
	s26 =	smul.u32 $0x50000, s0  }
0xa: {  	s1 =	rddreg [dreg:$0x3];
	s30 =	sshll.u32 s0, $0x6;
	s9 =	smul.u32 $0x13C00, s4  }
0xb: {  	s7 =	sor.u32 s6, s3;
	s3 =	simm.s32 $0x0;
	s12 =	smul.u32 $0x140000, s6  }
0xc: {  	s4 =	sadd.s32 $0x10200, s5;
	s6 =	ssub.s32 $0x2, s6;
	s24 =	sshll.u32 s7, $0x7  }
0xd: {  	[smem:$0x7FF] =	sst s3;
	s28 =	sshrl.u32 s6, $0x1;
	s29 =	sshrl.u32 s10, $0x3  }
0xe: {  	s31 =	sshll.u32 s7, $0xB;
	s11 =	sand.u32 $0x380, s24;
	_ =	strace $0x80000050  }
0xf: {  	s25 =	sadd.s32 s10, s12;
	s12 =	sshrl.u32 s26, $0x2;
	s13 =	ssub.s32 s6, s28  }
0x10: {  	s6 =	sor.u32 $0x1C03, s30;
	s8 =	sadd.s32 s8, s31;
	s9 =	sor.u32 s9, s11  }
0x11: {  	s11 =	sshrl.u32 s25, $0x3;
	s12 =	sadd.s32 s12, s2;
	s9 =	sshrl.u32 s9, $0x3  }
0x12: {  	s10 =	smax.u32 s13, $0x1;
	s13 =	simm.s32 $0x80;
	s9 =	sadd.s32 s9, s5  }
0x13: {  	s11 =	sadd.s32 s11, s5;
	s5 =	sadd.s32 s4, s29;
	s7 =	sadd.s32 $0x6400, s9  }
0x14: {  	s9 =	sadd.s32 $0x60200, s11;
	s11 =	sshrl.u32 s12, $0x3;
	s12 =	simm.s32 $0x3  }
.LBB2_1:
0x15: {  	[spmem:s11], [sflag:s6] =	dma.local [hbm:s5], $0x2800  }
0x16: {  	_ =	swait.ge [sflag:s12], $0x2800  }
0x17: {  	[sflag:s12] =	ssyncset.done $0x0  }
0x18: {  	[sflag:s12] =	ssyncadd.s32 $0xFFFFD800  }
0x19: {  	[tilespmem:s15], [sflag:$0x3] =	stream.strided.gather [hbm4b:s7+s13], $0x2780, s14, s13, $0x38;
	[tilespmem:$0x1F780] =	vst v63  }
0x1a: {  	_ =	swait.ge [sflag:s12], $0x2780  }
0x1b: {  	[sflag:s12] =	ssyncset.done $0x0  }
0x1c: {  	[sflag:s12] =	ssyncadd.s32 $0xFFFFD880  }
0x1d: {  	[tilespmem:s16], [sflag:$0x3] =	stream.linear.gather [hbm4b:s8+s3], $0x3E80, $0x38;
	[tilespmem:$0x1F780] =	vst v63  }
0x1e: {  	_ =	swait.ge [sflag:s12], $0x3E80  }
0x1f: {  	[sflag:s12] =	ssyncset.done $0x0  }
0x20: {  	[sflag:s12] =	ssyncadd.s32 $0xFFFFC180  }
0x21: {  	[bflag:$0x0] =	sbarrier.arrive $0xFFFF  }
0x22: {  	[tilespmem:s18], [sflag:$0x1] =	stream.indirect.gather [hbm4b:s4+s17], $0x80, s15, s17, $0xb8;
	[tilespmem:$0x1F780] =	vst v63  }
0x23: {  	s24 =	simm.s32 $0x14050  }
0x24: {  	[tilespmem:s19], [sflag:$0x2] =	stream.indirect.gather [hbm4b:s4+s17], $0x80, s24, s17, $0xb8;
	[tilespmem:$0x1F780] =	vst v63  }
0x25: {  	_ =	swait.ge [sflag:s20], $0x2800  }
0x26: {  	[sflag:s20] =	ssyncset.done $0x0  }
0x27: {  	s29 =	simm.s32 $0x16780;
	[sflag:s20] =	ssyncadd.s32 $0xFFFFD800  }
0x28: {  	[spmem:s2] =	stream.indirect.scatter.add.f32 [tilespmem:s18], [sflag:$0x3], $0x80, s29, s17, $0xb8;
	[tilespmem:$0x1F780] =	vst v63  }
0x29: {  	_ =	swait.ge [sflag:s12], $0x2800  }
0x2a: {  	[sflag:s12] =	ssyncset.done $0x0  }
0x2b: {  	s30 =	simm.s32 $0x140A0;
	[sflag:s12] =	ssyncadd.s32 $0xFFFFD800  }
0x2c: {  	[tilespmem:s18], [sflag:$0x1] =	stream.indirect.gather [hbm4b:s4+s17], $0x80, s30, s17, $0xb8;
	[tilespmem:$0x1F780] =	vst v63  }
0x2d: {  	_ =	swait.ge [sflag:s21], $0x2800  }
0x2e: {  	[sflag:s21] =	ssyncset.done $0x0  }
0x2f: {  	s31 =	simm.s32 $0x16800;
	[sflag:s21] =	ssyncadd.s32 $0xFFFFD800  }
0x30: {  	[spmem:s2] =	stream.indirect.scatter.add.f32 [tilespmem:s19], [sflag:$0x3], $0x80, s31, s17, $0xb8;
	[tilespmem:$0x1F780] =	vst v63  }
0x31: {  	s25 =	simm.s32 $0x400;
	_ =	swait.ge [sflag:s12], $0x2800  }
0x32: {  	s26 =	simm.s32 $0x800;
	s24 =	simm.s32 $0x14140;
	[sflag:s12] =	ssyncset.done $0x0  }
.LBB2_2:
0x33: {  	p0 =	sne.s32 s26, $0xF400;
	s28 =	sadd.s32 $0xFFFFFFB0, s24;
	[sflag:s12] =	ssyncadd.s32 $0xFFFFD800  }
0x34: {  	[tilespmem:s19], [sflag:$0x2] =	stream.indirect.gather [hbm4b:s4+s17], $0x80, s28, s17, $0xb8;
	[tilespmem:$0x1F780] =	vst v63  }
0x35: {  	s28 =	smov.u32 s26;
	s26 =	sadd.s32 $0x400, s26;
	_ =	swait.ge [sflag:s20], $0x2800  }
0x36: {  	s29 =	sshra.s32 s25, $0x2;
	s25 =	smov.u32 s28;
	[sflag:s20] =	ssyncset.done $0x0  }
0x37: {  	s28 =	sadd.s32 $0x16780, s29;
	[sflag:s20] =	ssyncadd.s32 $0xFFFFD800  }
0x38: {  	[spmem:s2] =	stream.indirect.scatter.add.f32 [tilespmem:s18], [sflag:$0x3], $0x80, s28, s17, $0xb8;
	[tilespmem:$0x1F780] =	vst v63  }
0x39: {  	_ =	swait.ge [sflag:s12], $0x2800  }
0x3a: {  	[sflag:s12] =	ssyncset.done $0x0  }
0x3b: {  	[sflag:s12] =	ssyncadd.s32 $0xFFFFD800  }
0x3c: {  	[tilespmem:s18], [sflag:$0x1] =	stream.indirect.gather [hbm4b:s4+s17], $0x80, s24, s17, $0xb8;
	[tilespmem:$0x1F780] =	vst v63  }
0x3d: {  	_ =	swait.ge [sflag:s21], $0x2800  }
.Ltmp0:
0x3e: {  	[sflag:s21] =	ssyncset.done $0x0;
	(pc) =	sbr.rel @p0 .LBB2_2-.Ltmp0, $4  }
0x3f: {  	s28 =	sadd.s32 $0x16800, s29;
	[sflag:s21] =	ssyncadd.s32 $0xFFFFD800  }
0x40: {  	[spmem:s2] =	stream.indirect.scatter.add.f32 [tilespmem:s19], [sflag:$0x3], $0x80, s28, s17, $0xb8;
	[tilespmem:$0x1F780] =	vst v63  }
0x41: {  	_ =	swait.ge [sflag:s12], $0x2800  }
0x42: {  	s24 =	sadd.s32 $0xA0, s24;
	[sflag:s12] =	ssyncset.done $0x0  }
0x43: {  	s26 =	sadd.s32 $0xFFFFFFB0, s24;
	[sflag:s12] =	ssyncadd.s32 $0xFFFFD800  }
0x44: {  	[tilespmem:s19], [sflag:$0x2] =	stream.indirect.gather [hbm4b:s4+s17], $0x80, s26, s17, $0xb8;
	[tilespmem:$0x1F780] =	vst v63  }
0x45: {  	_ =	swait.ge [sflag:s20], $0x2800  }
0x46: {  	s25 =	sshra.s32 s25, $0x2;
	[sflag:s20] =	ssyncset.done $0x0  }
0x47: {  	s30 =	sadd.s32 $0x16780, s25;
	[sflag:s20] =	ssyncadd.s32 $0xFFFFD800  }
0x48: {  	[spmem:s2] =	stream.indirect.scatter.add.f32 [tilespmem:s18], [sflag:$0x3], $0x80, s30, s17, $0xb8;
	[tilespmem:$0x1F780] =	vst v63  }
0x49: {  	_ =	swait.ge [sflag:s12], $0x2800  }
0x4a: {  	[sflag:s12] =	ssyncset.done $0x0  }
0x4b: {  	[sflag:s12] =	ssyncadd.s32 $0xFFFFD800  }
0x4c: {  	[tilespmem:s18], [sflag:$0x1] =	stream.indirect.gather [hbm4b:s4+s17], $0x80, s24, s17, $0xb8;
	[tilespmem:$0x1F780] =	vst v63  }
0x4d: {  	_ =	swait.ge [sflag:s21], $0x2800  }
0x4e: {  	[sflag:s21] =	ssyncset.done $0x0  }
0x4f: {  	s31 =	sadd.s32 $0x16800, s25;
	[sflag:s21] =	ssyncadd.s32 $0xFFFFD800  }
0x50: {  	[spmem:s2] =	stream.indirect.scatter.add.f32 [tilespmem:s19], [sflag:$0x3], $0x80, s31, s17, $0xb8;
	[tilespmem:$0x1F780] =	vst v63  }
0x51: {  	_ =	swait.ge [sflag:s12], $0x2800  }
0x52: {  	[sflag:s12] =	ssyncset.done $0x0  }
0x53: {  	[sflag:s12] =	ssyncadd.s32 $0xFFFFD800  }
0x54: {  	_ =	swait.ge [sflag:s20], $0x2800  }
0x55: {  	[sflag:s20] =	ssyncset.done $0x0  }
0x56: {  	[sflag:s20] =	ssyncadd.s32 $0xFFFFD800  }
0x57: {  	[spmem:s2] =	stream.indirect.scatter.add.f32 [tilespmem:s18], [sflag:$0x3], $0x80, s22, s17, $0xb8;
	[tilespmem:$0x1F780] =	vst v63  }
0x58: {  	_ =	swait.ge [sflag:s12], $0x2800  }
0x59: {  	s23 =	sadd.s32 $0x1, s23;
	[sflag:s12] =	ssyncset.done $0x0  }
0x5a: {  	p0 =	sne.s32 s23, s10;
	[sflag:s12] =	ssyncadd.s32 $0xFFFFD800  }
.Ltmp1:
0x5b: {  	[bflag:$0x0] =	sbarrier.arrive $0xFFFF;
	(pc) =	sbr.rel @p0 .LBB2_1-.Ltmp1, $4  }
0x5c: {  	[hbm:s9], [sflag:s6] =	dma.local [spmem:s11], $0x2800  }
0x5d: {  	_ =	swait.ge [sflag:s12], $0x2800  }
0x5e: {  	[sflag:s12] =	ssyncset.done $0x0  }
0x5f: {  	[sflag:s12] =	ssyncadd.s32 $0xFFFFD800  }
0x60: {  	_ =	sfence.sel $0x180000  }
0x61: {  	[bflag:$0x0] =	sbarrier.arrive $0xFFFF  }
0x62: {  	p0 =	sne.s32 s0, $0x0;
	_ =	strace $0x90000050  }
0x63: {  	s0 =	sadd.s32 @!p0 $0x100000, s1;
	[bflag:$0x2] =	sbarrier.arrive $0xFFFF  }
0x64: {  	[sflag:s0] =	ssyncadd.tile.s32 @!p0 $0x1;
	_ =	shalt  }
.Lfunc_end2:
_tile_overlayer_lowered:
.L_overlay_start_2:
0x65: {  	(tag) =	ssettag $0x2  }
0x66: {  	s0 =	rddreg [dreg:$0x0];
	s2 =	stileid.u32  }
0x67: {  	s1 =	rddreg [dreg:$0x1];
	p0 =	sne.s32 s2, $0x0  }
0x68: {  	s3 =	rddreg [dreg:$0x2];
	[bflag:$0x3] =	sbarrier.arrive $0xFFFF;
	s2 =	simm.s32 @!p0 $0x1C03  }
0x69: {  	[timem:s3], [sflag:s2] =	dma.local @!p0 [hbm:s0], s1  }
0x6a: {  	s0 =	simm.s32 @!p0 $0x3  }
0x6b: {  	_ =	swait.ge @!p0 [sflag:s0], s1  }
0x6c: {  	s1 =	ssub.s32 @!p0 $0x0, s1;
	[sflag:s0] =	ssyncset.done @!p0 $0x0  }
0x6d: {  	[sflag:s0] =	ssyncadd.s32 @!p0 s1  }
0x6e: {  	[bflag:$0x3] =	sbarrier.arrive $0xFFFF  }
0x6f: {  	_ =	shalt  }

// kernel: kernel.24.cloned.1.call-start
scs
__scs_entry_jumppad:
0x0: {  	(pc) =	sbr.rel $0x88, $3  }
0x1: {  	(tag) =	ssettag $0x0;
	lr =	simm.s32 $0x1  }
0x2: {  	[smem:$0x3F8E] =	sst lr;
	_ =	strace $0xD0000000  }
0x3: {  	_ = 	snop  }
0x4: {  	_ = 	snop  }
0x5: {  	_ = 	snop  }
0x6: {  	_ = 	snop  }
0x7: {  	_ = 	snop  }
__scs_overlays_trampoline_lowered:
0x8: {  	[smem:$0x3F9D] =	sst s0  }
0x9: {  	[smem:$0x3F9E] =	sst s1  }
0xa: {  	[smem:$0x3F9F] =	sst s2  }
0xb: {  	[smem:$0x3FA0] =	sst s3  }
0xc: {  	[smem:$0x3FA1] =	sst s4  }
0xd: {  	[smem:$0x3FA2] =	sst s5  }
0xe: {  	[smem:$0x3FA3] =	sst s6  }
0xf: {  	[smem:$0x3FA4] =	sst s7  }
0x10: {  	[smem:$0x3FA5] =	sst s8  }
0x11: {  	[smem:$0x3FA6] =	sst s9;
	s0 =	simm.s32 @!p0 $0x0  }
0x12: {  	s1 =	sld [smem:$0x3F8C];
	s0 =	simm.s32 @p0 $0x1  }
0x13: {  	[smem:$0x3FA7] =	sst s0;
	s0 =	simm.s32 @!p1 $0x0  }
0x14: {  	s2 =	sld [smem:$0x3F8B];
	s0 =	simm.s32 @p1 $0x1  }
0x15: {  	[smem:$0x3FA8] =	sst s0;
	s0 =	simm.s32 @!p2 $0x0  }
0x16: {  	s3 =	sld [smem:$0x3FDB];
	s0 =	simm.s32 @p2 $0x1  }
0x17: {  	s4 =	simm.s32 $0x1BF5;
	[smem:$0x3FAA] =	sst s0  }
0x18: {  	s0 =	sld [smem:$0x3F8D];
	_ =	swait.ge [sflag:s4], $0x0  }
0x19: {  	s7 =	sld [smem:$0x3F8E]  }
0x1a: {  	s8 =	sadd.s32 $0xFFFFE003, lr  }
0x1b: {  	s9 =	sadd.s32 $0xFFFFFEF7, lr;
	s5 =	simm.s32 $0xFFFFFFFF;
	p2 =	slt.u32 s8, $0xFFFFF086  }
0x1c: {  	p1 =	slt.u32 s9, $0xF7A;
	s5 =	simm.s32 @!p2 $0x0  }
0x1d: {  	s5 =	simm.s32 @p1 $0x1;
	p0 =	seq.s32 s7, s2  }
0x1e: {  	s7 =	smul.u32 @!p0 $0xF7A, s2;
	p2 =	seq.s32 @!p0 s5, $0x0  }
0x1f: {  	s9 =	smul.u32 $0xF7A, s1;
	s8 =	simm.s32 @!p0 $0x1BF5;
	p2 =	por !p2, p0  }
0x20: {  	[sflag:s8] =	ssyncset.s32 @!p0 $0xFFFFF086;
	s6 =	sadd.s32 @!p0 s3, s7;
	s7 =	simm.s32 @!p0 $0x108  }
0x21: {  	s3 =	sadd.s32 s3, s9;
	s6 =	sadd.s32 @!p0 $0x88, s6;
	s7 =	simm.s32 @p2 $0x1082  }
0x22: {  	[simem:s7], [sflag:s8] =	dma.local @!p0 [hbm:s6], $0xF7A  }
0x23: {  	s9 =	sor.u32 $0xD0000000, s2;
	s6 =	simm.s32 $0x108;
	_ =	swait.ge @!p0 [sflag:s8], $0x0  }
0x24: {  	s3 =	sadd.s32 $0x88, s3;
	s6 =	simm.s32 @!p1 $0x1082;
	[sflag:s4] =	ssyncset.s32 $0xFFFFF086  }
0x25: {  	[simem:s6], [sflag:s4] =	dma.local [hbm:s3], $0xF7A  }
0x26: {  	[smem:$0x3F8E] =	sst s1;
	(tag) =	ssettag s2;
	_ =	strace s9  }
0x27: {  	s1 =	sld [smem:$0x3F9E]  }
0x28: {  	s2 =	sld [smem:$0x3F9F]  }
0x29: {  	s4 =	sld [smem:$0x3FA1]  }
0x2a: {  	p0 =	seq.s32 s5, $0x0;
	s5 =	sld [smem:$0x3FA2]  }
0x2b: {  	s6 =	sld [smem:$0x3FA3]  }
0x2c: {  	s7 =	sld [smem:$0x3FA4]  }
0x2d: {  	s3 =	simm.s32 $0x108;
	s8 =	sld [smem:$0x3FA5]  }
0x2e: {  	s3 =	simm.s32 @!p0 $0x1082;
	s9 =	sld [smem:$0x3FA6]  }
0x2f: {  	lr =	sadd.s32 s0, s3;
	s0 =	sld [smem:$0x3F9D]  }
0x30: {  	s3 =	sld [smem:$0x3FA0]  }
0x31: {  	[smem:$0x3FA9] =	sst s10  }
0x32: {  	s10 =	sld [smem:$0x3FA7];
	_ =	sdelay $0x3  }
0x33: {  	p0 =	seq.s32 s10, $0x1;
	s10 =	sld [smem:$0x3FA9];
	_ =	sdelay $0x3  }
0x34: {  	[smem:$0x3FA9] =	sst s10  }
0x35: {  	s10 =	sld [smem:$0x3FA8];
	_ =	sdelay $0x3  }
0x36: {  	p1 =	seq.s32 s10, $0x1;
	s10 =	sld [smem:$0x3FA9];
	_ =	sdelay $0x3  }
0x37: {  	[smem:$0x3FA9] =	sst s10  }
0x38: {  	s10 =	sld [smem:$0x3FAA]  }
0x39: {  	_ = 	snop;
	(pc) =	sbr.ind lr, $3  }
0x3a: {  	_ = 	snop  }
0x3b: {  	_ = 	snop  }
0x3c: {  	p2 =	seq.s32 s10, $0x1;
	s10 =	sld [smem:$0x3FA9]  }
0x3d: {  	_ =	shalt  }
0x3e: {  	_ =	shalt  }
0x3f: {  	_ =	shalt  }
0x40: {  	_ =	shalt  }
0x41: {  	_ =	shalt  }
0x42: {  	_ =	shalt  }
0x43: {  	_ =	shalt  }
0x44: {  	_ =	shalt  }
0x45: {  	_ =	shalt  }
0x46: {  	_ =	shalt  }
0x47: {  	_ =	shalt  }
0x48: {  	_ =	shalt  }
0x49: {  	_ =	shalt  }
0x4a: {  	_ =	shalt  }
0x4b: {  	_ =	shalt  }
0x4c: {  	_ =	shalt  }
0x4d: {  	_ =	shalt  }
0x4e: {  	_ =	shalt  }
0x4f: {  	_ =	shalt  }
0x50: {  	_ =	shalt  }
0x51: {  	_ =	shalt  }
0x52: {  	_ =	shalt  }
0x53: {  	_ =	shalt  }
0x54: {  	_ =	shalt  }
0x55: {  	_ =	shalt  }
0x56: {  	_ =	shalt  }
0x57: {  	_ =	shalt  }
0x58: {  	_ =	shalt  }
0x59: {  	_ =	shalt  }
0x5a: {  	_ =	shalt  }
0x5b: {  	_ =	shalt  }
0x5c: {  	_ =	shalt  }
0x5d: {  	_ =	shalt  }
0x5e: {  	_ =	shalt  }
0x5f: {  	_ =	shalt  }
0x60: {  	_ =	shalt  }
0x61: {  	_ =	shalt  }
0x62: {  	_ =	shalt  }
0x63: {  	_ =	shalt  }
0x64: {  	_ =	shalt  }
0x65: {  	_ =	shalt  }
0x66: {  	_ =	shalt  }
0x67: {  	_ =	shalt  }
0x68: {  	_ =	shalt  }
0x69: {  	_ =	shalt  }
0x6a: {  	_ =	shalt  }
0x6b: {  	_ =	shalt  }
0x6c: {  	_ =	shalt  }
0x6d: {  	_ =	shalt  }
0x6e: {  	_ =	shalt  }
0x6f: {  	_ =	shalt  }
0x70: {  	_ =	shalt  }
0x71: {  	_ =	shalt  }
0x72: {  	_ =	shalt  }
0x73: {  	_ =	shalt  }
0x74: {  	_ =	shalt  }
0x75: {  	_ =	shalt  }
0x76: {  	_ =	shalt  }
0x77: {  	_ =	shalt  }
0x78: {  	_ =	shalt  }
0x79: {  	_ =	shalt  }
0x7a: {  	_ =	shalt  }
0x7b: {  	_ =	shalt  }
0x7c: {  	_ =	shalt  }
0x7d: {  	_ =	shalt  }
0x7e: {  	_ =	shalt  }
0x7f: {  	_ =	shalt  }
0x80: {  	_ =	shalt  }
0x81: {  	_ =	shalt  }
0x82: {  	_ =	shalt  }
0x83: {  	_ =	shalt  }
0x84: {  	_ =	shalt  }
0x85: {  	_ =	shalt  }
0x86: {  	_ =	shalt  }
0x87: {  	_ =	shalt  }
.Lfunc_end0:
.L_simem_size_0:
called_computation.4_lowered:
.L_overlay_start_0:
0x88: {  	s2 =	sld [smem:$0x3FD9]  }
0x89: {  	s3 =	sld [smem:$0x3FFE];
	_ =	sdelay $0x1  }
0x8a: {  	s1 =	srdreg.scid  }
0x8b: {  	s0 =	sand.u32 $0x1, s1  }
0x8c: {  	s14 =	sshll.u32 s0, $0xA;
	s2 =	sadd.s32 s3, s2  }
0x8d: {  	s2 =	sadd.s32 s2, s14  }
0x8e: {  	[smem:$0x3FB5] =	sst s2  }
0x8f: {  	_ = 	snop  }
0x90: {  	s2 =	sld [smem:$0x3FD0];
	_ =	sdelay $0x2  }
0x91: {  	s15 =	simm.s32 $0xA;
	s4 =	simm.s32 $0x10  }
0x92: {  	[smem:s4], [sflag:s15] =	dma.local [hbm:s2], $0x1  }
0x93: {  	_ =	swait.eq [sflag:s15], $0x1  }
0x94: {  	[sflag:s15] =	ssyncset.done $0x0  }
0x95: {  	[sflag:s15] =	ssyncadd.s32 $0xFFFFFFFF  }
0x96: {  	s16 =	sld [smem:$0x10];
	(tm) =	ssettm $0x1  }
0x97: {  	s17 =	sld [smem:$0x3FFB];
	_ =	sdelay $0x3  }
0x98: {  	_ =	strace s17  }
0x99: {  	s3 =	sld [smem:$0x3FFC];
	_ =	sdelay $0x3  }
0x9a: {  	_ =	strace s3  }
0x9b: {  	s3 =	sld [smem:$0x3FFD];
	_ =	sdelay $0x3  }
0x9c: {  	_ =	strace s3  }
0x9d: {  	_ =	strace $0x8FFFFFFF  }
0x9e: {  	s18 =	sld [smem:$0x3FDB];
	_ =	sdelay $0x1  }
0x9f: {  	s19 =	simm.s32 $_scs_section_size  }
0xa0: {  	s5 =	simm.s32 $_size__tile_overlayer_lowered;
	s6 =	simm.s32 $_tile_overlayer_lowered  }
0xa1: {  	s22 =	simm.s32 $0x1BFF;
	s21 =	sshll.u32 s6, $0x1;
	s3 =	sadd.s32 s19, s18  }
0xa2: {  	s7 =	simm.s32 $0x0;
	s20 =	sshll.u32 s5, $0x1;
	s5 =	sadd.s32 s21, s3  }
0xa3: {  	[timem:s7], [sflag:s22] =	dma.local [hbm:s5], s20  }
0xa4: {  	_ =	swait.ge [sflag:s22], s20  }
0xa5: {  	s4 =	ssub.s32 $0x0, s20;
	[sflag:s22] =	ssyncset.done $0x0  }
0xa6: {  	[sflag:s22] =	ssyncadd.s32 s4;
	_ =	sdelay $0x1  }
0xa7: {  	s23 =	simm.s32 $0x1B8B  }
0xa8: {  	_ =	swait.ge [sflag:s23], $0x1  }
0xa9: {  	[sflag:s23] =	ssyncset.done $0x0  }
0xaa: {  	s25 =	simm.s32 $0x1B8E;
	s24 =	sld [smem:$0x3FFE];
	[sflag:s23] =	ssyncadd.s32 $0xFFFFFFFF  }
0xab: {  	s26 =	simm.s32 $execute0_lowered;
	[smem:$0x3FD2] =	sst s25  }
0xac: {  	s5 =	sshll.u32 s26, $0x1;
	_ =	strace $0x80000052;
	[dreg:$0x1] =	wrdreg $0xFFFFFFFF  }
0xad: {  	s28 =	simm.s32 $_size_execute0_lowered;
	s3 =	sadd.s32 s3, s5;
	[dreg:$0x0] =	wrdreg $0x0  }
0xae: {  	s5 =	sshll.u32 s28, $0x1;
	[dreg:$0x2] =	wrdreg s3  }
0xaf: {  	[dreg:$0x3] =	wrdreg s5  }
0xb0: {  	[dreg:$0x4] =	wrdreg $0xC0  }
0xb1: {  	_ =	task [dreg:s7], $0x5FFFF  }
0xb2: {  	[dreg:$0x1] =	wrdreg $0xFFFFFFFF  }
0xb3: {  	[dreg:$0x0] =	wrdreg $0x60  }
0xb4: {  	[dreg:$0x2] =	wrdreg s24  }
0xb5: {  	[dreg:$0x3] =	wrdreg s16  }
0xb6: {  	[dreg:$0x4] =	wrdreg $0x0  }
0xb7: {  	[dreg:$0x5] =	wrdreg $0x9  }
0xb8: {  	_ =	task.clear_ibuf [dreg:s7], $0x6FFFF;
	_ =	strace $0x90000052  }
0xb9: {  	s29 =	simm.s32 $0x9;
	_ =	strace $0x80000054  }
0xba: {  	_ =	swait.ge [sflag:s29], $0x1  }
0xbb: {  	[sflag:s29] =	ssyncadd.s32 $0xFFFFFFFF  }
0xbc: {  	_ =	strace $0x90000054  }
0xbd: {  	_ =	sfence  }
0xbe: {  	s30 =	sld [smem:$0x0];
	_ =	sdelay $0x2  }
0xbf: {  	s31 =	sshll.u32 s1, $0xD;
	s1 =	sshrl.u32 s1, $0x2  }
0xc0: {  	s3 =	sand.u32 $0x4000, s31;
	s1 =	sadd.s32 s1, s30  }
0xc1: {  	s0 =	sor.u32 s3, s0;
	s1 =	sshll.u32 s1, $0x11  }
0xc2: {  	s0 =	sor.u32 s1, s0  }
0xc3: {  	s0 =	sadd.s32 $0x8F2B, s0  }
0xc4: {  	[sflag:s0] =	ssyncadd.remote.s32 $0x1  }
0xc5: {  	_ =	sfence.sel $0xFFFF  }
0xc6: {  	[dreg:$0x0] =	wrdreg $0xFFFFFFFF;
	(pc) =	sbr.abs _section_cstart, $3  }
0xc7: {  	[dreg:$0x1] =	wrdreg $0xFFFFFFFF  }
0xc8: {  	_ =	task.clear_ibuf [dreg:s7], $0x2FFFF;
	_ =	strace $0x9FFFFFFF  }
0xc9: {  	(tm) =	ssettm $0x7FFFFFFF  }
tec
execute0_lowered:
.L_overlay_start_1:
0x0: {  	(tag) =	ssettag $0x1  }
0x1: {  	s5 =	rddreg [dreg:$0x0]  }
0x2: {  	s8 =	rddreg [dreg:$0x1]  }
0x3: {  	s2 =	rddreg [dreg:$0x2]  }
0x4: {  	s1 =	srdreg.scid;
	s0 =	stileid.u32  }
0x5: {  	s14 =	simm.s32 $0x400;
	s15 =	simm.s32 $0x14000;
	s16 =	simm.s32 $0x16780  }
0x6: {  	s17 =	simm.s32 $0x50;
	s18 =	simm.s32 $0x1A780;
	s19 =	simm.s32 $0x1CF80  }
0x7: {  	s20 =	simm.s32 $0x1;
	s21 =	simm.s32 $0x2;
	s22 =	simm.s32 $0x1A580  }
0x8: {  	s23 =	simm.s32 $0x0;
	s6 =	sand.u32 $0x1, s1;
	s10 =	smul.u32 $0x14000, s0  }
0x9: {  	s3 =	sshll.u32 s0, $0x1;
	s4 =	sshrl.u32 s0, $0x2;
	s26 =	smul.u32 $0x50000, s0  }
0xa: {  	s1 =	rddreg [dreg:$0x3];
	s30 =	sshll.u32 s0, $0x6;
	s9 =	smul.u32 $0x13C00, s4  }
0xb: {  	s7 =	sor.u32 s6, s3;
	s3 =	simm.s32 $0x0;
	s12 =	smul.u32 $0x140000, s6  }
0xc: {  	s4 =	sadd.s32 $0x10200, s5;
	s6 =	ssub.s32 $0x2, s6;
	s24 =	sshll.u32 s7, $0x7  }
0xd: {  	[smem:$0x7FF] =	sst s3;
	s28 =	sshrl.u32 s6, $0x1;
	s29 =	sshrl.u32 s10, $0x3  }
0xe: {  	s31 =	sshll.u32 s7, $0xB;
	s11 =	sand.u32 $0x380, s24;
	_ =	strace $0x80000053  }
0xf: {  	s25 =	sadd.s32 s10, s12;
	s12 =	sshrl.u32 s26, $0x2;
	s13 =	ssub.s32 s6, s28  }
0x10: {  	s6 =	sor.u32 $0x1C03, s30;
	s8 =	sadd.s32 s8, s31;
	s9 =	sor.u32 s9, s11  }
0x11: {  	s11 =	sshrl.u32 s25, $0x3;
	s12 =	sadd.s32 s12, s2;
	s9 =	sshrl.u32 s9, $0x3  }
0x12: {  	s10 =	smax.u32 s13, $0x1;
	s13 =	simm.s32 $0x80;
	s9 =	sadd.s32 s9, s5  }
0x13: {  	s11 =	sadd.s32 s11, s5;
	s5 =	sadd.s32 s4, s29;
	s7 =	sadd.s32 $0x6400, s9  }
0x14: {  	s9 =	sadd.s32 $0x38200, s11;
	s11 =	sshrl.u32 s12, $0x3;
	s12 =	simm.s32 $0x3  }
.LBB2_1:
0x15: {  	[spmem:s11], [sflag:s6] =	dma.local [hbm:s5], $0x2800  }
0x16: {  	_ =	swait.ge [sflag:s12], $0x2800  }
0x17: {  	[sflag:s12] =	ssyncset.done $0x0  }
0x18: {  	[sflag:s12] =	ssyncadd.s32 $0xFFFFD800  }
0x19: {  	[tilespmem:s15], [sflag:$0x3] =	stream.strided.gather [hbm4b:s7+s13], $0x2780, s14, s13, $0x38;
	[tilespmem:$0x1F780] =	vst v63  }
0x1a: {  	_ =	swait.ge [sflag:s12], $0x2780  }
0x1b: {  	[sflag:s12] =	ssyncset.done $0x0  }
0x1c: {  	[sflag:s12] =	ssyncadd.s32 $0xFFFFD880  }
0x1d: {  	[tilespmem:s16], [sflag:$0x3] =	stream.linear.gather [hbm4b:s8+s3], $0x3E80, $0x38;
	[tilespmem:$0x1F780] =	vst v63  }
0x1e: {  	_ =	swait.ge [sflag:s12], $0x3E80  }
0x1f: {  	[sflag:s12] =	ssyncset.done $0x0  }
0x20: {  	[sflag:s12] =	ssyncadd.s32 $0xFFFFC180  }
0x21: {  	[bflag:$0x0] =	sbarrier.arrive $0xFFFF  }
0x22: {  	[tilespmem:s18], [sflag:$0x1] =	stream.indirect.gather [hbm4b:s4+s17], $0x80, s15, s17, $0xb8;
	[tilespmem:$0x1F780] =	vst v63  }
0x23: {  	s24 =	simm.s32 $0x14050  }
0x24: {  	[tilespmem:s19], [sflag:$0x2] =	stream.indirect.gather [hbm4b:s4+s17], $0x80, s24, s17, $0xb8;
	[tilespmem:$0x1F780] =	vst v63  }
0x25: {  	_ =	swait.ge [sflag:s20], $0x2800  }
0x26: {  	[sflag:s20] =	ssyncset.done $0x0  }
0x27: {  	s29 =	simm.s32 $0x16780;
	[sflag:s20] =	ssyncadd.s32 $0xFFFFD800  }
0x28: {  	[spmem:s2] =	stream.indirect.scatter.add.f32 [tilespmem:s18], [sflag:$0x3], $0x80, s29, s17, $0xb8;
	[tilespmem:$0x1F780] =	vst v63  }
0x29: {  	_ =	swait.ge [sflag:s12], $0x2800  }
0x2a: {  	[sflag:s12] =	ssyncset.done $0x0  }
0x2b: {  	s30 =	simm.s32 $0x140A0;
	[sflag:s12] =	ssyncadd.s32 $0xFFFFD800  }
0x2c: {  	[tilespmem:s18], [sflag:$0x1] =	stream.indirect.gather [hbm4b:s4+s17], $0x80, s30, s17, $0xb8;
	[tilespmem:$0x1F780] =	vst v63  }
0x2d: {  	_ =	swait.ge [sflag:s21], $0x2800  }
0x2e: {  	[sflag:s21] =	ssyncset.done $0x0  }
0x2f: {  	s31 =	simm.s32 $0x16800;
	[sflag:s21] =	ssyncadd.s32 $0xFFFFD800  }
0x30: {  	[spmem:s2] =	stream.indirect.scatter.add.f32 [tilespmem:s19], [sflag:$0x3], $0x80, s31, s17, $0xb8;
	[tilespmem:$0x1F780] =	vst v63  }
0x31: {  	s25 =	simm.s32 $0x400;
	_ =	swait.ge [sflag:s12], $0x2800  }
0x32: {  	s26 =	simm.s32 $0x800;
	s24 =	simm.s32 $0x14140;
	[sflag:s12] =	ssyncset.done $0x0  }
.LBB2_2:
0x33: {  	p0 =	sne.s32 s26, $0xF400;
	s28 =	sadd.s32 $0xFFFFFFB0, s24;
	[sflag:s12] =	ssyncadd.s32 $0xFFFFD800  }
0x34: {  	[tilespmem:s19], [sflag:$0x2] =	stream.indirect.gather [hbm4b:s4+s17], $0x80, s28, s17, $0xb8;
	[tilespmem:$0x1F780] =	vst v63  }
0x35: {  	s28 =	smov.u32 s26;
	s26 =	sadd.s32 $0x400, s26;
	_ =	swait.ge [sflag:s20], $0x2800  }
0x36: {  	s29 =	sshra.s32 s25, $0x2;
	s25 =	smov.u32 s28;
	[sflag:s20] =	ssyncset.done $0x0  }
0x37: {  	s28 =	sadd.s32 $0x16780, s29;
	[sflag:s20] =	ssyncadd.s32 $0xFFFFD800  }
0x38: {  	[spmem:s2] =	stream.indirect.scatter.add.f32 [tilespmem:s18], [sflag:$0x3], $0x80, s28, s17, $0xb8;
	[tilespmem:$0x1F780] =	vst v63  }
0x39: {  	_ =	swait.ge [sflag:s12], $0x2800  }
0x3a: {  	[sflag:s12] =	ssyncset.done $0x0  }
0x3b: {  	[sflag:s12] =	ssyncadd.s32 $0xFFFFD800  }
0x3c: {  	[tilespmem:s18], [sflag:$0x1] =	stream.indirect.gather [hbm4b:s4+s17], $0x80, s24, s17, $0xb8;
	[tilespmem:$0x1F780] =	vst v63  }
0x3d: {  	_ =	swait.ge [sflag:s21], $0x2800  }
.Ltmp0:
0x3e: {  	[sflag:s21] =	ssyncset.done $0x0;
	(pc) =	sbr.rel @p0 .LBB2_2-.Ltmp0, $4  }
0x3f: {  	s28 =	sadd.s32 $0x16800, s29;
	[sflag:s21] =	ssyncadd.s32 $0xFFFFD800  }
0x40: {  	[spmem:s2] =	stream.indirect.scatter.add.f32 [tilespmem:s19], [sflag:$0x3], $0x80, s28, s17, $0xb8;
	[tilespmem:$0x1F780] =	vst v63  }
0x41: {  	_ =	swait.ge [sflag:s12], $0x2800  }
0x42: {  	s24 =	sadd.s32 $0xA0, s24;
	[sflag:s12] =	ssyncset.done $0x0  }
0x43: {  	s26 =	sadd.s32 $0xFFFFFFB0, s24;
	[sflag:s12] =	ssyncadd.s32 $0xFFFFD800  }
0x44: {  	[tilespmem:s19], [sflag:$0x2] =	stream.indirect.gather [hbm4b:s4+s17], $0x80, s26, s17, $0xb8;
	[tilespmem:$0x1F780] =	vst v63  }
0x45: {  	_ =	swait.ge [sflag:s20], $0x2800  }
0x46: {  	s25 =	sshra.s32 s25, $0x2;
	[sflag:s20] =	ssyncset.done $0x0  }
0x47: {  	s30 =	sadd.s32 $0x16780, s25;
	[sflag:s20] =	ssyncadd.s32 $0xFFFFD800  }
0x48: {  	[spmem:s2] =	stream.indirect.scatter.add.f32 [tilespmem:s18], [sflag:$0x3], $0x80, s30, s17, $0xb8;
	[tilespmem:$0x1F780] =	vst v63  }
0x49: {  	_ =	swait.ge [sflag:s12], $0x2800  }
0x4a: {  	[sflag:s12] =	ssyncset.done $0x0  }
0x4b: {  	[sflag:s12] =	ssyncadd.s32 $0xFFFFD800  }
0x4c: {  	[tilespmem:s18], [sflag:$0x1] =	stream.indirect.gather [hbm4b:s4+s17], $0x80, s24, s17, $0xb8;
	[tilespmem:$0x1F780] =	vst v63  }
0x4d: {  	_ =	swait.ge [sflag:s21], $0x2800  }
0x4e: {  	[sflag:s21] =	ssyncset.done $0x0  }
0x4f: {  	s31 =	sadd.s32 $0x16800, s25;
	[sflag:s21] =	ssyncadd.s32 $0xFFFFD800  }
0x50: {  	[spmem:s2] =	stream.indirect.scatter.add.f32 [tilespmem:s19], [sflag:$0x3], $0x80, s31, s17, $0xb8;
	[tilespmem:$0x1F780] =	vst v63  }
0x51: {  	_ =	swait.ge [sflag:s12], $0x2800  }
0x52: {  	[sflag:s12] =	ssyncset.done $0x0  }
0x53: {  	[sflag:s12] =	ssyncadd.s32 $0xFFFFD800  }
0x54: {  	_ =	swait.ge [sflag:s20], $0x2800  }
0x55: {  	[sflag:s20] =	ssyncset.done $0x0  }
0x56: {  	[sflag:s20] =	ssyncadd.s32 $0xFFFFD800  }
0x57: {  	[spmem:s2] =	stream.indirect.scatter.add.f32 [tilespmem:s18], [sflag:$0x3], $0x80, s22, s17, $0xb8;
	[tilespmem:$0x1F780] =	vst v63  }
0x58: {  	_ =	swait.ge [sflag:s12], $0x2800  }
0x59: {  	s23 =	sadd.s32 $0x1, s23;
	[sflag:s12] =	ssyncset.done $0x0  }
0x5a: {  	p0 =	sne.s32 s23, s10;
	[sflag:s12] =	ssyncadd.s32 $0xFFFFD800  }
.Ltmp1:
0x5b: {  	[bflag:$0x0] =	sbarrier.arrive $0xFFFF;
	(pc) =	sbr.rel @p0 .LBB2_1-.Ltmp1, $4  }
0x5c: {  	[hbm:s9], [sflag:s6] =	dma.local [spmem:s11], $0x2800  }
0x5d: {  	_ =	swait.ge [sflag:s12], $0x2800  }
0x5e: {  	[sflag:s12] =	ssyncset.done $0x0  }
0x5f: {  	[sflag:s12] =	ssyncadd.s32 $0xFFFFD800  }
0x60: {  	_ =	sfence.sel $0x180000  }
0x61: {  	[bflag:$0x0] =	sbarrier.arrive $0xFFFF  }
0x62: {  	p0 =	sne.s32 s0, $0x0;
	_ =	strace $0x90000053  }
0x63: {  	s0 =	sadd.s32 @!p0 $0x100000, s1;
	[bflag:$0x2] =	sbarrier.arrive $0xFFFF  }
0x64: {  	[sflag:s0] =	ssyncadd.tile.s32 @!p0 $0x1;
	_ =	shalt  }
.Lfunc_end2:
_tile_overlayer_lowered:
.L_overlay_start_2:
0x65: {  	(tag) =	ssettag $0x2  }
0x66: {  	s0 =	rddreg [dreg:$0x0];
	s2 =	stileid.u32  }
0x67: {  	s1 =	rddreg [dreg:$0x1];
	p0 =	sne.s32 s2, $0x0  }
0x68: {  	s3 =	rddreg [dreg:$0x2];
	[bflag:$0x3] =	sbarrier.arrive $0xFFFF;
	s2 =	simm.s32 @!p0 $0x1C03  }
0x69: {  	[timem:s3], [sflag:s2] =	dma.local @!p0 [hbm:s0], s1  }
0x6a: {  	s0 =	simm.s32 @!p0 $0x3  }
0x6b: {  	_ =	swait.ge @!p0 [sflag:s0], s1  }
0x6c: {  	s1 =	ssub.s32 @!p0 $0x0, s1;
	[sflag:s0] =	ssyncset.done @!p0 $0x0  }
0x6d: {  	[sflag:s0] =	ssyncadd.s32 @!p0 s1  }
0x6e: {  	[bflag:$0x3] =	sbarrier.arrive $0xFFFF  }
0x6f: {  	_ =	shalt  }

</sc_bundles>
